<compile_context>
chip_gen: v7x
topology: tpu7x:2x2x1
jax: 0.10.2.dev20260603
libtpu: 0.0.44.dev20260713+nightly
codegen_flags: <defaults>
</compile_context>

<pallas_src>
import functools

import jax
import jax.numpy as jnp
from jax import lax
from jax.experimental import pallas as pl
from jax.experimental.pallas import tpu as pltpu
from jax.experimental.pallas import tpu_sc as plsc

N = 10000
E = 320000
DH = 128
DE = 16
NC = 2
NS = 16
NW = NC * NS
EPT = E // NW
CH = 80
NCHUNK = EPT // CH
ROWS_SLAB = 1000
NSLAB = N // ROWS_SLAB
STG = 200
NPIECE = ROWS_SLAB // STG
BE = 2000


def _sc_mesh():
    return plsc.VectorSubcoreMesh(
        core_axis_name="c", subcore_axis_name="s",
        num_cores=NC, num_subcores=NS)


def _sc_pass_body(*refs):
    (stream_hbm, table_hbm, src_hbm, dst_hbm, z128_hbm,
     g_out, mail_out,
     sidx_v, didx_v, in_v, rows_v, stage_v,
     mail_sh, sem) = refs

    c = lax.axis_index("c")
    s = lax.axis_index("s")
    wid = s * NC + c
    base = wid * EPT

    @pl.when(s < NSLAB)
    def _():
        pltpu.sync_copy(z128_hbm, stage_v)
        row0 = s * ROWS_SLAB
        for j in range(NPIECE):
            pltpu.sync_copy(stage_v, mail_sh.at[pl.ds(row0 + j * STG, STG)])
    plsc.subcore_barrier()

    def chunk_body(i, carry):
        off = base + i * CH
        pltpu.sync_copy(src_hbm.at[pl.ds(off, CH)], sidx_v)
        pltpu.sync_copy(dst_hbm.at[pl.ds(off, CH)], didx_v)
        pltpu.sync_copy(stream_hbm.at[pl.ds(off, CH)], in_v)
        pltpu.async_copy(table_hbm.at[sidx_v], rows_v, sem).wait()

        pltpu.sync_copy(rows_v, g_out.at[pl.ds(off, CH)])
        pltpu.sync_copy(rows_v, mail_sh.at[didx_v], add=True)
        pltpu.sync_copy(in_v, mail_sh.at[didx_v], add=True)
        return carry
    lax.fori_loop(0, NCHUNK, chunk_body, 0)

    plsc.subcore_barrier()

    @pl.when(s < NSLAB)
    def _():
        row0 = s * ROWS_SLAB
        for j in range(NPIECE):
            pltpu.sync_copy(mail_sh.at[pl.ds(row0 + j * STG, STG)], stage_v)
            pltpu.sync_copy(
                stage_v, mail_out.at[pl.ds(c * N + row0 + j * STG, STG)])


def _sc_deg_body(*refs):
    (src_hbm, z128_hbm, ones_hbm, deg_out,
     sidx_v, ones_v, stage_v, deg_sh) = refs

    c = lax.axis_index("c")
    s = lax.axis_index("s")
    wid = s * NC + c
    base = wid * EPT

    @pl.when(s < NSLAB)
    def _():
        pltpu.sync_copy(z128_hbm, stage_v)
        row0 = s * ROWS_SLAB
        for j in range(NPIECE):
            pltpu.sync_copy(stage_v,
                            deg_sh.at[pl.ds(row0 + j * STG, STG)])
    pltpu.sync_copy(ones_hbm, ones_v)
    plsc.subcore_barrier()

    def chunk_body(i, carry):
        off = base + i * CH
        pltpu.sync_copy(src_hbm.at[pl.ds(off, CH)], sidx_v)
        pltpu.sync_copy(ones_v, deg_sh.at[sidx_v], add=True)
        return carry
    lax.fori_loop(0, NCHUNK, chunk_body, 0)

    plsc.subcore_barrier()

    @pl.when(s < NSLAB)
    def _():
        row0 = s * ROWS_SLAB
        for j in range(NPIECE):
            pltpu.sync_copy(deg_sh.at[pl.ds(row0 + j * STG, STG)],
                            stage_v)
            pltpu.sync_copy(
                stage_v,
                deg_out.at[pl.ds(c * N + row0 + j * STG, STG)])


def _make_sc_deg():
    return pl.kernel(
        _sc_deg_body,
        out_type=[jax.ShapeDtypeStruct((NC * N, DH), jnp.float32)],
        mesh=_sc_mesh(),
        scratch_types=[
            pltpu.VMEM((CH,), jnp.int32),
            pltpu.VMEM((CH, DH), jnp.float32),
            pltpu.VMEM((STG, DH), jnp.float32),
            pltpu.VMEM_SHARED((N, DH), jnp.float32),
        ],
    )


def _make_sc_pass():
    out_type = [
        jax.ShapeDtypeStruct((E, DH), jnp.float32),
        jax.ShapeDtypeStruct((NC * N, DH), jnp.float32),
    ]
    scratch = [
        pltpu.VMEM((CH,), jnp.int32),
        pltpu.VMEM((CH,), jnp.int32),
        pltpu.VMEM((CH, DH), jnp.float32),
        pltpu.VMEM((CH, DH), jnp.float32),
        pltpu.VMEM((STG, DH), jnp.float32),
        pltpu.VMEM_SHARED((N, DH), jnp.float32),
        pltpu.SemaphoreType.DMA,
    ]
    return pl.kernel(
        _sc_pass_body,
        out_type=out_type,
        mesh=_sc_mesh(),
        scratch_types=scratch,
    )


def _tc0_body(e_ref, n_ref, wie_ref, win_ref, q_ref, p_ref, sn_ref):
    i = pl.program_id(0)
    q_ref[...] = jnp.dot(e_ref[...], wie_ref[...],
                         preferred_element_type=jnp.float32)

    @pl.when(i == 0)
    def _():
        p_ref[...] = jnp.dot(n_ref[...], win_ref[...],
                             preferred_element_type=jnp.float32)
        sn_ref[...] = jnp.sum(n_ref[...], axis=0, keepdims=True)


def _tc1_body(g_ref, q_ref, mail_ref, w_ref,
              h0_ref, c_ref, a_ref, sh_ref, acc_ref):
    i = pl.program_id(0)
    nb = pl.num_programs(0)
    h0 = g_ref[...] + q_ref[...]
    h0_ref[...] = h0
    c_ref[...] = h0 - jnp.dot(h0, w_ref[...],
                              preferred_element_type=jnp.float32)
    part = jnp.sum(h0, axis=0, keepdims=True)

    @pl.when(i == 0)
    def _():
        acc_ref[...] = part
        m = mail_ref[0] + mail_ref[1]
        a_ref[...] = jnp.dot(m, w_ref[...], preferred_element_type=jnp.float32)

    @pl.when(i > 0)
    def _():
        acc_ref[...] = acc_ref[...] + part

    @pl.when(i == nb - 1)
    def _():
        sh_ref[...] = acc_ref[...]


def _tc2_body(g_ref, cp_ref, h0_ref, mail_ref, w_ref, c_ref, a_ref):
    i = pl.program_id(0)
    h = g_ref[...] + cp_ref[...]
    c_ref[...] = h0_ref[...] - jnp.dot(h, w_ref[...],
                                       preferred_element_type=jnp.float32)

    @pl.when(i == 0)
    def _():
        m = mail_ref[0] + mail_ref[1]
        a_ref[...] = jnp.dot(m, w_ref[...], preferred_element_type=jnp.float32)


def _tc3_body(g_ref, cp_ref, mail_ref, deg_ref, w2_ref, wout_ref,
              wfull_ref, mol_ref, sn_ref, sh0_ref, out_ref, acc_ref):
    i = pl.program_id(0)
    nb = pl.num_programs(0)
    h2 = g_ref[...] + cp_ref[...]
    part = jnp.sum(h2, axis=0, keepdims=True)

    @pl.when(i == 0)
    def _():
        acc_ref[...] = part

    @pl.when(i > 0)
    def _():
        acc_ref[...] = acc_ref[...] + part

    @pl.when(i == nb - 1)
    def _():
        m = mail_ref[0] + mail_ref[1]
        a2 = jnp.dot(m, w2_ref[...], preferred_element_type=jnp.float32)
        dfull = deg_ref[...]
        d = dfull[:N] + dfull[N:]
        s_a = jnp.sum(d * a2, axis=0, keepdims=True)
        s_h3 = s_a + sh0_ref[...] - jnp.dot(
            acc_ref[...], w2_ref[...], preferred_element_type=jnp.float32)
        dgl = (jnp.dot(sn_ref[...], wout_ref[:DH],
                       preferred_element_type=jnp.float32)
               + jnp.dot(s_h3, wout_ref[DH:],
                         preferred_element_type=jnp.float32))
        out_ref[...] = (jnp.dot(dgl, wfull_ref[:DH],
                                preferred_element_type=jnp.float32)
                        + jnp.dot(mol_ref[...], wfull_ref[DH:],
                                  preferred_element_type=jnp.float32))


def _tc0(e_input, n_input, wie, win):
    grid = (E // BE,)
    return pl.pallas_call(
        _tc0_body,
        grid=grid,
        in_specs=[
            pl.BlockSpec((BE, DE), lambda i: (i, 0)),
            pl.BlockSpec((N, DH), lambda i: (0, 0)),
            pl.BlockSpec((DE, DH), lambda i: (0, 0)),
            pl.BlockSpec((DH, DH), lambda i: (0, 0)),
        ],
        out_specs=[
            pl.BlockSpec((BE, DH), lambda i: (i, 0)),
            pl.BlockSpec((N, DH), lambda i: (0, 0)),
            pl.BlockSpec((1, DH), lambda i: (0, 0)),
        ],
        out_shape=[
            jax.ShapeDtypeStruct((E, DH), jnp.float32),
            jax.ShapeDtypeStruct((N, DH), jnp.float32),
            jax.ShapeDtypeStruct((1, DH), jnp.float32),
        ],
    )(e_input, n_input, wie, win)


def _tc1(g0, q, mail, w):
    grid = (E // BE,)
    return pl.pallas_call(
        _tc1_body,
        grid=grid,
        in_specs=[
            pl.BlockSpec((BE, DH), lambda i: (i, 0)),
            pl.BlockSpec((BE, DH), lambda i: (i, 0)),
            pl.BlockSpec((NC, N, DH), lambda i: (0, 0, 0)),
            pl.BlockSpec((DH, DH), lambda i: (0, 0)),
        ],
        out_specs=[
            pl.BlockSpec((BE, DH), lambda i: (i, 0)),
            pl.BlockSpec((BE, DH), lambda i: (i, 0)),
            pl.BlockSpec((N, DH), lambda i: (0, 0)),
            pl.BlockSpec((1, DH), lambda i: (0, 0)),
        ],
        out_shape=[
            jax.ShapeDtypeStruct((E, DH), jnp.float32),
            jax.ShapeDtypeStruct((E, DH), jnp.float32),
            jax.ShapeDtypeStruct((N, DH), jnp.float32),
            jax.ShapeDtypeStruct((1, DH), jnp.float32),
        ],
        scratch_shapes=[pltpu.VMEM((1, DH), jnp.float32)],
    )(g0, q, mail, w)


def _tc2(g1, c0, h0, mail, w):
    grid = (E // BE,)
    return pl.pallas_call(
        _tc2_body,
        grid=grid,
        in_specs=[
            pl.BlockSpec((BE, DH), lambda i: (i, 0)),
            pl.BlockSpec((BE, DH), lambda i: (i, 0)),
            pl.BlockSpec((BE, DH), lambda i: (i, 0)),
            pl.BlockSpec((NC, N, DH), lambda i: (0, 0, 0)),
            pl.BlockSpec((DH, DH), lambda i: (0, 0)),
        ],
        out_specs=[
            pl.BlockSpec((BE, DH), lambda i: (i, 0)),
            pl.BlockSpec((N, DH), lambda i: (0, 0)),
        ],
        out_shape=[
            jax.ShapeDtypeStruct((E, DH), jnp.float32),
            jax.ShapeDtypeStruct((N, DH), jnp.float32),
        ],
    )(g1, c0, h0, mail, w)


def _tc3(g2, c1, mail, deg, w2, wout, wfull, mol, sn, sh0):
    grid = (E // BE,)
    return pl.pallas_call(
        _tc3_body,
        grid=grid,
        in_specs=[
            pl.BlockSpec((BE, DH), lambda i: (i, 0)),
            pl.BlockSpec((BE, DH), lambda i: (i, 0)),
            pl.BlockSpec((NC, N, DH), lambda i: (0, 0, 0)),
            pl.BlockSpec((NC * N, DH), lambda i: (0, 0)),
            pl.BlockSpec((DH, DH), lambda i: (0, 0)),
            pl.BlockSpec((2 * DH, DH), lambda i: (0, 0)),
            pl.BlockSpec((2 * DH, 1), lambda i: (0, 0)),
            pl.BlockSpec((1, DH), lambda i: (0, 0)),
            pl.BlockSpec((1, DH), lambda i: (0, 0)),
            pl.BlockSpec((1, DH), lambda i: (0, 0)),
        ],
        out_specs=pl.BlockSpec((1, 1), lambda i: (0, 0)),
        out_shape=jax.ShapeDtypeStruct((1, 1), jnp.float32),
        scratch_shapes=[pltpu.VMEM((1, DH), jnp.float32)],
    )(g2, c1, mail, deg, w2, wout, wfull, mol, sn, sh0)


_make_sc_pass = functools.lru_cache(maxsize=None)(_make_sc_pass)
_make_sc_deg = functools.lru_cache(maxsize=None)(_make_sc_deg)


def kernel(n_input, e_input, mol_feat, W_init, W_h2h, W_out, W_full,
           edge_index):
    src = edge_index[0]
    dst = edge_index[1]
    z128 = jnp.zeros((STG, DH), jnp.float32)
    ones128 = jnp.ones((CH, DH), jnp.float32)

    sc_pass = _make_sc_pass()
    sc_deg = _make_sc_deg()
    q, p, sn = _tc0(e_input, n_input, W_init[:DE], W_init[DE:])
    deg = sc_deg(src, z128, ones128)[0]
    g0, mail0 = sc_pass(q, p, src, dst, z128)
    mail0 = mail0.reshape(NC, N, DH)
    h0, c0, a0, sh0 = _tc1(g0, q, mail0, W_h2h[0])
    g1, mail1 = sc_pass(c0, a0, src, dst, z128)
    mail1 = mail1.reshape(NC, N, DH)
    c1, a1 = _tc2(g1, c0, h0, mail1, W_h2h[1])
    g2, mail2 = sc_pass(c1, a1, src, dst, z128)
    mail2 = mail2.reshape(NC, N, DH)
    res = _tc3(g2, c1, mail2, deg, W_h2h[2], W_out, W_full,
               mol_feat.reshape(1, DH), sn, sh0)
    return res.reshape(())

# --- scband reference (transcript-rebuilt; emitter-appended) ---
"""Pipeline reference for scband-main-model-19542101197175 (READ-ONLY COPY).

The authoritative reference and input builder live on the scoring server;
editing this copy changes nothing except your own understanding.
"""

import jax, jax.numpy as jnp
import numpy as np

N = 10000
E = 320000
D_ATOM = 128
D_EDGE = 16
D_HID = 128
L = 3
D_MOL = 128


def setup_inputs(seed: int = 0) -> dict:
    key = jax.random.key(seed)
    ks = jax.random.split(key, 8)
    n_input = jax.random.normal(ks[0], (N, D_ATOM), dtype=jnp.float32)
    e_input = jax.random.normal(ks[1], (E, D_EDGE), dtype=jnp.float32)
    mol_feat = jax.random.normal(ks[2], (D_MOL,), dtype=jnp.float32)
    edge_index = jax.random.randint(ks[3], (2, E), 0, N, dtype=jnp.int32)
    # Learned parameters (torch.rand init, scaled to keep deep message passing numerically sane)
    W_init = jax.random.uniform(ks[4], (D_ATOM + D_EDGE, D_HID), dtype=jnp.float32) * 0.01
    W_h2h = jax.random.uniform(ks[5], (L, D_HID, D_HID), dtype=jnp.float32) * 0.01
    W_out = jax.random.uniform(ks[6], (D_ATOM + D_HID, D_HID), dtype=jnp.float32) * 0.01
    W_full = jax.random.uniform(ks[7], (D_MOL + D_HID, 1), dtype=jnp.float32) * 0.01
    return {"n_input": n_input, "e_input": e_input, "mol_feat": mol_feat,
            "W_init": W_init, "W_h2h": W_h2h, "W_out": W_out, "W_full": W_full,
            "edge_index": edge_index}


def reference(n_input, e_input, mol_feat, W_init, W_h2h, W_out, W_full, edge_index):
    src = edge_index[0]
    dst = edge_index[1]
    # EdgeFeatInit: per-edge cat(e_input, n_input[src]) @ W_init -> init == hidden
    edge_cat = jnp.concatenate([e_input, n_input[src]], axis=-1)
    init = edge_cat @ W_init
    hidden = init
    # DMPNN layers
    for l in range(W_h2h.shape[0]):
        # update_all: mail[dst] = sum of incoming edge hidden
        mail = jax.ops.segment_sum(hidden, dst, num_segments=N)
        # apply_edges: hidden = (mail[src] - hidden) @ W + init
        pseud = mail[src] - hidden
        hidden = pseud @ W_h2h[l] + init
    # ReadOut: out_sum[dst] = sum incoming hidden; node update cat(n_input, out_sum) @ W_out
    out_sum = jax.ops.segment_sum(hidden, dst, num_segments=N)
    node_cat = jnp.concatenate([n_input, out_sum], axis=-1)
    feat_final = node_cat @ W_out
    dgl_feat = jnp.sum(feat_final, axis=0)
    # FeatFusion + FullConn
    fusion = jnp.concatenate([dgl_feat, mol_feat], axis=-1).reshape(1, -1)
    result = jnp.squeeze(fusion @ W_full)
    return result

if __name__ == "__main__":
    import jax
    _d = setup_inputs()
    print(jax.jit(kernel)(*tuple(_d.values())))

</pallas_src>

<mosaic_0001>
#map = affine_map<(d0, d1) -> (0, 0)>
#map1 = affine_map<(d0, d1) -> (0)>
module attributes {stable_mosaic.version = 14 : i64} {
  func.func @_sc_pass_body(%arg0: i32, %arg1: i32, %arg2: memref<320000x128xf32, #tpu.memory_space<hbm>>, %arg3: memref<10000x128xf32, #tpu.memory_space<hbm>>, %arg4: memref<320000xi32, #tpu.memory_space<hbm>>, %arg5: memref<320000xi32, #tpu.memory_space<hbm>>, %arg6: memref<200x128xf32, #tpu.memory_space<hbm>>, %arg7: memref<320000x128xf32, #tpu.memory_space<hbm>>, %arg8: memref<20000x128xf32, #tpu.memory_space<hbm>>, %arg9: memref<80xi32, #tpu.memory_space<vmem>>, %arg10: memref<80xi32, #tpu.memory_space<vmem>>, %arg11: memref<80x128xf32, #tpu.memory_space<vmem>>, %arg12: memref<80x128xf32, #tpu.memory_space<vmem>>, %arg13: memref<200x128xf32, #tpu.memory_space<vmem>>, %arg14: memref<10000x128xf32, #tpu.memory_space<vmem_shared>>, %arg15: memref<!tpu.dma_semaphore, #tpu.memory_space<semaphore_mem>>) attributes {dimension_semantics = [#tpu.dimension_semantics<core_parallel>, #tpu.dimension_semantics<subcore_parallel>], iteration_bounds = array<i64: 2, 16>, scalar_prefetch = 0 : i64, scratch_operands = 7 : i64, tpu.core_type = #tpu.core_type<sc_vector_subcore>, window_params = [{transform_indices = #map}, {transform_indices = #map}, {transform_indices = #map1}, {transform_indices = #map1}, {transform_indices = #map}, {transform_indices = #map}, {transform_indices = #map}]} {
    %mul3A = arith.constant 2 : i32
    %mul3A_0 = arith.muli %arg1, %mul3A : i32
    %add3A = arith.addi %mul3A_0, %arg0 : i32
    %mul3A_1 = arith.constant 10000 : i32
    %mul3A_2 = arith.muli %add3A, %mul3A_1 : i32
    %lt3A = arith.constant 10 : i32
    %lt3A_3 = arith.cmpi slt, %arg1, %lt3A : i32
    %convert_element_type3A = arith.extui %lt3A_3 : i1 to i32
    %cond3A = arith.constant 0 : i32
    %cond3A_4 = arith.cmpi ne, %convert_element_type3A, %cond3A : i32
    scf.if %cond3A_4 {
      "tpu.region"() ({
        %run_scoped3A = tpu.sem_alloc : memref<!tpu.dma_semaphore, #tpu.memory_space<semaphore_mem>>
        tpu.enqueue_dma source(%arg6 : memref<200x128xf32, #tpu.memory_space<hbm>>) target(%arg13 : memref<200x128xf32, #tpu.memory_space<vmem>>) target_semaphore(%run_scoped3A : memref<!tpu.dma_semaphore, #tpu.memory_space<semaphore_mem>>)
        tpu.wait_dma2 semaphore(%run_scoped3A : memref<!tpu.dma_semaphore, #tpu.memory_space<semaphore_mem>>) src(%arg6 : memref<200x128xf32, #tpu.memory_space<hbm>>) dst(%arg13 : memref<200x128xf32, #tpu.memory_space<vmem>>)
        tpu.yield
      }) : () -> ()
      %mul3A_16 = arith.constant 1000 : i32
      %mul3A_17 = arith.muli %arg1, %mul3A_16 : i32
      %add3A_18 = arith.constant 0 : i32
      %add3A_19 = arith.addi %mul3A_17, %add3A_18 : i32
      "tpu.region"() ({
        %run_scoped3A = tpu.sem_alloc : memref<!tpu.dma_semaphore, #tpu.memory_space<semaphore_mem>>
        %dma_start3A = arith.constant 0 : i32
        %dma_start3A_28 = tpu.memref_slice %arg14[%add3A_19, %dma_start3A] : memref<10000x128xf32, #tpu.memory_space<vmem_shared>> -> memref<200x128xf32, #tpu.memory_space<vmem_shared>>
        %dma_start3A_29 = arith.constant 0 : i32
        %dma_start3A_30 = tpu.memref_slice %arg14[%add3A_19, %dma_start3A_29] : memref<10000x128xf32, #tpu.memory_space<vmem_shared>> -> memref<200x128xf32, #tpu.memory_space<vmem_shared>>
        tpu.enqueue_dma source(%arg13 : memref<200x128xf32, #tpu.memory_space<vmem>>) target(%dma_start3A_30 : memref<200x128xf32, #tpu.memory_space<vmem_shared>>) target_semaphore(%run_scoped3A : memref<!tpu.dma_semaphore, #tpu.memory_space<semaphore_mem>>)
        %dma_wait3A = arith.constant 0 : i32
        %dma_wait3A_31 = tpu.memref_slice %arg14[%add3A_19, %dma_wait3A] : memref<10000x128xf32, #tpu.memory_space<vmem_shared>> -> memref<200x128xf32, #tpu.memory_space<vmem_shared>>
        %dma_wait3A_32 = arith.constant 0 : i32
        %dma_wait3A_33 = tpu.memref_slice %arg14[%add3A_19, %dma_wait3A_32] : memref<10000x128xf32, #tpu.memory_space<vmem_shared>> -> memref<200x128xf32, #tpu.memory_space<vmem_shared>>
        tpu.wait_dma2 semaphore(%run_scoped3A : memref<!tpu.dma_semaphore, #tpu.memory_space<semaphore_mem>>) src(%arg13 : memref<200x128xf32, #tpu.memory_space<vmem>>) dst(%dma_wait3A_33 : memref<200x128xf32, #tpu.memory_space<vmem_shared>>)
        tpu.yield
      }) : () -> ()
      %add3A_20 = arith.constant 200 : i32
      %add3A_21 = arith.addi %mul3A_17, %add3A_20 : i32
      "tpu.region"() ({
        %run_scoped3A = tpu.sem_alloc : memref<!tpu.dma_semaphore, #tpu.memory_space<semaphore_mem>>
        %dma_start3A = arith.constant 0 : i32
        %dma_start3A_28 = tpu.memref_slice %arg14[%add3A_21, %dma_start3A] : memref<10000x128xf32, #tpu.memory_space<vmem_shared>> -> memref<200x128xf32, #tpu.memory_space<vmem_shared>>
        %dma_start3A_29 = arith.constant 0 : i32
        %dma_start3A_30 = tpu.memref_slice %arg14[%add3A_21, %dma_start3A_29] : memref<10000x128xf32, #tpu.memory_space<vmem_shared>> -> memref<200x128xf32, #tpu.memory_space<vmem_shared>>
        tpu.enqueue_dma source(%arg13 : memref<200x128xf32, #tpu.memory_space<vmem>>) target(%dma_start3A_30 : memref<200x128xf32, #tpu.memory_space<vmem_shared>>) target_semaphore(%run_scoped3A : memref<!tpu.dma_semaphore, #tpu.memory_space<semaphore_mem>>)
        %dma_wait3A = arith.constant 0 : i32
        %dma_wait3A_31 = tpu.memref_slice %arg14[%add3A_21, %dma_wait3A] : memref<10000x128xf32, #tpu.memory_space<vmem_shared>> -> memref<200x128xf32, #tpu.memory_space<vmem_shared>>
        %dma_wait3A_32 = arith.constant 0 : i32
        %dma_wait3A_33 = tpu.memref_slice %arg14[%add3A_21, %dma_wait3A_32] : memref<10000x128xf32, #tpu.memory_space<vmem_shared>> -> memref<200x128xf32, #tpu.memory_space<vmem_shared>>
        tpu.wait_dma2 semaphore(%run_scoped3A : memref<!tpu.dma_semaphore, #tpu.memory_space<semaphore_mem>>) src(%arg13 : memref<200x128xf32, #tpu.memory_space<vmem>>) dst(%dma_wait3A_33 : memref<200x128xf32, #tpu.memory_space<vmem_shared>>)
        tpu.yield
      }) : () -> ()
      %add3A_22 = arith.constant 400 : i32
      %add3A_23 = arith.addi %mul3A_17, %add3A_22 : i32
      "tpu.region"() ({
        %run_scoped3A = tpu.sem_alloc : memref<!tpu.dma_semaphore, #tpu.memory_space<semaphore_mem>>
        %dma_start3A = arith.constant 0 : i32
        %dma_start3A_28 = tpu.memref_slice %arg14[%add3A_23, %dma_start3A] : memref<10000x128xf32, #tpu.memory_space<vmem_shared>> -> memref<200x128xf32, #tpu.memory_space<vmem_shared>>
        %dma_start3A_29 = arith.constant 0 : i32
        %dma_start3A_30 = tpu.memref_slice %arg14[%add3A_23, %dma_start3A_29] : memref<10000x128xf32, #tpu.memory_space<vmem_shared>> -> memref<200x128xf32, #tpu.memory_space<vmem_shared>>
        tpu.enqueue_dma source(%arg13 : memref<200x128xf32, #tpu.memory_space<vmem>>) target(%dma_start3A_30 : memref<200x128xf32, #tpu.memory_space<vmem_shared>>) target_semaphore(%run_scoped3A : memref<!tpu.dma_semaphore, #tpu.memory_space<semaphore_mem>>)
        %dma_wait3A = arith.constant 0 : i32
        %dma_wait3A_31 = tpu.memref_slice %arg14[%add3A_23, %dma_wait3A] : memref<10000x128xf32, #tpu.memory_space<vmem_shared>> -> memref<200x128xf32, #tpu.memory_space<vmem_shared>>
        %dma_wait3A_32 = arith.constant 0 : i32
        %dma_wait3A_33 = tpu.memref_slice %arg14[%add3A_23, %dma_wait3A_32] : memref<10000x128xf32, #tpu.memory_space<vmem_shared>> -> memref<200x128xf32, #tpu.memory_space<vmem_shared>>
        tpu.wait_dma2 semaphore(%run_scoped3A : memref<!tpu.dma_semaphore, #tpu.memory_space<semaphore_mem>>) src(%arg13 : memref<200x128xf32, #tpu.memory_space<vmem>>) dst(%dma_wait3A_33 : memref<200x128xf32, #tpu.memory_space<vmem_shared>>)
        tpu.yield
      }) : () -> ()
      %add3A_24 = arith.constant 600 : i32
      %add3A_25 = arith.addi %mul3A_17, %add3A_24 : i32
      "tpu.region"() ({
        %run_scoped3A = tpu.sem_alloc : memref<!tpu.dma_semaphore, #tpu.memory_space<semaphore_mem>>
        %dma_start3A = arith.constant 0 : i32
        %dma_start3A_28 = tpu.memref_slice %arg14[%add3A_25, %dma_start3A] : memref<10000x128xf32, #tpu.memory_space<vmem_shared>> -> memref<200x128xf32, #tpu.memory_space<vmem_shared>>
        %dma_start3A_29 = arith.constant 0 : i32
        %dma_start3A_30 = tpu.memref_slice %arg14[%add3A_25, %dma_start3A_29] : memref<10000x128xf32, #tpu.memory_space<vmem_shared>> -> memref<200x128xf32, #tpu.memory_space<vmem_shared>>
        tpu.enqueue_dma source(%arg13 : memref<200x128xf32, #tpu.memory_space<vmem>>) target(%dma_start3A_30 : memref<200x128xf32, #tpu.memory_space<vmem_shared>>) target_semaphore(%run_scoped3A : memref<!tpu.dma_semaphore, #tpu.memory_space<semaphore_mem>>)
        %dma_wait3A = arith.constant 0 : i32
        %dma_wait3A_31 = tpu.memref_slice %arg14[%add3A_25, %dma_wait3A] : memref<10000x128xf32, #tpu.memory_space<vmem_shared>> -> memref<200x128xf32, #tpu.memory_space<vmem_shared>>
        %dma_wait3A_32 = arith.constant 0 : i32
        %dma_wait3A_33 = tpu.memref_slice %arg14[%add3A_25, %dma_wait3A_32] : memref<10000x128xf32, #tpu.memory_space<vmem_shared>> -> memref<200x128xf32, #tpu.memory_space<vmem_shared>>
        tpu.wait_dma2 semaphore(%run_scoped3A : memref<!tpu.dma_semaphore, #tpu.memory_space<semaphore_mem>>) src(%arg13 : memref<200x128xf32, #tpu.memory_space<vmem>>) dst(%dma_wait3A_33 : memref<200x128xf32, #tpu.memory_space<vmem_shared>>)
        tpu.yield
      }) : () -> ()
      %add3A_26 = arith.constant 800 : i32
      %add3A_27 = arith.addi %mul3A_17, %add3A_26 : i32
      "tpu.region"() ({
        %run_scoped3A = tpu.sem_alloc : memref<!tpu.dma_semaphore, #tpu.memory_space<semaphore_mem>>
        %dma_start3A = arith.constant 0 : i32
        %dma_start3A_28 = tpu.memref_slice %arg14[%add3A_27, %dma_start3A] : memref<10000x128xf32, #tpu.memory_space<vmem_shared>> -> memref<200x128xf32, #tpu.memory_space<vmem_shared>>
        %dma_start3A_29 = arith.constant 0 : i32
        %dma_start3A_30 = tpu.memref_slice %arg14[%add3A_27, %dma_start3A_29] : memref<10000x128xf32, #tpu.memory_space<vmem_shared>> -> memref<200x128xf32, #tpu.memory_space<vmem_shared>>
        tpu.enqueue_dma source(%arg13 : memref<200x128xf32, #tpu.memory_space<vmem>>) target(%dma_start3A_30 : memref<200x128xf32, #tpu.memory_space<vmem_shared>>) target_semaphore(%run_scoped3A : memref<!tpu.dma_semaphore, #tpu.memory_space<semaphore_mem>>)
        %dma_wait3A = arith.constant 0 : i32
        %dma_wait3A_31 = tpu.memref_slice %arg14[%add3A_27, %dma_wait3A] : memref<10000x128xf32, #tpu.memory_space<vmem_shared>> -> memref<200x128xf32, #tpu.memory_space<vmem_shared>>
        %dma_wait3A_32 = arith.constant 0 : i32
        %dma_wait3A_33 = tpu.memref_slice %arg14[%add3A_27, %dma_wait3A_32] : memref<10000x128xf32, #tpu.memory_space<vmem_shared>> -> memref<200x128xf32, #tpu.memory_space<vmem_shared>>
        tpu.wait_dma2 semaphore(%run_scoped3A : memref<!tpu.dma_semaphore, #tpu.memory_space<semaphore_mem>>) src(%arg13 : memref<200x128xf32, #tpu.memory_space<vmem>>) dst(%dma_wait3A_33 : memref<200x128xf32, #tpu.memory_space<vmem_shared>>)
        tpu.yield
      }) : () -> ()
    } else {
    }
    %barrier3A = arith.constant 0 : index
    tpu.barrier barrier_id(%barrier3A)
    %scan3A = arith.constant 0 : i32
    %scan3A_5 = arith.constant 0 : i32
    %scan3A_6 = arith.constant 125 : i32
    %scan3A_7 = arith.addi %scan3A_5, %scan3A_6 : i32
    %scan3A_8 = arith.constant 1 : i32
    scf.for %scan3A_16 = %scan3A_5 to %scan3A_7 step %scan3A_8  : i32 {
      %mul3A_17 = arith.constant 80 : i32
      %mul3A_18 = arith.muli %scan3A_16, %mul3A_17 : i32
      %add3A_19 = arith.addi %mul3A_2, %mul3A_18 : i32
      "tpu.region"() ({
        %run_scoped3A = tpu.sem_alloc : memref<!tpu.dma_semaphore, #tpu.memory_space<semaphore_mem>>
        %dma_start3A_24 = tpu.memref_slice %arg4[%add3A_19] : memref<320000xi32, #tpu.memory_space<hbm>> -> memref<80xi32, #tpu.memory_space<hbm>>
        %dma_start3A_25 = tpu.memref_slice %arg4[%add3A_19] : memref<320000xi32, #tpu.memory_space<hbm>> -> memref<80xi32, #tpu.memory_space<hbm>>
        tpu.enqueue_dma source(%dma_start3A_25 : memref<80xi32, #tpu.memory_space<hbm>>) target(%arg9 : memref<80xi32, #tpu.memory_space<vmem>>) target_semaphore(%run_scoped3A : memref<!tpu.dma_semaphore, #tpu.memory_space<semaphore_mem>>)
        %dma_wait3A_26 = tpu.memref_slice %arg4[%add3A_19] : memref<320000xi32, #tpu.memory_space<hbm>> -> memref<80xi32, #tpu.memory_space<hbm>>
        %dma_wait3A_27 = tpu.memref_slice %arg4[%add3A_19] : memref<320000xi32, #tpu.memory_space<hbm>> -> memref<80xi32, #tpu.memory_space<hbm>>
        tpu.wait_dma2 semaphore(%run_scoped3A : memref<!tpu.dma_semaphore, #tpu.memory_space<semaphore_mem>>) src(%dma_wait3A_27 : memref<80xi32, #tpu.memory_space<hbm>>) dst(%arg9 : memref<80xi32, #tpu.memory_space<vmem>>)
        tpu.yield
      }) : () -> ()
      "tpu.region"() ({
        %run_scoped3A = tpu.sem_alloc : memref<!tpu.dma_semaphore, #tpu.memory_space<semaphore_mem>>
        %dma_start3A_24 = tpu.memref_slice %arg5[%add3A_19] : memref<320000xi32, #tpu.memory_space<hbm>> -> memref<80xi32, #tpu.memory_space<hbm>>
        %dma_start3A_25 = tpu.memref_slice %arg5[%add3A_19] : memref<320000xi32, #tpu.memory_space<hbm>> -> memref<80xi32, #tpu.memory_space<hbm>>
        tpu.enqueue_dma source(%dma_start3A_25 : memref<80xi32, #tpu.memory_space<hbm>>) target(%arg10 : memref<80xi32, #tpu.memory_space<vmem>>) target_semaphore(%run_scoped3A : memref<!tpu.dma_semaphore, #tpu.memory_space<semaphore_mem>>)
        %dma_wait3A_26 = tpu.memref_slice %arg5[%add3A_19] : memref<320000xi32, #tpu.memory_space<hbm>> -> memref<80xi32, #tpu.memory_space<hbm>>
        %dma_wait3A_27 = tpu.memref_slice %arg5[%add3A_19] : memref<320000xi32, #tpu.memory_space<hbm>> -> memref<80xi32, #tpu.memory_space<hbm>>
        tpu.wait_dma2 semaphore(%run_scoped3A : memref<!tpu.dma_semaphore, #tpu.memory_space<semaphore_mem>>) src(%dma_wait3A_27 : memref<80xi32, #tpu.memory_space<hbm>>) dst(%arg10 : memref<80xi32, #tpu.memory_space<vmem>>)
        tpu.yield
      }) : () -> ()
      "tpu.region"() ({
        %run_scoped3A = tpu.sem_alloc : memref<!tpu.dma_semaphore, #tpu.memory_space<semaphore_mem>>
        %dma_start3A_24 = arith.constant 0 : i32
        %dma_start3A_25 = tpu.memref_slice %arg2[%add3A_19, %dma_start3A_24] : memref<320000x128xf32, #tpu.memory_space<hbm>> -> memref<80x128xf32, #tpu.memory_space<hbm>>
        %dma_start3A_26 = arith.constant 0 : i32
        %dma_start3A_27 = tpu.memref_slice %arg2[%add3A_19, %dma_start3A_26] : memref<320000x128xf32, #tpu.memory_space<hbm>> -> memref<80x128xf32, #tpu.memory_space<hbm>>
        tpu.enqueue_dma source(%dma_start3A_27 : memref<80x128xf32, #tpu.memory_space<hbm>>) target(%arg11 : memref<80x128xf32, #tpu.memory_space<vmem>>) target_semaphore(%run_scoped3A : memref<!tpu.dma_semaphore, #tpu.memory_space<semaphore_mem>>)
        %dma_wait3A_28 = arith.constant 0 : i32
        %dma_wait3A_29 = tpu.memref_slice %arg2[%add3A_19, %dma_wait3A_28] : memref<320000x128xf32, #tpu.memory_space<hbm>> -> memref<80x128xf32, #tpu.memory_space<hbm>>
        %dma_wait3A_30 = arith.constant 0 : i32
        %dma_wait3A_31 = tpu.memref_slice %arg2[%add3A_19, %dma_wait3A_30] : memref<320000x128xf32, #tpu.memory_space<hbm>> -> memref<80x128xf32, #tpu.memory_space<hbm>>
        tpu.wait_dma2 semaphore(%run_scoped3A : memref<!tpu.dma_semaphore, #tpu.memory_space<semaphore_mem>>) src(%dma_wait3A_31 : memref<80x128xf32, #tpu.memory_space<hbm>>) dst(%arg11 : memref<80x128xf32, #tpu.memory_space<vmem>>)
        tpu.yield
      }) : () -> ()
      %dma_start3A = arith.constant 0 : i32
      %dma_start3A_20 = arith.constant 0 : i32
      %dma_start3A_21 = tpu.memref_slice %arg3[%dma_start3A, %dma_start3A_20] : memref<10000x128xf32, #tpu.memory_space<hbm>> -> memref<10000x128xf32, #tpu.memory_space<hbm>>
      tpu.enqueue_indirect_dma source(%dma_start3A_21 : memref<10000x128xf32, #tpu.memory_space<hbm>>) target(%arg12 : memref<80x128xf32, #tpu.memory_space<vmem>>) offsets(%arg9 : memref<80xi32, #tpu.memory_space<vmem>>) semaphore(%arg15 : memref<!tpu.dma_semaphore, #tpu.memory_space<semaphore_mem>>)
      %dma_wait3A = arith.constant 0 : i32
      %dma_wait3A_22 = arith.constant 0 : i32
      %dma_wait3A_23 = tpu.memref_slice %arg3[%dma_wait3A, %dma_wait3A_22] : memref<10000x128xf32, #tpu.memory_space<hbm>> -> memref<10000x128xf32, #tpu.memory_space<hbm>>
      tpu.wait_indirect_dma semaphore(%arg15 : memref<!tpu.dma_semaphore, #tpu.memory_space<semaphore_mem>>) src(%dma_wait3A_23 : memref<10000x128xf32, #tpu.memory_space<hbm>>) dst(%arg12 : memref<80x128xf32, #tpu.memory_space<vmem>>)
      "tpu.region"() ({
        %run_scoped3A = tpu.sem_alloc : memref<!tpu.dma_semaphore, #tpu.memory_space<semaphore_mem>>
        %dma_start3A_24 = arith.constant 0 : i32
        %dma_start3A_25 = tpu.memref_slice %arg7[%add3A_19, %dma_start3A_24] : memref<320000x128xf32, #tpu.memory_space<hbm>> -> memref<80x128xf32, #tpu.memory_space<hbm>>
        %dma_start3A_26 = arith.constant 0 : i32
        %dma_start3A_27 = tpu.memref_slice %arg7[%add3A_19, %dma_start3A_26] : memref<320000x128xf32, #tpu.memory_space<hbm>> -> memref<80x128xf32, #tpu.memory_space<hbm>>
        tpu.enqueue_dma source(%arg12 : memref<80x128xf32, #tpu.memory_space<vmem>>) target(%dma_start3A_27 : memref<80x128xf32, #tpu.memory_space<hbm>>) target_semaphore(%run_scoped3A : memref<!tpu.dma_semaphore, #tpu.memory_space<semaphore_mem>>)
        %dma_wait3A_28 = arith.constant 0 : i32
        %dma_wait3A_29 = tpu.memref_slice %arg7[%add3A_19, %dma_wait3A_28] : memref<320000x128xf32, #tpu.memory_space<hbm>> -> memref<80x128xf32, #tpu.memory_space<hbm>>
        %dma_wait3A_30 = arith.constant 0 : i32
        %dma_wait3A_31 = tpu.memref_slice %arg7[%add3A_19, %dma_wait3A_30] : memref<320000x128xf32, #tpu.memory_space<hbm>> -> memref<80x128xf32, #tpu.memory_space<hbm>>
        tpu.wait_dma2 semaphore(%run_scoped3A : memref<!tpu.dma_semaphore, #tpu.memory_space<semaphore_mem>>) src(%arg12 : memref<80x128xf32, #tpu.memory_space<vmem>>) dst(%dma_wait3A_31 : memref<80x128xf32, #tpu.memory_space<hbm>>)
        tpu.yield
      }) : () -> ()
      "tpu.region"() ({
        %run_scoped3A = tpu.sem_alloc : memref<!tpu.dma_semaphore, #tpu.memory_space<semaphore_mem>>
        %dma_start3A_24 = arith.constant 0 : i32
        %dma_start3A_25 = arith.constant 0 : i32
        %dma_start3A_26 = tpu.memref_slice %arg14[%dma_start3A_24, %dma_start3A_25] : memref<10000x128xf32, #tpu.memory_space<vmem_shared>> -> memref<10000x128xf32, #tpu.memory_space<vmem_shared>>
        tpu.enqueue_indirect_dma source(%arg12 : memref<80x128xf32, #tpu.memory_space<vmem>>) target(%dma_start3A_26 : memref<10000x128xf32, #tpu.memory_space<vmem_shared>>) offsets(%arg10 : memref<80xi32, #tpu.memory_space<vmem>>) semaphore(%run_scoped3A : memref<!tpu.dma_semaphore, #tpu.memory_space<semaphore_mem>>) {add = true}
        %dma_wait3A_27 = arith.constant 0 : i32
        %dma_wait3A_28 = arith.constant 0 : i32
        %dma_wait3A_29 = tpu.memref_slice %arg14[%dma_wait3A_27, %dma_wait3A_28] : memref<10000x128xf32, #tpu.memory_space<vmem_shared>> -> memref<10000x128xf32, #tpu.memory_space<vmem_shared>>
        tpu.wait_indirect_dma semaphore(%run_scoped3A : memref<!tpu.dma_semaphore, #tpu.memory_space<semaphore_mem>>) src(%arg12 : memref<80x128xf32, #tpu.memory_space<vmem>>) dst(%dma_wait3A_29 : memref<10000x128xf32, #tpu.memory_space<vmem_shared>>)
        tpu.yield
      }) : () -> ()
      "tpu.region"() ({
        %run_scoped3A = tpu.sem_alloc : memref<!tpu.dma_semaphore, #tpu.memory_space<semaphore_mem>>
        %dma_start3A_24 = arith.constant 0 : i32
        %dma_start3A_25 = arith.constant 0 : i32
        %dma_start3A_26 = tpu.memref_slice %arg14[%dma_start3A_24, %dma_start3A_25] : memref<10000x128xf32, #tpu.memory_space<vmem_shared>> -> memref<10000x128xf32, #tpu.memory_space<vmem_shared>>
        tpu.enqueue_indirect_dma source(%arg11 : memref<80x128xf32, #tpu.memory_space<vmem>>) target(%dma_start3A_26 : memref<10000x128xf32, #tpu.memory_space<vmem_shared>>) offsets(%arg10 : memref<80xi32, #tpu.memory_space<vmem>>) semaphore(%run_scoped3A : memref<!tpu.dma_semaphore, #tpu.memory_space<semaphore_mem>>) {add = true}
        %dma_wait3A_27 = arith.constant 0 : i32
        %dma_wait3A_28 = arith.constant 0 : i32
        %dma_wait3A_29 = tpu.memref_slice %arg14[%dma_wait3A_27, %dma_wait3A_28] : memref<10000x128xf32, #tpu.memory_space<vmem_shared>> -> memref<10000x128xf32, #tpu.memory_space<vmem_shared>>
        tpu.wait_indirect_dma semaphore(%run_scoped3A : memref<!tpu.dma_semaphore, #tpu.memory_space<semaphore_mem>>) src(%arg11 : memref<80x128xf32, #tpu.memory_space<vmem>>) dst(%dma_wait3A_29 : memref<10000x128xf32, #tpu.memory_space<vmem_shared>>)
        tpu.yield
      }) : () -> ()
    }
    %scan3A_9 = arith.constant 125 : i32
    %barrier3A_10 = arith.constant 0 : index
    tpu.barrier barrier_id(%barrier3A_10)
    %lt3A_11 = arith.constant 10 : i32
    %lt3A_12 = arith.cmpi slt, %arg1, %lt3A_11 : i32
    %convert_element_type3A_13 = arith.extui %lt3A_12 : i1 to i32
    %cond3A_14 = arith.constant 0 : i32
    %cond3A_15 = arith.cmpi ne, %convert_element_type3A_13, %cond3A_14 : i32
    scf.if %cond3A_15 {
      %mul3A_16 = arith.constant 1000 : i32
      %mul3A_17 = arith.muli %arg1, %mul3A_16 : i32
      %add3A_18 = arith.constant 0 : i32
      %add3A_19 = arith.addi %mul3A_17, %add3A_18 : i32
      "tpu.region"() ({
        %run_scoped3A = tpu.sem_alloc : memref<!tpu.dma_semaphore, #tpu.memory_space<semaphore_mem>>
        %dma_start3A = arith.constant 0 : i32
        %dma_start3A_53 = tpu.memref_slice %arg14[%add3A_19, %dma_start3A] : memref<10000x128xf32, #tpu.memory_space<vmem_shared>> -> memref<200x128xf32, #tpu.memory_space<vmem_shared>>
        %dma_start3A_54 = arith.constant 0 : i32
        %dma_start3A_55 = tpu.memref_slice %arg14[%add3A_19, %dma_start3A_54] : memref<10000x128xf32, #tpu.memory_space<vmem_shared>> -> memref<200x128xf32, #tpu.memory_space<vmem_shared>>
        tpu.enqueue_dma source(%dma_start3A_55 : memref<200x128xf32, #tpu.memory_space<vmem_shared>>) target(%arg13 : memref<200x128xf32, #tpu.memory_space<vmem>>) target_semaphore(%run_scoped3A : memref<!tpu.dma_semaphore, #tpu.memory_space<semaphore_mem>>)
        %dma_wait3A = arith.constant 0 : i32
        %dma_wait3A_56 = tpu.memref_slice %arg14[%add3A_19, %dma_wait3A] : memref<10000x128xf32, #tpu.memory_space<vmem_shared>> -> memref<200x128xf32, #tpu.memory_space<vmem_shared>>
        %dma_wait3A_57 = arith.constant 0 : i32
        %dma_wait3A_58 = tpu.memref_slice %arg14[%add3A_19, %dma_wait3A_57] : memref<10000x128xf32, #tpu.memory_space<vmem_shared>> -> memref<200x128xf32, #tpu.memory_space<vmem_shared>>
        tpu.wait_dma2 semaphore(%run_scoped3A : memref<!tpu.dma_semaphore, #tpu.memory_space<semaphore_mem>>) src(%dma_wait3A_58 : memref<200x128xf32, #tpu.memory_space<vmem_shared>>) dst(%arg13 : memref<200x128xf32, #tpu.memory_space<vmem>>)
        tpu.yield
      }) : () -> ()
      %mul3A_20 = arith.constant 10000 : i32
      %mul3A_21 = arith.muli %arg0, %mul3A_20 : i32
      %add3A_22 = arith.addi %mul3A_21, %mul3A_17 : i32
      %add3A_23 = arith.constant 0 : i32
      %add3A_24 = arith.addi %add3A_22, %add3A_23 : i32
      "tpu.region"() ({
        %run_scoped3A = tpu.sem_alloc : memref<!tpu.dma_semaphore, #tpu.memory_space<semaphore_mem>>
        %dma_start3A = arith.constant 0 : i32
        %dma_start3A_53 = tpu.memref_slice %arg8[%add3A_24, %dma_start3A] : memref<20000x128xf32, #tpu.memory_space<hbm>> -> memref<200x128xf32, #tpu.memory_space<hbm>>
        %dma_start3A_54 = arith.constant 0 : i32
        %dma_start3A_55 = tpu.memref_slice %arg8[%add3A_24, %dma_start3A_54] : memref<20000x128xf32, #tpu.memory_space<hbm>> -> memref<200x128xf32, #tpu.memory_space<hbm>>
        tpu.enqueue_dma source(%arg13 : memref<200x128xf32, #tpu.memory_space<vmem>>) target(%dma_start3A_55 : memref<200x128xf32, #tpu.memory_space<hbm>>) target_semaphore(%run_scoped3A : memref<!tpu.dma_semaphore, #tpu.memory_space<semaphore_mem>>)
        %dma_wait3A = arith.constant 0 : i32
        %dma_wait3A_56 = tpu.memref_slice %arg8[%add3A_24, %dma_wait3A] : memref<20000x128xf32, #tpu.memory_space<hbm>> -> memref<200x128xf32, #tpu.memory_space<hbm>>
        %dma_wait3A_57 = arith.constant 0 : i32
        %dma_wait3A_58 = tpu.memref_slice %arg8[%add3A_24, %dma_wait3A_57] : memref<20000x128xf32, #tpu.memory_space<hbm>> -> memref<200x128xf32, #tpu.memory_space<hbm>>
        tpu.wait_dma2 semaphore(%run_scoped3A : memref<!tpu.dma_semaphore, #tpu.memory_space<semaphore_mem>>) src(%arg13 : memref<200x128xf32, #tpu.memory_space<vmem>>) dst(%dma_wait3A_58 : memref<200x128xf32, #tpu.memory_space<hbm>>)
        tpu.yield
      }) : () -> ()
      %add3A_25 = arith.constant 200 : i32
      %add3A_26 = arith.addi %mul3A_17, %add3A_25 : i32
      "tpu.region"() ({
        %run_scoped3A = tpu.sem_alloc : memref<!tpu.dma_semaphore, #tpu.memory_space<semaphore_mem>>
        %dma_start3A = arith.constant 0 : i32
        %dma_start3A_53 = tpu.memref_slice %arg14[%add3A_26, %dma_start3A] : memref<10000x128xf32, #tpu.memory_space<vmem_shared>> -> memref<200x128xf32, #tpu.memory_space<vmem_shared>>
        %dma_start3A_54 = arith.constant 0 : i32
        %dma_start3A_55 = tpu.memref_slice %arg14[%add3A_26, %dma_start3A_54] : memref<10000x128xf32, #tpu.memory_space<vmem_shared>> -> memref<200x128xf32, #tpu.memory_space<vmem_shared>>
        tpu.enqueue_dma source(%dma_start3A_55 : memref<200x128xf32, #tpu.memory_space<vmem_shared>>) target(%arg13 : memref<200x128xf32, #tpu.memory_space<vmem>>) target_semaphore(%run_scoped3A : memref<!tpu.dma_semaphore, #tpu.memory_space<semaphore_mem>>)
        %dma_wait3A = arith.constant 0 : i32
        %dma_wait3A_56 = tpu.memref_slice %arg14[%add3A_26, %dma_wait3A] : memref<10000x128xf32, #tpu.memory_space<vmem_shared>> -> memref<200x128xf32, #tpu.memory_space<vmem_shared>>
        %dma_wait3A_57 = arith.constant 0 : i32
        %dma_wait3A_58 = tpu.memref_slice %arg14[%add3A_26, %dma_wait3A_57] : memref<10000x128xf32, #tpu.memory_space<vmem_shared>> -> memref<200x128xf32, #tpu.memory_space<vmem_shared>>
        tpu.wait_dma2 semaphore(%run_scoped3A : memref<!tpu.dma_semaphore, #tpu.memory_space<semaphore_mem>>) src(%dma_wait3A_58 : memref<200x128xf32, #tpu.memory_space<vmem_shared>>) dst(%arg13 : memref<200x128xf32, #tpu.memory_space<vmem>>)
        tpu.yield
      }) : () -> ()
      %mul3A_27 = arith.constant 10000 : i32
      %mul3A_28 = arith.muli %arg0, %mul3A_27 : i32
      %add3A_29 = arith.addi %mul3A_28, %mul3A_17 : i32
      %add3A_30 = arith.constant 200 : i32
      %add3A_31 = arith.addi %add3A_29, %add3A_30 : i32
      "tpu.region"() ({
        %run_scoped3A = tpu.sem_alloc : memref<!tpu.dma_semaphore, #tpu.memory_space<semaphore_mem>>
        %dma_start3A = arith.constant 0 : i32
        %dma_start3A_53 = tpu.memref_slice %arg8[%add3A_31, %dma_start3A] : memref<20000x128xf32, #tpu.memory_space<hbm>> -> memref<200x128xf32, #tpu.memory_space<hbm>>
        %dma_start3A_54 = arith.constant 0 : i32
        %dma_start3A_55 = tpu.memref_slice %arg8[%add3A_31, %dma_start3A_54] : memref<20000x128xf32, #tpu.memory_space<hbm>> -> memref<200x128xf32, #tpu.memory_space<hbm>>
        tpu.enqueue_dma source(%arg13 : memref<200x128xf32, #tpu.memory_space<vmem>>) target(%dma_start3A_55 : memref<200x128xf32, #tpu.memory_space<hbm>>) target_semaphore(%run_scoped3A : memref<!tpu.dma_semaphore, #tpu.memory_space<semaphore_mem>>)
        %dma_wait3A = arith.constant 0 : i32
        %dma_wait3A_56 = tpu.memref_slice %arg8[%add3A_31, %dma_wait3A] : memref<20000x128xf32, #tpu.memory_space<hbm>> -> memref<200x128xf32, #tpu.memory_space<hbm>>
        %dma_wait3A_57 = arith.constant 0 : i32
        %dma_wait3A_58 = tpu.memref_slice %arg8[%add3A_31, %dma_wait3A_57] : memref<20000x128xf32, #tpu.memory_space<hbm>> -> memref<200x128xf32, #tpu.memory_space<hbm>>
        tpu.wait_dma2 semaphore(%run_scoped3A : memref<!tpu.dma_semaphore, #tpu.memory_space<semaphore_mem>>) src(%arg13 : memref<200x128xf32, #tpu.memory_space<vmem>>) dst(%dma_wait3A_58 : memref<200x128xf32, #tpu.memory_space<hbm>>)
        tpu.yield
      }) : () -> ()
      %add3A_32 = arith.constant 400 : i32
      %add3A_33 = arith.addi %mul3A_17, %add3A_32 : i32
      "tpu.region"() ({
        %run_scoped3A = tpu.sem_alloc : memref<!tpu.dma_semaphore, #tpu.memory_space<semaphore_mem>>
        %dma_start3A = arith.constant 0 : i32
        %dma_start3A_53 = tpu.memref_slice %arg14[%add3A_33, %dma_start3A] : memref<10000x128xf32, #tpu.memory_space<vmem_shared>> -> memref<200x128xf32, #tpu.memory_space<vmem_shared>>
        %dma_start3A_54 = arith.constant 0 : i32
        %dma_start3A_55 = tpu.memref_slice %arg14[%add3A_33, %dma_start3A_54] : memref<10000x128xf32, #tpu.memory_space<vmem_shared>> -> memref<200x128xf32, #tpu.memory_space<vmem_shared>>
        tpu.enqueue_dma source(%dma_start3A_55 : memref<200x128xf32, #tpu.memory_space<vmem_shared>>) target(%arg13 : memref<200x128xf32, #tpu.memory_space<vmem>>) target_semaphore(%run_scoped3A : memref<!tpu.dma_semaphore, #tpu.memory_space<semaphore_mem>>)
        %dma_wait3A = arith.constant 0 : i32
        %dma_wait3A_56 = tpu.memref_slice %arg14[%add3A_33, %dma_wait3A] : memref<10000x128xf32, #tpu.memory_space<vmem_shared>> -> memref<200x128xf32, #tpu.memory_space<vmem_shared>>
        %dma_wait3A_57 = arith.constant 0 : i32
        %dma_wait3A_58 = tpu.memref_slice %arg14[%add3A_33, %dma_wait3A_57] : memref<10000x128xf32, #tpu.memory_space<vmem_shared>> -> memref<200x128xf32, #tpu.memory_space<vmem_shared>>
        tpu.wait_dma2 semaphore(%run_scoped3A : memref<!tpu.dma_semaphore, #tpu.memory_space<semaphore_mem>>) src(%dma_wait3A_58 : memref<200x128xf32, #tpu.memory_space<vmem_shared>>) dst(%arg13 : memref<200x128xf32, #tpu.memory_space<vmem>>)
        tpu.yield
      }) : () -> ()
      %mul3A_34 = arith.constant 10000 : i32
      %mul3A_35 = arith.muli %arg0, %mul3A_34 : i32
      %add3A_36 = arith.addi %mul3A_35, %mul3A_17 : i32
      %add3A_37 = arith.constant 400 : i32
      %add3A_38 = arith.addi %add3A_36, %add3A_37 : i32
      "tpu.region"() ({
        %run_scoped3A = tpu.sem_alloc : memref<!tpu.dma_semaphore, #tpu.memory_space<semaphore_mem>>
        %dma_start3A = arith.constant 0 : i32
        %dma_start3A_53 = tpu.memref_slice %arg8[%add3A_38, %dma_start3A] : memref<20000x128xf32, #tpu.memory_space<hbm>> -> memref<200x128xf32, #tpu.memory_space<hbm>>
        %dma_start3A_54 = arith.constant 0 : i32
        %dma_start3A_55 = tpu.memref_slice %arg8[%add3A_38, %dma_start3A_54] : memref<20000x128xf32, #tpu.memory_space<hbm>> -> memref<200x128xf32, #tpu.memory_space<hbm>>
        tpu.enqueue_dma source(%arg13 : memref<200x128xf32, #tpu.memory_space<vmem>>) target(%dma_start3A_55 : memref<200x128xf32, #tpu.memory_space<hbm>>) target_semaphore(%run_scoped3A : memref<!tpu.dma_semaphore, #tpu.memory_space<semaphore_mem>>)
        %dma_wait3A = arith.constant 0 : i32
        %dma_wait3A_56 = tpu.memref_slice %arg8[%add3A_38, %dma_wait3A] : memref<20000x128xf32, #tpu.memory_space<hbm>> -> memref<200x128xf32, #tpu.memory_space<hbm>>
        %dma_wait3A_57 = arith.constant 0 : i32
        %dma_wait3A_58 = tpu.memref_slice %arg8[%add3A_38, %dma_wait3A_57] : memref<20000x128xf32, #tpu.memory_space<hbm>> -> memref<200x128xf32, #tpu.memory_space<hbm>>
        tpu.wait_dma2 semaphore(%run_scoped3A : memref<!tpu.dma_semaphore, #tpu.memory_space<semaphore_mem>>) src(%arg13 : memref<200x128xf32, #tpu.memory_space<vmem>>) dst(%dma_wait3A_58 : memref<200x128xf32, #tpu.memory_space<hbm>>)
        tpu.yield
      }) : () -> ()
      %add3A_39 = arith.constant 600 : i32
      %add3A_40 = arith.addi %mul3A_17, %add3A_39 : i32
      "tpu.region"() ({
        %run_scoped3A = tpu.sem_alloc : memref<!tpu.dma_semaphore, #tpu.memory_space<semaphore_mem>>
        %dma_start3A = arith.constant 0 : i32
        %dma_start3A_53 = tpu.memref_slice %arg14[%add3A_40, %dma_start3A] : memref<10000x128xf32, #tpu.memory_space<vmem_shared>> -> memref<200x128xf32, #tpu.memory_space<vmem_shared>>
        %dma_start3A_54 = arith.constant 0 : i32
        %dma_start3A_55 = tpu.memref_slice %arg14[%add3A_40, %dma_start3A_54] : memref<10000x128xf32, #tpu.memory_space<vmem_shared>> -> memref<200x128xf32, #tpu.memory_space<vmem_shared>>
        tpu.enqueue_dma source(%dma_start3A_55 : memref<200x128xf32, #tpu.memory_space<vmem_shared>>) target(%arg13 : memref<200x128xf32, #tpu.memory_space<vmem>>) target_semaphore(%run_scoped3A : memref<!tpu.dma_semaphore, #tpu.memory_space<semaphore_mem>>)
        %dma_wait3A = arith.constant 0 : i32
        %dma_wait3A_56 = tpu.memref_slice %arg14[%add3A_40, %dma_wait3A] : memref<10000x128xf32, #tpu.memory_space<vmem_shared>> -> memref<200x128xf32, #tpu.memory_space<vmem_shared>>
        %dma_wait3A_57 = arith.constant 0 : i32
        %dma_wait3A_58 = tpu.memref_slice %arg14[%add3A_40, %dma_wait3A_57] : memref<10000x128xf32, #tpu.memory_space<vmem_shared>> -> memref<200x128xf32, #tpu.memory_space<vmem_shared>>
        tpu.wait_dma2 semaphore(%run_scoped3A : memref<!tpu.dma_semaphore, #tpu.memory_space<semaphore_mem>>) src(%dma_wait3A_58 : memref<200x128xf32, #tpu.memory_space<vmem_shared>>) dst(%arg13 : memref<200x128xf32, #tpu.memory_space<vmem>>)
        tpu.yield
      }) : () -> ()
      %mul3A_41 = arith.constant 10000 : i32
      %mul3A_42 = arith.muli %arg0, %mul3A_41 : i32
      %add3A_43 = arith.addi %mul3A_42, %mul3A_17 : i32
      %add3A_44 = arith.constant 600 : i32
      %add3A_45 = arith.addi %add3A_43, %add3A_44 : i32
      "tpu.region"() ({
        %run_scoped3A = tpu.sem_alloc : memref<!tpu.dma_semaphore, #tpu.memory_space<semaphore_mem>>
        %dma_start3A = arith.constant 0 : i32
        %dma_start3A_53 = tpu.memref_slice %arg8[%add3A_45, %dma_start3A] : memref<20000x128xf32, #tpu.memory_space<hbm>> -> memref<200x128xf32, #tpu.memory_space<hbm>>
        %dma_start3A_54 = arith.constant 0 : i32
        %dma_start3A_55 = tpu.memref_slice %arg8[%add3A_45, %dma_start3A_54] : memref<20000x128xf32, #tpu.memory_space<hbm>> -> memref<200x128xf32, #tpu.memory_space<hbm>>
        tpu.enqueue_dma source(%arg13 : memref<200x128xf32, #tpu.memory_space<vmem>>) target(%dma_start3A_55 : memref<200x128xf32, #tpu.memory_space<hbm>>) target_semaphore(%run_scoped3A : memref<!tpu.dma_semaphore, #tpu.memory_space<semaphore_mem>>)
        %dma_wait3A = arith.constant 0 : i32
        %dma_wait3A_56 = tpu.memref_slice %arg8[%add3A_45, %dma_wait3A] : memref<20000x128xf32, #tpu.memory_space<hbm>> -> memref<200x128xf32, #tpu.memory_space<hbm>>
        %dma_wait3A_57 = arith.constant 0 : i32
        %dma_wait3A_58 = tpu.memref_slice %arg8[%add3A_45, %dma_wait3A_57] : memref<20000x128xf32, #tpu.memory_space<hbm>> -> memref<200x128xf32, #tpu.memory_space<hbm>>
        tpu.wait_dma2 semaphore(%run_scoped3A : memref<!tpu.dma_semaphore, #tpu.memory_space<semaphore_mem>>) src(%arg13 : memref<200x128xf32, #tpu.memory_space<vmem>>) dst(%dma_wait3A_58 : memref<200x128xf32, #tpu.memory_space<hbm>>)
        tpu.yield
      }) : () -> ()
      %add3A_46 = arith.constant 800 : i32
      %add3A_47 = arith.addi %mul3A_17, %add3A_46 : i32
      "tpu.region"() ({
        %run_scoped3A = tpu.sem_alloc : memref<!tpu.dma_semaphore, #tpu.memory_space<semaphore_mem>>
        %dma_start3A = arith.constant 0 : i32
        %dma_start3A_53 = tpu.memref_slice %arg14[%add3A_47, %dma_start3A] : memref<10000x128xf32, #tpu.memory_space<vmem_shared>> -> memref<200x128xf32, #tpu.memory_space<vmem_shared>>
        %dma_start3A_54 = arith.constant 0 : i32
        %dma_start3A_55 = tpu.memref_slice %arg14[%add3A_47, %dma_start3A_54] : memref<10000x128xf32, #tpu.memory_space<vmem_shared>> -> memref<200x128xf32, #tpu.memory_space<vmem_shared>>
        tpu.enqueue_dma source(%dma_start3A_55 : memref<200x128xf32, #tpu.memory_space<vmem_shared>>) target(%arg13 : memref<200x128xf32, #tpu.memory_space<vmem>>) target_semaphore(%run_scoped3A : memref<!tpu.dma_semaphore, #tpu.memory_space<semaphore_mem>>)
        %dma_wait3A = arith.constant 0 : i32
        %dma_wait3A_56 = tpu.memref_slice %arg14[%add3A_47, %dma_wait3A] : memref<10000x128xf32, #tpu.memory_space<vmem_shared>> -> memref<200x128xf32, #tpu.memory_space<vmem_shared>>
        %dma_wait3A_57 = arith.constant 0 : i32
        %dma_wait3A_58 = tpu.memref_slice %arg14[%add3A_47, %dma_wait3A_57] : memref<10000x128xf32, #tpu.memory_space<vmem_shared>> -> memref<200x128xf32, #tpu.memory_space<vmem_shared>>
        tpu.wait_dma2 semaphore(%run_scoped3A : memref<!tpu.dma_semaphore, #tpu.memory_space<semaphore_mem>>) src(%dma_wait3A_58 : memref<200x128xf32, #tpu.memory_space<vmem_shared>>) dst(%arg13 : memref<200x128xf32, #tpu.memory_space<vmem>>)
        tpu.yield
      }) : () -> ()
      %mul3A_48 = arith.constant 10000 : i32
      %mul3A_49 = arith.muli %arg0, %mul3A_48 : i32
      %add3A_50 = arith.addi %mul3A_49, %mul3A_17 : i32
      %add3A_51 = arith.constant 800 : i32
      %add3A_52 = arith.addi %add3A_50, %add3A_51 : i32
      "tpu.region"() ({
        %run_scoped3A = tpu.sem_alloc : memref<!tpu.dma_semaphore, #tpu.memory_space<semaphore_mem>>
        %dma_start3A = arith.constant 0 : i32
        %dma_start3A_53 = tpu.memref_slice %arg8[%add3A_52, %dma_start3A] : memref<20000x128xf32, #tpu.memory_space<hbm>> -> memref<200x128xf32, #tpu.memory_space<hbm>>
        %dma_start3A_54 = arith.constant 0 : i32
        %dma_start3A_55 = tpu.memref_slice %arg8[%add3A_52, %dma_start3A_54] : memref<20000x128xf32, #tpu.memory_space<hbm>> -> memref<200x128xf32, #tpu.memory_space<hbm>>
        tpu.enqueue_dma source(%arg13 : memref<200x128xf32, #tpu.memory_space<vmem>>) target(%dma_start3A_55 : memref<200x128xf32, #tpu.memory_space<hbm>>) target_semaphore(%run_scoped3A : memref<!tpu.dma_semaphore, #tpu.memory_space<semaphore_mem>>)
        %dma_wait3A = arith.constant 0 : i32
        %dma_wait3A_56 = tpu.memref_slice %arg8[%add3A_52, %dma_wait3A] : memref<20000x128xf32, #tpu.memory_space<hbm>> -> memref<200x128xf32, #tpu.memory_space<hbm>>
        %dma_wait3A_57 = arith.constant 0 : i32
        %dma_wait3A_58 = tpu.memref_slice %arg8[%add3A_52, %dma_wait3A_57] : memref<20000x128xf32, #tpu.memory_space<hbm>> -> memref<200x128xf32, #tpu.memory_space<hbm>>
        tpu.wait_dma2 semaphore(%run_scoped3A : memref<!tpu.dma_semaphore, #tpu.memory_space<semaphore_mem>>) src(%arg13 : memref<200x128xf32, #tpu.memory_space<vmem>>) dst(%dma_wait3A_58 : memref<200x128xf32, #tpu.memory_space<hbm>>)
        tpu.yield
      }) : () -> ()
    } else {
    }
    return
  }
}

#map = affine_map<(d0, d1) -> (0, 0)>
#map1 = affine_map<(d0, d1) -> (0)>
module attributes {stable_mosaic.version = 14 : i64} {
  func.func @_sc_pass_body(%arg0: i32, %arg1: i32, %arg2: memref<320000x128xf32, #tpu.memory_space<hbm>>, %arg3: memref<10000x128xf32, #tpu.memory_space<hbm>>, %arg4: memref<320000xi32, #tpu.memory_space<hbm>>, %arg5: memref<320000xi32, #tpu.memory_space<hbm>>, %arg6: memref<200x128xf32, #tpu.memory_space<hbm>>, %arg7: memref<320000x128xf32, #tpu.memory_space<hbm>>, %arg8: memref<20000x128xf32, #tpu.memory_space<hbm>>, %arg9: memref<80xi32, #tpu.memory_space<vmem>>, %arg10: memref<80xi32, #tpu.memory_space<vmem>>, %arg11: memref<80x128xf32, #tpu.memory_space<vmem>>, %arg12: memref<80x128xf32, #tpu.memory_space<vmem>>, %arg13: memref<200x128xf32, #tpu.memory_space<vmem>>, %arg14: memref<10000x128xf32, #tpu.memory_space<vmem_shared>>, %arg15: memref<!tpu.dma_semaphore, #tpu.memory_space<semaphore_mem>>) attributes {dimension_semantics = [#tpu.dimension_semantics<core_parallel>, #tpu.dimension_semantics<subcore_parallel>], iteration_bounds = array<i64: 2, 16>, scalar_prefetch = 0 : i64, scratch_operands = 7 : i64, tpu.core_type = #tpu.core_type<sc_vector_subcore>, window_params = [{transform_indices = #map}, {transform_indices = #map}, {transform_indices = #map1}, {transform_indices = #map1}, {transform_indices = #map}, {transform_indices = #map}, {transform_indices = #map}]} {
    %mul3A = arith.constant 2 : i32
    %mul3A_0 = arith.muli %arg1, %mul3A : i32
    %add3A = arith.addi %mul3A_0, %arg0 : i32
    %mul3A_1 = arith.constant 10000 : i32
    %mul3A_2 = arith.muli %add3A, %mul3A_1 : i32
    %lt3A = arith.constant 10 : i32
    %lt3A_3 = arith.cmpi slt, %arg1, %lt3A : i32
    %convert_element_type3A = arith.extui %lt3A_3 : i1 to i32
    %cond3A = arith.constant 0 : i32
    %cond3A_4 = arith.cmpi ne, %convert_element_type3A, %cond3A : i32
    scf.if %cond3A_4 {
      "tpu.region"() ({
        %run_scoped3A = tpu.sem_alloc : memref<!tpu.dma_semaphore, #tpu.memory_space<semaphore_mem>>
        tpu.enqueue_dma source(%arg6 : memref<200x128xf32, #tpu.memory_space<hbm>>) target(%arg13 : memref<200x128xf32, #tpu.memory_space<vmem>>) target_semaphore(%run_scoped3A : memref<!tpu.dma_semaphore, #tpu.memory_space<semaphore_mem>>)
        tpu.wait_dma2 semaphore(%run_scoped3A : memref<!tpu.dma_semaphore, #tpu.memory_space<semaphore_mem>>) src(%arg6 : memref<200x128xf32, #tpu.memory_space<hbm>>) dst(%arg13 : memref<200x128xf32, #tpu.memory_space<vmem>>)
        tpu.yield
      }) : () -> ()
      %mul3A_16 = arith.constant 1000 : i32
      %mul3A_17 = arith.muli %arg1, %mul3A_16 : i32
      %add3A_18 = arith.constant 0 : i32
      %add3A_19 = arith.addi %mul3A_17, %add3A_18 : i32
      "tpu.region"() ({
        %run_scoped3A = tpu.sem_alloc : memref<!tpu.dma_semaphore, #tpu.memory_space<semaphore_mem>>
        %dma_start3A = arith.constant 0 : i32
        %dma_start3A_28 = tpu.memref_slice %arg14[%add3A_19, %dma_start3A] : memref<10000x128xf32, #tpu.memory_space<vmem_shared>> -> memref<200x128xf32, #tpu.memory_space<vmem_shared>>
        %dma_start3A_29 = arith.constant 0 : i32
        %dma_start3A_30 = tpu.memref_slice %arg14[%add3A_19, %dma_start3A_29] : memref<10000x128xf32, #tpu.memory_space<vmem_shared>> -> memref<200x128xf32, #tpu.memory_space<vmem_shared>>
        tpu.enqueue_dma source(%arg13 : memref<200x128xf32, #tpu.memory_space<vmem>>) target(%dma_start3A_30 : memref<200x128xf32, #tpu.memory_space<vmem_shared>>) target_semaphore(%run_scoped3A : memref<!tpu.dma_semaphore, #tpu.memory_space<semaphore_mem>>)
        %dma_wait3A = arith.constant 0 : i32
        %dma_wait3A_31 = tpu.memref_slice %arg14[%add3A_19, %dma_wait3A] : memref<10000x128xf32, #tpu.memory_space<vmem_shared>> -> memref<200x128xf32, #tpu.memory_space<vmem_shared>>
        %dma_wait3A_32 = arith.constant 0 : i32
        %dma_wait3A_33 = tpu.memref_slice %arg14[%add3A_19, %dma_wait3A_32] : memref<10000x128xf32, #tpu.memory_space<vmem_shared>> -> memref<200x128xf32, #tpu.memory_space<vmem_shared>>
        tpu.wait_dma2 semaphore(%run_scoped3A : memref<!tpu.dma_semaphore, #tpu.memory_space<semaphore_mem>>) src(%arg13 : memref<200x128xf32, #tpu.memory_space<vmem>>) dst(%dma_wait3A_33 : memref<200x128xf32, #tpu.memory_space<vmem_shared>>)
        tpu.yield
      }) : () -> ()
      %add3A_20 = arith.constant 200 : i32
      %add3A_21 = arith.addi %mul3A_17, %add3A_20 : i32
      "tpu.region"() ({
        %run_scoped3A = tpu.sem_alloc : memref<!tpu.dma_semaphore, #tpu.memory_space<semaphore_mem>>
        %dma_start3A = arith.constant 0 : i32
        %dma_start3A_28 = tpu.memref_slice %arg14[%add3A_21, %dma_start3A] : memref<10000x128xf32, #tpu.memory_space<vmem_shared>> -> memref<200x128xf32, #tpu.memory_space<vmem_shared>>
        %dma_start3A_29 = arith.constant 0 : i32
        %dma_start3A_30 = tpu.memref_slice %arg14[%add3A_21, %dma_start3A_29] : memref<10000x128xf32, #tpu.memory_space<vmem_shared>> -> memref<200x128xf32, #tpu.memory_space<vmem_shared>>
        tpu.enqueue_dma source(%arg13 : memref<200x128xf32, #tpu.memory_space<vmem>>) target(%dma_start3A_30 : memref<200x128xf32, #tpu.memory_space<vmem_shared>>) target_semaphore(%run_scoped3A : memref<!tpu.dma_semaphore, #tpu.memory_space<semaphore_mem>>)
        %dma_wait3A = arith.constant 0 : i32
        %dma_wait3A_31 = tpu.memref_slice %arg14[%add3A_21, %dma_wait3A] : memref<10000x128xf32, #tpu.memory_space<vmem_shared>> -> memref<200x128xf32, #tpu.memory_space<vmem_shared>>
        %dma_wait3A_32 = arith.constant 0 : i32
        %dma_wait3A_33 = tpu.memref_slice %arg14[%add3A_21, %dma_wait3A_32] : memref<10000x128xf32, #tpu.memory_space<vmem_shared>> -> memref<200x128xf32, #tpu.memory_space<vmem_shared>>
        tpu.wait_dma2 semaphore(%run_scoped3A : memref<!tpu.dma_semaphore, #tpu.memory_space<semaphore_mem>>) src(%arg13 : memref<200x128xf32, #tpu.memory_space<vmem>>) dst(%dma_wait3A_33 : memref<200x128xf32, #tpu.memory_space<vmem_shared>>)
        tpu.yield
      }) : () -> ()
      %add3A_22 = arith.constant 400 : i32
      %add3A_23 = arith.addi %mul3A_17, %add3A_22 : i32
      "tpu.region"() ({
        %run_scoped3A = tpu.sem_alloc : memref<!tpu.dma_semaphore, #tpu.memory_space<semaphore_mem>>
        %dma_start3A = arith.constant 0 : i32
        %dma_start3A_28 = tpu.memref_slice %arg14[%add3A_23, %dma_start3A] : memref<10000x128xf32, #tpu.memory_space<vmem_shared>> -> memref<200x128xf32, #tpu.memory_space<vmem_shared>>
        %dma_start3A_29 = arith.constant 0 : i32
        %dma_start3A_30 = tpu.memref_slice %arg14[%add3A_23, %dma_start3A_29] : memref<10000x128xf32, #tpu.memory_space<vmem_shared>> -> memref<200x128xf32, #tpu.memory_space<vmem_shared>>
        tpu.enqueue_dma source(%arg13 : memref<200x128xf32, #tpu.memory_space<vmem>>) target(%dma_start3A_30 : memref<200x128xf32, #tpu.memory_space<vmem_shared>>) target_semaphore(%run_scoped3A : memref<!tpu.dma_semaphore, #tpu.memory_space<semaphore_mem>>)
        %dma_wait3A = arith.constant 0 : i32
        %dma_wait3A_31 = tpu.memref_slice %arg14[%add3A_23, %dma_wait3A] : memref<10000x128xf32, #tpu.memory_space<vmem_shared>> -> memref<200x128xf32, #tpu.memory_space<vmem_shared>>
        %dma_wait3A_32 = arith.constant 0 : i32
        %dma_wait3A_33 = tpu.memref_slice %arg14[%add3A_23, %dma_wait3A_32] : memref<10000x128xf32, #tpu.memory_space<vmem_shared>> -> memref<200x128xf32, #tpu.memory_space<vmem_shared>>
        tpu.wait_dma2 semaphore(%run_scoped3A : memref<!tpu.dma_semaphore, #tpu.memory_space<semaphore_mem>>) src(%arg13 : memref<200x128xf32, #tpu.memory_space<vmem>>) dst(%dma_wait3A_33 : memref<200x128xf32, #tpu.memory_space<vmem_shared>>)
        tpu.yield
      }) : () -> ()
      %add3A_24 = arith.constant 600 : i32
      %add3A_25 = arith.addi %mul3A_17, %add3A_24 : i32
      "tpu.region"() ({
        %run_scoped3A = tpu.sem_alloc : memref<!tpu.dma_semaphore, #tpu.memory_space<semaphore_mem>>
        %dma_start3A = arith.constant 0 : i32
        %dma_start3A_28 = tpu.memref_slice %arg14[%add3A_25, %dma_start3A] : memref<10000x128xf32, #tpu.memory_space<vmem_shared>> -> memref<200x128xf32, #tpu.memory_space<vmem_shared>>
        %dma_start3A_29 = arith.constant 0 : i32
        %dma_start3A_30 = tpu.memref_slice %arg14[%add3A_25, %dma_start3A_29] : memref<10000x128xf32, #tpu.memory_space<vmem_shared>> -> memref<200x128xf32, #tpu.memory_space<vmem_shared>>
        tpu.enqueue_dma source(%arg13 : memref<200x128xf32, #tpu.memory_space<vmem>>) target(%dma_start3A_30 : memref<200x128xf32, #tpu.memory_space<vmem_shared>>) target_semaphore(%run_scoped3A : memref<!tpu.dma_semaphore, #tpu.memory_space<semaphore_mem>>)
        %dma_wait3A = arith.constant 0 : i32
        %dma_wait3A_31 = tpu.memref_slice %arg14[%add3A_25, %dma_wait3A] : memref<10000x128xf32, #tpu.memory_space<vmem_shared>> -> memref<200x128xf32, #tpu.memory_space<vmem_shared>>
        %dma_wait3A_32 = arith.constant 0 : i32
        %dma_wait3A_33 = tpu.memref_slice %arg14[%add3A_25, %dma_wait3A_32] : memref<10000x128xf32, #tpu.memory_space<vmem_shared>> -> memref<200x128xf32, #tpu.memory_space<vmem_shared>>
        tpu.wait_dma2 semaphore(%run_scoped3A : memref<!tpu.dma_semaphore, #tpu.memory_space<semaphore_mem>>) src(%arg13 : memref<200x128xf32, #tpu.memory_space<vmem>>) dst(%dma_wait3A_33 : memref<200x128xf32, #tpu.memory_space<vmem_shared>>)
        tpu.yield
      }) : () -> ()
      %add3A_26 = arith.constant 800 : i32
      %add3A_27 = arith.addi %mul3A_17, %add3A_26 : i32
      "tpu.region"() ({
        %run_scoped3A = tpu.sem_alloc : memref<!tpu.dma_semaphore, #tpu.memory_space<semaphore_mem>>
        %dma_start3A = arith.constant 0 : i32
        %dma_start3A_28 = tpu.memref_slice %arg14[%add3A_27, %dma_start3A] : memref<10000x128xf32, #tpu.memory_space<vmem_shared>> -> memref<200x128xf32, #tpu.memory_space<vmem_shared>>
        %dma_start3A_29 = arith.constant 0 : i32
        %dma_start3A_30 = tpu.memref_slice %arg14[%add3A_27, %dma_start3A_29] : memref<10000x128xf32, #tpu.memory_space<vmem_shared>> -> memref<200x128xf32, #tpu.memory_space<vmem_shared>>
        tpu.enqueue_dma source(%arg13 : memref<200x128xf32, #tpu.memory_space<vmem>>) target(%dma_start3A_30 : memref<200x128xf32, #tpu.memory_space<vmem_shared>>) target_semaphore(%run_scoped3A : memref<!tpu.dma_semaphore, #tpu.memory_space<semaphore_mem>>)
        %dma_wait3A = arith.constant 0 : i32
        %dma_wait3A_31 = tpu.memref_slice %arg14[%add3A_27, %dma_wait3A] : memref<10000x128xf32, #tpu.memory_space<vmem_shared>> -> memref<200x128xf32, #tpu.memory_space<vmem_shared>>
        %dma_wait3A_32 = arith.constant 0 : i32
        %dma_wait3A_33 = tpu.memref_slice %arg14[%add3A_27, %dma_wait3A_32] : memref<10000x128xf32, #tpu.memory_space<vmem_shared>> -> memref<200x128xf32, #tpu.memory_space<vmem_shared>>
        tpu.wait_dma2 semaphore(%run_scoped3A : memref<!tpu.dma_semaphore, #tpu.memory_space<semaphore_mem>>) src(%arg13 : memref<200x128xf32, #tpu.memory_space<vmem>>) dst(%dma_wait3A_33 : memref<200x128xf32, #tpu.memory_space<vmem_shared>>)
        tpu.yield
      }) : () -> ()
    } else {
    }
    %barrier3A = arith.constant 0 : index
    tpu.barrier barrier_id(%barrier3A)
    %scan3A = arith.constant 0 : i32
    %scan3A_5 = arith.constant 0 : i32
    %scan3A_6 = arith.constant 125 : i32
    %scan3A_7 = arith.addi %scan3A_5, %scan3A_6 : i32
    %scan3A_8 = arith.constant 1 : i32
    scf.for %scan3A_16 = %scan3A_5 to %scan3A_7 step %scan3A_8  : i32 {
      %mul3A_17 = arith.constant 80 : i32
      %mul3A_18 = arith.muli %scan3A_16, %mul3A_17 : i32
      %add3A_19 = arith.addi %mul3A_2, %mul3A_18 : i32
      "tpu.region"() ({
        %run_scoped3A = tpu.sem_alloc : memref<!tpu.dma_semaphore, #tpu.memory_space<semaphore_mem>>
        %dma_start3A_24 = tpu.memref_slice %arg4[%add3A_19] : memref<320000xi32, #tpu.memory_space<hbm>> -> memref<80xi32, #tpu.memory_space<hbm>>
        %dma_start3A_25 = tpu.memref_slice %arg4[%add3A_19] : memref<320000xi32, #tpu.memory_space<hbm>> -> memref<80xi32, #tpu.memory_space<hbm>>
        tpu.enqueue_dma source(%dma_start3A_25 : memref<80xi32, #tpu.memory_space<hbm>>) target(%arg9 : memref<80xi32, #tpu.memory_space<vmem>>) target_semaphore(%run_scoped3A : memref<!tpu.dma_semaphore, #tpu.memory_space<semaphore_mem>>)
        %dma_wait3A_26 = tpu.memref_slice %arg4[%add3A_19] : memref<320000xi32, #tpu.memory_space<hbm>> -> memref<80xi32, #tpu.memory_space<hbm>>
        %dma_wait3A_27 = tpu.memref_slice %arg4[%add3A_19] : memref<320000xi32, #tpu.memory_space<hbm>> -> memref<80xi32, #tpu.memory_space<hbm>>
        tpu.wait_dma2 semaphore(%run_scoped3A : memref<!tpu.dma_semaphore, #tpu.memory_space<semaphore_mem>>) src(%dma_wait3A_27 : memref<80xi32, #tpu.memory_space<hbm>>) dst(%arg9 : memref<80xi32, #tpu.memory_space<vmem>>)
        tpu.yield
      }) : () -> ()
      "tpu.region"() ({
        %run_scoped3A = tpu.sem_alloc : memref<!tpu.dma_semaphore, #tpu.memory_space<semaphore_mem>>
        %dma_start3A_24 = tpu.memref_slice %arg5[%add3A_19] : memref<320000xi32, #tpu.memory_space<hbm>> -> memref<80xi32, #tpu.memory_space<hbm>>
        %dma_start3A_25 = tpu.memref_slice %arg5[%add3A_19] : memref<320000xi32, #tpu.memory_space<hbm>> -> memref<80xi32, #tpu.memory_space<hbm>>
        tpu.enqueue_dma source(%dma_start3A_25 : memref<80xi32, #tpu.memory_space<hbm>>) target(%arg10 : memref<80xi32, #tpu.memory_space<vmem>>) target_semaphore(%run_scoped3A : memref<!tpu.dma_semaphore, #tpu.memory_space<semaphore_mem>>)
        %dma_wait3A_26 = tpu.memref_slice %arg5[%add3A_19] : memref<320000xi32, #tpu.memory_space<hbm>> -> memref<80xi32, #tpu.memory_space<hbm>>
        %dma_wait3A_27 = tpu.memref_slice %arg5[%add3A_19] : memref<320000xi32, #tpu.memory_space<hbm>> -> memref<80xi32, #tpu.memory_space<hbm>>
        tpu.wait_dma2 semaphore(%run_scoped3A : memref<!tpu.dma_semaphore, #tpu.memory_space<semaphore_mem>>) src(%dma_wait3A_27 : memref<80xi32, #tpu.memory_space<hbm>>) dst(%arg10 : memref<80xi32, #tpu.memory_space<vmem>>)
        tpu.yield
      }) : () -> ()
      "tpu.region"() ({
        %run_scoped3A = tpu.sem_alloc : memref<!tpu.dma_semaphore, #tpu.memory_space<semaphore_mem>>
        %dma_start3A_24 = arith.constant 0 : i32
        %dma_start3A_25 = tpu.memref_slice %arg2[%add3A_19, %dma_start3A_24] : memref<320000x128xf32, #tpu.memory_space<hbm>> -> memref<80x128xf32, #tpu.memory_space<hbm>>
        %dma_start3A_26 = arith.constant 0 : i32
        %dma_start3A_27 = tpu.memref_slice %arg2[%add3A_19, %dma_start3A_26] : memref<320000x128xf32, #tpu.memory_space<hbm>> -> memref<80x128xf32, #tpu.memory_space<hbm>>
        tpu.enqueue_dma source(%dma_start3A_27 : memref<80x128xf32, #tpu.memory_space<hbm>>) target(%arg11 : memref<80x128xf32, #tpu.memory_space<vmem>>) target_semaphore(%run_scoped3A : memref<!tpu.dma_semaphore, #tpu.memory_space<semaphore_mem>>)
        %dma_wait3A_28 = arith.constant 0 : i32
        %dma_wait3A_29 = tpu.memref_slice %arg2[%add3A_19, %dma_wait3A_28] : memref<320000x128xf32, #tpu.memory_space<hbm>> -> memref<80x128xf32, #tpu.memory_space<hbm>>
        %dma_wait3A_30 = arith.constant 0 : i32
        %dma_wait3A_31 = tpu.memref_slice %arg2[%add3A_19, %dma_wait3A_30] : memref<320000x128xf32, #tpu.memory_space<hbm>> -> memref<80x128xf32, #tpu.memory_space<hbm>>
        tpu.wait_dma2 semaphore(%run_scoped3A : memref<!tpu.dma_semaphore, #tpu.memory_space<semaphore_mem>>) src(%dma_wait3A_31 : memref<80x128xf32, #tpu.memory_space<hbm>>) dst(%arg11 : memref<80x128xf32, #tpu.memory_space<vmem>>)
        tpu.yield
      }) : () -> ()
      %dma_start3A = arith.constant 0 : i32
      %dma_start3A_20 = arith.constant 0 : i32
      %dma_start3A_21 = tpu.memref_slice %arg3[%dma_start3A, %dma_start3A_20] : memref<10000x128xf32, #tpu.memory_space<hbm>> -> memref<10000x128xf32, #tpu.memory_space<hbm>>
      tpu.enqueue_indirect_dma source(%dma_start3A_21 : memref<10000x128xf32, #tpu.memory_space<hbm>>) target(%arg12 : memref<80x128xf32, #tpu.memory_space<vmem>>) offsets(%arg9 : memref<80xi32, #tpu.memory_space<vmem>>) semaphore(%arg15 : memref<!tpu.dma_semaphore, #tpu.memory_space<semaphore_mem>>)
      %dma_wait3A = arith.constant 0 : i32
      %dma_wait3A_22 = arith.constant 0 : i32
      %dma_wait3A_23 = tpu.memref_slice %arg3[%dma_wait3A, %dma_wait3A_22] : memref<10000x128xf32, #tpu.memory_space<hbm>> -> memref<10000x128xf32, #tpu.memory_space<hbm>>
      tpu.wait_indirect_dma semaphore(%arg15 : memref<!tpu.dma_semaphore, #tpu.memory_space<semaphore_mem>>) src(%dma_wait3A_23 : memref<10000x128xf32, #tpu.memory_space<hbm>>) dst(%arg12 : memref<80x128xf32, #tpu.memory_space<vmem>>)
      "tpu.region"() ({
        %run_scoped3A = tpu.sem_alloc : memref<!tpu.dma_semaphore, #tpu.memory_space<semaphore_mem>>
        %dma_start3A_24 = arith.constant 0 : i32
        %dma_start3A_25 = tpu.memref_slice %arg7[%add3A_19, %dma_start3A_24] : memref<320000x128xf32, #tpu.memory_space<hbm>> -> memref<80x128xf32, #tpu.memory_space<hbm>>
        %dma_start3A_26 = arith.constant 0 : i32
        %dma_start3A_27 = tpu.memref_slice %arg7[%add3A_19, %dma_start3A_26] : memref<320000x128xf32, #tpu.memory_space<hbm>> -> memref<80x128xf32, #tpu.memory_space<hbm>>
        tpu.enqueue_dma source(%arg12 : memref<80x128xf32, #tpu.memory_space<vmem>>) target(%dma_start3A_27 : memref<80x128xf32, #tpu.memory_space<hbm>>) target_semaphore(%run_scoped3A : memref<!tpu.dma_semaphore, #tpu.memory_space<semaphore_mem>>)
        %dma_wait3A_28 = arith.constant 0 : i32
        %dma_wait3A_29 = tpu.memref_slice %arg7[%add3A_19, %dma_wait3A_28] : memref<320000x128xf32, #tpu.memory_space<hbm>> -> memref<80x128xf32, #tpu.memory_space<hbm>>
        %dma_wait3A_30 = arith.constant 0 : i32
        %dma_wait3A_31 = tpu.memref_slice %arg7[%add3A_19, %dma_wait3A_30] : memref<320000x128xf32, #tpu.memory_space<hbm>> -> memref<80x128xf32, #tpu.memory_space<hbm>>
        tpu.wait_dma2 semaphore(%run_scoped3A : memref<!tpu.dma_semaphore, #tpu.memory_space<semaphore_mem>>) src(%arg12 : memref<80x128xf32, #tpu.memory_space<vmem>>) dst(%dma_wait3A_31 : memref<80x128xf32, #tpu.memory_space<hbm>>)
        tpu.yield
      }) : () -> ()
      "tpu.region"() ({
        %run_scoped3A = tpu.sem_alloc : memref<!tpu.dma_semaphore, #tpu.memory_space<semaphore_mem>>
        %dma_start3A_24 = arith.constant 0 : i32
        %dma_start3A_25 = arith.constant 0 : i32
        %dma_start3A_26 = tpu.memref_slice %arg14[%dma_start3A_24, %dma_start3A_25] : memref<10000x128xf32, #tpu.memory_space<vmem_shared>> -> memref<10000x128xf32, #tpu.memory_space<vmem_shared>>
        tpu.enqueue_indirect_dma source(%arg12 : memref<80x128xf32, #tpu.memory_space<vmem>>) target(%dma_start3A_26 : memref<10000x128xf32, #tpu.memory_space<vmem_shared>>) offsets(%arg10 : memref<80xi32, #tpu.memory_space<vmem>>) semaphore(%run_scoped3A : memref<!tpu.dma_semaphore, #tpu.memory_space<semaphore_mem>>) {add = true}
        %dma_wait3A_27 = arith.constant 0 : i32
        %dma_wait3A_28 = arith.constant 0 : i32
        %dma_wait3A_29 = tpu.memref_slice %arg14[%dma_wait3A_27, %dma_wait3A_28] : memref<10000x128xf32, #tpu.memory_space<vmem_shared>> -> memref<10000x128xf32, #tpu.memory_space<vmem_shared>>
        tpu.wait_indirect_dma semaphore(%run_scoped3A : memref<!tpu.dma_semaphore, #tpu.memory_space<semaphore_mem>>) src(%arg12 : memref<80x128xf32, #tpu.memory_space<vmem>>) dst(%dma_wait3A_29 : memref<10000x128xf32, #tpu.memory_space<vmem_shared>>)
        tpu.yield
      }) : () -> ()
      "tpu.region"() ({
        %run_scoped3A = tpu.sem_alloc : memref<!tpu.dma_semaphore, #tpu.memory_space<semaphore_mem>>
        %dma_start3A_24 = arith.constant 0 : i32
        %dma_start3A_25 = arith.constant 0 : i32
        %dma_start3A_26 = tpu.memref_slice %arg14[%dma_start3A_24, %dma_start3A_25] : memref<10000x128xf32, #tpu.memory_space<vmem_shared>> -> memref<10000x128xf32, #tpu.memory_space<vmem_shared>>
        tpu.enqueue_indirect_dma source(%arg11 : memref<80x128xf32, #tpu.memory_space<vmem>>) target(%dma_start3A_26 : memref<10000x128xf32, #tpu.memory_space<vmem_shared>>) offsets(%arg10 : memref<80xi32, #tpu.memory_space<vmem>>) semaphore(%run_scoped3A : memref<!tpu.dma_semaphore, #tpu.memory_space<semaphore_mem>>) {add = true}
        %dma_wait3A_27 = arith.constant 0 : i32
        %dma_wait3A_28 = arith.constant 0 : i32
        %dma_wait3A_29 = tpu.memref_slice %arg14[%dma_wait3A_27, %dma_wait3A_28] : memref<10000x128xf32, #tpu.memory_space<vmem_shared>> -> memref<10000x128xf32, #tpu.memory_space<vmem_shared>>
        tpu.wait_indirect_dma semaphore(%run_scoped3A : memref<!tpu.dma_semaphore, #tpu.memory_space<semaphore_mem>>) src(%arg11 : memref<80x128xf32, #tpu.memory_space<vmem>>) dst(%dma_wait3A_29 : memref<10000x128xf32, #tpu.memory_space<vmem_shared>>)
        tpu.yield
      }) : () -> ()
    }
    %scan3A_9 = arith.constant 125 : i32
    %barrier3A_10 = arith.constant 0 : index
    tpu.barrier barrier_id(%barrier3A_10)
    %lt3A_11 = arith.constant 10 : i32
    %lt3A_12 = arith.cmpi slt, %arg1, %lt3A_11 : i32
    %convert_element_type3A_13 = arith.extui %lt3A_12 : i1 to i32
    %cond3A_14 = arith.constant 0 : i32
    %cond3A_15 = arith.cmpi ne, %convert_element_type3A_13, %cond3A_14 : i32
    scf.if %cond3A_15 {
      %mul3A_16 = arith.constant 1000 : i32
      %mul3A_17 = arith.muli %arg1, %mul3A_16 : i32
      %add3A_18 = arith.constant 0 : i32
      %add3A_19 = arith.addi %mul3A_17, %add3A_18 : i32
      "tpu.region"() ({
        %run_scoped3A = tpu.sem_alloc : memref<!tpu.dma_semaphore, #tpu.memory_space<semaphore_mem>>
        %dma_start3A = arith.constant 0 : i32
        %dma_start3A_53 = tpu.memref_slice %arg14[%add3A_19, %dma_start3A] : memref<10000x128xf32, #tpu.memory_space<vmem_shared>> -> memref<200x128xf32, #tpu.memory_space<vmem_shared>>
        %dma_start3A_54 = arith.constant 0 : i32
        %dma_start3A_55 = tpu.memref_slice %arg14[%add3A_19, %dma_start3A_54] : memref<10000x128xf32, #tpu.memory_space<vmem_shared>> -> memref<200x128xf32, #tpu.memory_space<vmem_shared>>
        tpu.enqueue_dma source(%dma_start3A_55 : memref<200x128xf32, #tpu.memory_space<vmem_shared>>) target(%arg13 : memref<200x128xf32, #tpu.memory_space<vmem>>) target_semaphore(%run_scoped3A : memref<!tpu.dma_semaphore, #tpu.memory_space<semaphore_mem>>)
        %dma_wait3A = arith.constant 0 : i32
        %dma_wait3A_56 = tpu.memref_slice %arg14[%add3A_19, %dma_wait3A] : memref<10000x128xf32, #tpu.memory_space<vmem_shared>> -> memref<200x128xf32, #tpu.memory_space<vmem_shared>>
        %dma_wait3A_57 = arith.constant 0 : i32
        %dma_wait3A_58 = tpu.memref_slice %arg14[%add3A_19, %dma_wait3A_57] : memref<10000x128xf32, #tpu.memory_space<vmem_shared>> -> memref<200x128xf32, #tpu.memory_space<vmem_shared>>
        tpu.wait_dma2 semaphore(%run_scoped3A : memref<!tpu.dma_semaphore, #tpu.memory_space<semaphore_mem>>) src(%dma_wait3A_58 : memref<200x128xf32, #tpu.memory_space<vmem_shared>>) dst(%arg13 : memref<200x128xf32, #tpu.memory_space<vmem>>)
        tpu.yield
      }) : () -> ()
      %mul3A_20 = arith.constant 10000 : i32
      %mul3A_21 = arith.muli %arg0, %mul3A_20 : i32
      %add3A_22 = arith.addi %mul3A_21, %mul3A_17 : i32
      %add3A_23 = arith.constant 0 : i32
      %add3A_24 = arith.addi %add3A_22, %add3A_23 : i32
      "tpu.region"() ({
        %run_scoped3A = tpu.sem_alloc : memref<!tpu.dma_semaphore, #tpu.memory_space<semaphore_mem>>
        %dma_start3A = arith.constant 0 : i32
        %dma_start3A_53 = tpu.memref_slice %arg8[%add3A_24, %dma_start3A] : memref<20000x128xf32, #tpu.memory_space<hbm>> -> memref<200x128xf32, #tpu.memory_space<hbm>>
        %dma_start3A_54 = arith.constant 0 : i32
        %dma_start3A_55 = tpu.memref_slice %arg8[%add3A_24, %dma_start3A_54] : memref<20000x128xf32, #tpu.memory_space<hbm>> -> memref<200x128xf32, #tpu.memory_space<hbm>>
        tpu.enqueue_dma source(%arg13 : memref<200x128xf32, #tpu.memory_space<vmem>>) target(%dma_start3A_55 : memref<200x128xf32, #tpu.memory_space<hbm>>) target_semaphore(%run_scoped3A : memref<!tpu.dma_semaphore, #tpu.memory_space<semaphore_mem>>)
        %dma_wait3A = arith.constant 0 : i32
        %dma_wait3A_56 = tpu.memref_slice %arg8[%add3A_24, %dma_wait3A] : memref<20000x128xf32, #tpu.memory_space<hbm>> -> memref<200x128xf32, #tpu.memory_space<hbm>>
        %dma_wait3A_57 = arith.constant 0 : i32
        %dma_wait3A_58 = tpu.memref_slice %arg8[%add3A_24, %dma_wait3A_57] : memref<20000x128xf32, #tpu.memory_space<hbm>> -> memref<200x128xf32, #tpu.memory_space<hbm>>
        tpu.wait_dma2 semaphore(%run_scoped3A : memref<!tpu.dma_semaphore, #tpu.memory_space<semaphore_mem>>) src(%arg13 : memref<200x128xf32, #tpu.memory_space<vmem>>) dst(%dma_wait3A_58 : memref<200x128xf32, #tpu.memory_space<hbm>>)
        tpu.yield
      }) : () -> ()
      %add3A_25 = arith.constant 200 : i32
      %add3A_26 = arith.addi %mul3A_17, %add3A_25 : i32
      "tpu.region"() ({
        %run_scoped3A = tpu.sem_alloc : memref<!tpu.dma_semaphore, #tpu.memory_space<semaphore_mem>>
        %dma_start3A = arith.constant 0 : i32
        %dma_start3A_53 = tpu.memref_slice %arg14[%add3A_26, %dma_start3A] : memref<10000x128xf32, #tpu.memory_space<vmem_shared>> -> memref<200x128xf32, #tpu.memory_space<vmem_shared>>
        %dma_start3A_54 = arith.constant 0 : i32
        %dma_start3A_55 = tpu.memref_slice %arg14[%add3A_26, %dma_start3A_54] : memref<10000x128xf32, #tpu.memory_space<vmem_shared>> -> memref<200x128xf32, #tpu.memory_space<vmem_shared>>
        tpu.enqueue_dma source(%dma_start3A_55 : memref<200x128xf32, #tpu.memory_space<vmem_shared>>) target(%arg13 : memref<200x128xf32, #tpu.memory_space<vmem>>) target_semaphore(%run_scoped3A : memref<!tpu.dma_semaphore, #tpu.memory_space<semaphore_mem>>)
        %dma_wait3A = arith.constant 0 : i32
        %dma_wait3A_56 = tpu.memref_slice %arg14[%add3A_26, %dma_wait3A] : memref<10000x128xf32, #tpu.memory_space<vmem_shared>> -> memref<200x128xf32, #tpu.memory_space<vmem_shared>>
        %dma_wait3A_57 = arith.constant 0 : i32
        %dma_wait3A_58 = tpu.memref_slice %arg14[%add3A_26, %dma_wait3A_57] : memref<10000x128xf32, #tpu.memory_space<vmem_shared>> -> memref<200x128xf32, #tpu.memory_space<vmem_shared>>
        tpu.wait_dma2 semaphore(%run_scoped3A : memref<!tpu.dma_semaphore, #tpu.memory_space<semaphore_mem>>) src(%dma_wait3A_58 : memref<200x128xf32, #tpu.memory_space<vmem_shared>>) dst(%arg13 : memref<200x128xf32, #tpu.memory_space<vmem>>)
        tpu.yield
      }) : () -> ()
      %mul3A_27 = arith.constant 10000 : i32
      %mul3A_28 = arith.muli %arg0, %mul3A_27 : i32
      %add3A_29 = arith.addi %mul3A_28, %mul3A_17 : i32
      %add3A_30 = arith.constant 200 : i32
      %add3A_31 = arith.addi %add3A_29, %add3A_30 : i32
      "tpu.region"() ({
        %run_scoped3A = tpu.sem_alloc : memref<!tpu.dma_semaphore, #tpu.memory_space<semaphore_mem>>
        %dma_start3A = arith.constant 0 : i32
        %dma_start3A_53 = tpu.memref_slice %arg8[%add3A_31, %dma_start3A] : memref<20000x128xf32, #tpu.memory_space<hbm>> -> memref<200x128xf32, #tpu.memory_space<hbm>>
        %dma_start3A_54 = arith.constant 0 : i32
        %dma_start3A_55 = tpu.memref_slice %arg8[%add3A_31, %dma_start3A_54] : memref<20000x128xf32, #tpu.memory_space<hbm>> -> memref<200x128xf32, #tpu.memory_space<hbm>>
        tpu.enqueue_dma source(%arg13 : memref<200x128xf32, #tpu.memory_space<vmem>>) target(%dma_start3A_55 : memref<200x128xf32, #tpu.memory_space<hbm>>) target_semaphore(%run_scoped3A : memref<!tpu.dma_semaphore, #tpu.memory_space<semaphore_mem>>)
        %dma_wait3A = arith.constant 0 : i32
        %dma_wait3A_56 = tpu.memref_slice %arg8[%add3A_31, %dma_wait3A] : memref<20000x128xf32, #tpu.memory_space<hbm>> -> memref<200x128xf32, #tpu.memory_space<hbm>>
        %dma_wait3A_57 = arith.constant 0 : i32
        %dma_wait3A_58 = tpu.memref_slice %arg8[%add3A_31, %dma_wait3A_57] : memref<20000x128xf32, #tpu.memory_space<hbm>> -> memref<200x128xf32, #tpu.memory_space<hbm>>
        tpu.wait_dma2 semaphore(%run_scoped3A : memref<!tpu.dma_semaphore, #tpu.memory_space<semaphore_mem>>) src(%arg13 : memref<200x128xf32, #tpu.memory_space<vmem>>) dst(%dma_wait3A_58 : memref<200x128xf32, #tpu.memory_space<hbm>>)
        tpu.yield
      }) : () -> ()
      %add3A_32 = arith.constant 400 : i32
      %add3A_33 = arith.addi %mul3A_17, %add3A_32 : i32
      "tpu.region"() ({
        %run_scoped3A = tpu.sem_alloc : memref<!tpu.dma_semaphore, #tpu.memory_space<semaphore_mem>>
        %dma_start3A = arith.constant 0 : i32
        %dma_start3A_53 = tpu.memref_slice %arg14[%add3A_33, %dma_start3A] : memref<10000x128xf32, #tpu.memory_space<vmem_shared>> -> memref<200x128xf32, #tpu.memory_space<vmem_shared>>
        %dma_start3A_54 = arith.constant 0 : i32
        %dma_start3A_55 = tpu.memref_slice %arg14[%add3A_33, %dma_start3A_54] : memref<10000x128xf32, #tpu.memory_space<vmem_shared>> -> memref<200x128xf32, #tpu.memory_space<vmem_shared>>
        tpu.enqueue_dma source(%dma_start3A_55 : memref<200x128xf32, #tpu.memory_space<vmem_shared>>) target(%arg13 : memref<200x128xf32, #tpu.memory_space<vmem>>) target_semaphore(%run_scoped3A : memref<!tpu.dma_semaphore, #tpu.memory_space<semaphore_mem>>)
        %dma_wait3A = arith.constant 0 : i32
        %dma_wait3A_56 = tpu.memref_slice %arg14[%add3A_33, %dma_wait3A] : memref<10000x128xf32, #tpu.memory_space<vmem_shared>> -> memref<200x128xf32, #tpu.memory_space<vmem_shared>>
        %dma_wait3A_57 = arith.constant 0 : i32
        %dma_wait3A_58 = tpu.memref_slice %arg14[%add3A_33, %dma_wait3A_57] : memref<10000x128xf32, #tpu.memory_space<vmem_shared>> -> memref<200x128xf32, #tpu.memory_space<vmem_shared>>
        tpu.wait_dma2 semaphore(%run_scoped3A : memref<!tpu.dma_semaphore, #tpu.memory_space<semaphore_mem>>) src(%dma_wait3A_58 : memref<200x128xf32, #tpu.memory_space<vmem_shared>>) dst(%arg13 : memref<200x128xf32, #tpu.memory_space<vmem>>)
        tpu.yield
      }) : () -> ()
      %mul3A_34 = arith.constant 10000 : i32
      %mul3A_35 = arith.muli %arg0, %mul3A_34 : i32
      %add3A_36 = arith.addi %mul3A_35, %mul3A_17 : i32
      %add3A_37 = arith.constant 400 : i32
      %add3A_38 = arith.addi %add3A_36, %add3A_37 : i32
      "tpu.region"() ({
        %run_scoped3A = tpu.sem_alloc : memref<!tpu.dma_semaphore, #tpu.memory_space<semaphore_mem>>
        %dma_start3A = arith.constant 0 : i32
        %dma_start3A_53 = tpu.memref_slice %arg8[%add3A_38, %dma_start3A] : memref<20000x128xf32, #tpu.memory_space<hbm>> -> memref<200x128xf32, #tpu.memory_space<hbm>>
        %dma_start3A_54 = arith.constant 0 : i32
        %dma_start3A_55 = tpu.memref_slice %arg8[%add3A_38, %dma_start3A_54] : memref<20000x128xf32, #tpu.memory_space<hbm>> -> memref<200x128xf32, #tpu.memory_space<hbm>>
        tpu.enqueue_dma source(%arg13 : memref<200x128xf32, #tpu.memory_space<vmem>>) target(%dma_start3A_55 : memref<200x128xf32, #tpu.memory_space<hbm>>) target_semaphore(%run_scoped3A : memref<!tpu.dma_semaphore, #tpu.memory_space<semaphore_mem>>)
        %dma_wait3A = arith.constant 0 : i32
        %dma_wait3A_56 = tpu.memref_slice %arg8[%add3A_38, %dma_wait3A] : memref<20000x128xf32, #tpu.memory_space<hbm>> -> memref<200x128xf32, #tpu.memory_space<hbm>>
        %dma_wait3A_57 = arith.constant 0 : i32
        %dma_wait3A_58 = tpu.memref_slice %arg8[%add3A_38, %dma_wait3A_57] : memref<20000x128xf32, #tpu.memory_space<hbm>> -> memref<200x128xf32, #tpu.memory_space<hbm>>
        tpu.wait_dma2 semaphore(%run_scoped3A : memref<!tpu.dma_semaphore, #tpu.memory_space<semaphore_mem>>) src(%arg13 : memref<200x128xf32, #tpu.memory_space<vmem>>) dst(%dma_wait3A_58 : memref<200x128xf32, #tpu.memory_space<hbm>>)
        tpu.yield
      }) : () -> ()
      %add3A_39 = arith.constant 600 : i32
      %add3A_40 = arith.addi %mul3A_17, %add3A_39 : i32
      "tpu.region"() ({
        %run_scoped3A = tpu.sem_alloc : memref<!tpu.dma_semaphore, #tpu.memory_space<semaphore_mem>>
        %dma_start3A = arith.constant 0 : i32
        %dma_start3A_53 = tpu.memref_slice %arg14[%add3A_40, %dma_start3A] : memref<10000x128xf32, #tpu.memory_space<vmem_shared>> -> memref<200x128xf32, #tpu.memory_space<vmem_shared>>
        %dma_start3A_54 = arith.constant 0 : i32
        %dma_start3A_55 = tpu.memref_slice %arg14[%add3A_40, %dma_start3A_54] : memref<10000x128xf32, #tpu.memory_space<vmem_shared>> -> memref<200x128xf32, #tpu.memory_space<vmem_shared>>
        tpu.enqueue_dma source(%dma_start3A_55 : memref<200x128xf32, #tpu.memory_space<vmem_shared>>) target(%arg13 : memref<200x128xf32, #tpu.memory_space<vmem>>) target_semaphore(%run_scoped3A : memref<!tpu.dma_semaphore, #tpu.memory_space<semaphore_mem>>)
        %dma_wait3A = arith.constant 0 : i32
        %dma_wait3A_56 = tpu.memref_slice %arg14[%add3A_40, %dma_wait3A] : memref<10000x128xf32, #tpu.memory_space<vmem_shared>> -> memref<200x128xf32, #tpu.memory_space<vmem_shared>>
        %dma_wait3A_57 = arith.constant 0 : i32
        %dma_wait3A_58 = tpu.memref_slice %arg14[%add3A_40, %dma_wait3A_57] : memref<10000x128xf32, #tpu.memory_space<vmem_shared>> -> memref<200x128xf32, #tpu.memory_space<vmem_shared>>
        tpu.wait_dma2 semaphore(%run_scoped3A : memref<!tpu.dma_semaphore, #tpu.memory_space<semaphore_mem>>) src(%dma_wait3A_58 : memref<200x128xf32, #tpu.memory_space<vmem_shared>>) dst(%arg13 : memref<200x128xf32, #tpu.memory_space<vmem>>)
        tpu.yield
      }) : () -> ()
      %mul3A_41 = arith.constant 10000 : i32
      %mul3A_42 = arith.muli %arg0, %mul3A_41 : i32
      %add3A_43 = arith.addi %mul3A_42, %mul3A_17 : i32
      %add3A_44 = arith.constant 600 : i32
      %add3A_45 = arith.addi %add3A_43, %add3A_44 : i32
      "tpu.region"() ({
        %run_scoped3A = tpu.sem_alloc : memref<!tpu.dma_semaphore, #tpu.memory_space<semaphore_mem>>
        %dma_start3A = arith.constant 0 : i32
        %dma_start3A_53 = tpu.memref_slice %arg8[%add3A_45, %dma_start3A] : memref<20000x128xf32, #tpu.memory_space<hbm>> -> memref<200x128xf32, #tpu.memory_space<hbm>>
        %dma_start3A_54 = arith.constant 0 : i32
        %dma_start3A_55 = tpu.memref_slice %arg8[%add3A_45, %dma_start3A_54] : memref<20000x128xf32, #tpu.memory_space<hbm>> -> memref<200x128xf32, #tpu.memory_space<hbm>>
        tpu.enqueue_dma source(%arg13 : memref<200x128xf32, #tpu.memory_space<vmem>>) target(%dma_start3A_55 : memref<200x128xf32, #tpu.memory_space<hbm>>) target_semaphore(%run_scoped3A : memref<!tpu.dma_semaphore, #tpu.memory_space<semaphore_mem>>)
        %dma_wait3A = arith.constant 0 : i32
        %dma_wait3A_56 = tpu.memref_slice %arg8[%add3A_45, %dma_wait3A] : memref<20000x128xf32, #tpu.memory_space<hbm>> -> memref<200x128xf32, #tpu.memory_space<hbm>>
        %dma_wait3A_57 = arith.constant 0 : i32
        %dma_wait3A_58 = tpu.memref_slice %arg8[%add3A_45, %dma_wait3A_57] : memref<20000x128xf32, #tpu.memory_space<hbm>> -> memref<200x128xf32, #tpu.memory_space<hbm>>
        tpu.wait_dma2 semaphore(%run_scoped3A : memref<!tpu.dma_semaphore, #tpu.memory_space<semaphore_mem>>) src(%arg13 : memref<200x128xf32, #tpu.memory_space<vmem>>) dst(%dma_wait3A_58 : memref<200x128xf32, #tpu.memory_space<hbm>>)
        tpu.yield
      }) : () -> ()
      %add3A_46 = arith.constant 800 : i32
      %add3A_47 = arith.addi %mul3A_17, %add3A_46 : i32
      "tpu.region"() ({
        %run_scoped3A = tpu.sem_alloc : memref<!tpu.dma_semaphore, #tpu.memory_space<semaphore_mem>>
        %dma_start3A = arith.constant 0 : i32
        %dma_start3A_53 = tpu.memref_slice %arg14[%add3A_47, %dma_start3A] : memref<10000x128xf32, #tpu.memory_space<vmem_shared>> -> memref<200x128xf32, #tpu.memory_space<vmem_shared>>
        %dma_start3A_54 = arith.constant 0 : i32
        %dma_start3A_55 = tpu.memref_slice %arg14[%add3A_47, %dma_start3A_54] : memref<10000x128xf32, #tpu.memory_space<vmem_shared>> -> memref<200x128xf32, #tpu.memory_space<vmem_shared>>
        tpu.enqueue_dma source(%dma_start3A_55 : memref<200x128xf32, #tpu.memory_space<vmem_shared>>) target(%arg13 : memref<200x128xf32, #tpu.memory_space<vmem>>) target_semaphore(%run_scoped3A : memref<!tpu.dma_semaphore, #tpu.memory_space<semaphore_mem>>)
        %dma_wait3A = arith.constant 0 : i32
        %dma_wait3A_56 = tpu.memref_slice %arg14[%add3A_47, %dma_wait3A] : memref<10000x128xf32, #tpu.memory_space<vmem_shared>> -> memref<200x128xf32, #tpu.memory_space<vmem_shared>>
        %dma_wait3A_57 = arith.constant 0 : i32
        %dma_wait3A_58 = tpu.memref_slice %arg14[%add3A_47, %dma_wait3A_57] : memref<10000x128xf32, #tpu.memory_space<vmem_shared>> -> memref<200x128xf32, #tpu.memory_space<vmem_shared>>
        tpu.wait_dma2 semaphore(%run_scoped3A : memref<!tpu.dma_semaphore, #tpu.memory_space<semaphore_mem>>) src(%dma_wait3A_58 : memref<200x128xf32, #tpu.memory_space<vmem_shared>>) dst(%arg13 : memref<200x128xf32, #tpu.memory_space<vmem>>)
        tpu.yield
      }) : () -> ()
      %mul3A_48 = arith.constant 10000 : i32
      %mul3A_49 = arith.muli %arg0, %mul3A_48 : i32
      %add3A_50 = arith.addi %mul3A_49, %mul3A_17 : i32
      %add3A_51 = arith.constant 800 : i32
      %add3A_52 = arith.addi %add3A_50, %add3A_51 : i32
      "tpu.region"() ({
        %run_scoped3A = tpu.sem_alloc : memref<!tpu.dma_semaphore, #tpu.memory_space<semaphore_mem>>
        %dma_start3A = arith.constant 0 : i32
        %dma_start3A_53 = tpu.memref_slice %arg8[%add3A_52, %dma_start3A] : memref<20000x128xf32, #tpu.memory_space<hbm>> -> memref<200x128xf32, #tpu.memory_space<hbm>>
        %dma_start3A_54 = arith.constant 0 : i32
        %dma_start3A_55 = tpu.memref_slice %arg8[%add3A_52, %dma_start3A_54] : memref<20000x128xf32, #tpu.memory_space<hbm>> -> memref<200x128xf32, #tpu.memory_space<hbm>>
        tpu.enqueue_dma source(%arg13 : memref<200x128xf32, #tpu.memory_space<vmem>>) target(%dma_start3A_55 : memref<200x128xf32, #tpu.memory_space<hbm>>) target_semaphore(%run_scoped3A : memref<!tpu.dma_semaphore, #tpu.memory_space<semaphore_mem>>)
        %dma_wait3A = arith.constant 0 : i32
        %dma_wait3A_56 = tpu.memref_slice %arg8[%add3A_52, %dma_wait3A] : memref<20000x128xf32, #tpu.memory_space<hbm>> -> memref<200x128xf32, #tpu.memory_space<hbm>>
        %dma_wait3A_57 = arith.constant 0 : i32
        %dma_wait3A_58 = tpu.memref_slice %arg8[%add3A_52, %dma_wait3A_57] : memref<20000x128xf32, #tpu.memory_space<hbm>> -> memref<200x128xf32, #tpu.memory_space<hbm>>
        tpu.wait_dma2 semaphore(%run_scoped3A : memref<!tpu.dma_semaphore, #tpu.memory_space<semaphore_mem>>) src(%arg13 : memref<200x128xf32, #tpu.memory_space<vmem>>) dst(%dma_wait3A_58 : memref<200x128xf32, #tpu.memory_space<hbm>>)
        tpu.yield
      }) : () -> ()
    } else {
    }
    return
  }
}

#map = affine_map<(d0, d1) -> (0)>
#map1 = affine_map<(d0, d1) -> (0, 0)>
module attributes {stable_mosaic.version = 14 : i64} {
  func.func @_sc_deg_body(%arg0: i32, %arg1: i32, %arg2: memref<320000xi32, #tpu.memory_space<hbm>>, %arg3: memref<200x128xf32, #tpu.memory_space<hbm>>, %arg4: memref<80x128xf32, #tpu.memory_space<hbm>>, %arg5: memref<20000x128xf32, #tpu.memory_space<hbm>>, %arg6: memref<80xi32, #tpu.memory_space<vmem>>, %arg7: memref<80x128xf32, #tpu.memory_space<vmem>>, %arg8: memref<200x128xf32, #tpu.memory_space<vmem>>, %arg9: memref<10000x128xf32, #tpu.memory_space<vmem_shared>>) attributes {dimension_semantics = [#tpu.dimension_semantics<core_parallel>, #tpu.dimension_semantics<subcore_parallel>], iteration_bounds = array<i64: 2, 16>, scalar_prefetch = 0 : i64, scratch_operands = 4 : i64, tpu.core_type = #tpu.core_type<sc_vector_subcore>, window_params = [{transform_indices = #map}, {transform_indices = #map1}, {transform_indices = #map1}, {transform_indices = #map1}]} {
    %mul3A = arith.constant 2 : i32
    %mul3A_0 = arith.muli %arg1, %mul3A : i32
    %add3A = arith.addi %mul3A_0, %arg0 : i32
    %mul3A_1 = arith.constant 10000 : i32
    %mul3A_2 = arith.muli %add3A, %mul3A_1 : i32
    %lt3A = arith.constant 10 : i32
    %lt3A_3 = arith.cmpi slt, %arg1, %lt3A : i32
    %convert_element_type3A = arith.extui %lt3A_3 : i1 to i32
    %cond3A = arith.constant 0 : i32
    %cond3A_4 = arith.cmpi ne, %convert_element_type3A, %cond3A : i32
    scf.if %cond3A_4 {
      "tpu.region"() ({
        %run_scoped3A = tpu.sem_alloc : memref<!tpu.dma_semaphore, #tpu.memory_space<semaphore_mem>>
        tpu.enqueue_dma source(%arg3 : memref<200x128xf32, #tpu.memory_space<hbm>>) target(%arg8 : memref<200x128xf32, #tpu.memory_space<vmem>>) target_semaphore(%run_scoped3A : memref<!tpu.dma_semaphore, #tpu.memory_space<semaphore_mem>>)
        tpu.wait_dma2 semaphore(%run_scoped3A : memref<!tpu.dma_semaphore, #tpu.memory_space<semaphore_mem>>) src(%arg3 : memref<200x128xf32, #tpu.memory_space<hbm>>) dst(%arg8 : memref<200x128xf32, #tpu.memory_space<vmem>>)
        tpu.yield
      }) : () -> ()
      %mul3A_16 = arith.constant 1000 : i32
      %mul3A_17 = arith.muli %arg1, %mul3A_16 : i32
      %add3A_18 = arith.constant 0 : i32
      %add3A_19 = arith.addi %mul3A_17, %add3A_18 : i32
      "tpu.region"() ({
        %run_scoped3A = tpu.sem_alloc : memref<!tpu.dma_semaphore, #tpu.memory_space<semaphore_mem>>
        %dma_start3A = arith.constant 0 : i32
        %dma_start3A_28 = tpu.memref_slice %arg9[%add3A_19, %dma_start3A] : memref<10000x128xf32, #tpu.memory_space<vmem_shared>> -> memref<200x128xf32, #tpu.memory_space<vmem_shared>>
        %dma_start3A_29 = arith.constant 0 : i32
        %dma_start3A_30 = tpu.memref_slice %arg9[%add3A_19, %dma_start3A_29] : memref<10000x128xf32, #tpu.memory_space<vmem_shared>> -> memref<200x128xf32, #tpu.memory_space<vmem_shared>>
        tpu.enqueue_dma source(%arg8 : memref<200x128xf32, #tpu.memory_space<vmem>>) target(%dma_start3A_30 : memref<200x128xf32, #tpu.memory_space<vmem_shared>>) target_semaphore(%run_scoped3A : memref<!tpu.dma_semaphore, #tpu.memory_space<semaphore_mem>>)
        %dma_wait3A = arith.constant 0 : i32
        %dma_wait3A_31 = tpu.memref_slice %arg9[%add3A_19, %dma_wait3A] : memref<10000x128xf32, #tpu.memory_space<vmem_shared>> -> memref<200x128xf32, #tpu.memory_space<vmem_shared>>
        %dma_wait3A_32 = arith.constant 0 : i32
        %dma_wait3A_33 = tpu.memref_slice %arg9[%add3A_19, %dma_wait3A_32] : memref<10000x128xf32, #tpu.memory_space<vmem_shared>> -> memref<200x128xf32, #tpu.memory_space<vmem_shared>>
        tpu.wait_dma2 semaphore(%run_scoped3A : memref<!tpu.dma_semaphore, #tpu.memory_space<semaphore_mem>>) src(%arg8 : memref<200x128xf32, #tpu.memory_space<vmem>>) dst(%dma_wait3A_33 : memref<200x128xf32, #tpu.memory_space<vmem_shared>>)
        tpu.yield
      }) : () -> ()
      %add3A_20 = arith.constant 200 : i32
      %add3A_21 = arith.addi %mul3A_17, %add3A_20 : i32
      "tpu.region"() ({
        %run_scoped3A = tpu.sem_alloc : memref<!tpu.dma_semaphore, #tpu.memory_space<semaphore_mem>>
        %dma_start3A = arith.constant 0 : i32
        %dma_start3A_28 = tpu.memref_slice %arg9[%add3A_21, %dma_start3A] : memref<10000x128xf32, #tpu.memory_space<vmem_shared>> -> memref<200x128xf32, #tpu.memory_space<vmem_shared>>
        %dma_start3A_29 = arith.constant 0 : i32
        %dma_start3A_30 = tpu.memref_slice %arg9[%add3A_21, %dma_start3A_29] : memref<10000x128xf32, #tpu.memory_space<vmem_shared>> -> memref<200x128xf32, #tpu.memory_space<vmem_shared>>
        tpu.enqueue_dma source(%arg8 : memref<200x128xf32, #tpu.memory_space<vmem>>) target(%dma_start3A_30 : memref<200x128xf32, #tpu.memory_space<vmem_shared>>) target_semaphore(%run_scoped3A : memref<!tpu.dma_semaphore, #tpu.memory_space<semaphore_mem>>)
        %dma_wait3A = arith.constant 0 : i32
        %dma_wait3A_31 = tpu.memref_slice %arg9[%add3A_21, %dma_wait3A] : memref<10000x128xf32, #tpu.memory_space<vmem_shared>> -> memref<200x128xf32, #tpu.memory_space<vmem_shared>>
        %dma_wait3A_32 = arith.constant 0 : i32
        %dma_wait3A_33 = tpu.memref_slice %arg9[%add3A_21, %dma_wait3A_32] : memref<10000x128xf32, #tpu.memory_space<vmem_shared>> -> memref<200x128xf32, #tpu.memory_space<vmem_shared>>
        tpu.wait_dma2 semaphore(%run_scoped3A : memref<!tpu.dma_semaphore, #tpu.memory_space<semaphore_mem>>) src(%arg8 : memref<200x128xf32, #tpu.memory_space<vmem>>) dst(%dma_wait3A_33 : memref<200x128xf32, #tpu.memory_space<vmem_shared>>)
        tpu.yield
      }) : () -> ()
      %add3A_22 = arith.constant 400 : i32
      %add3A_23 = arith.addi %mul3A_17, %add3A_22 : i32
      "tpu.region"() ({
        %run_scoped3A = tpu.sem_alloc : memref<!tpu.dma_semaphore, #tpu.memory_space<semaphore_mem>>
        %dma_start3A = arith.constant 0 : i32
        %dma_start3A_28 = tpu.memref_slice %arg9[%add3A_23, %dma_start3A] : memref<10000x128xf32, #tpu.memory_space<vmem_shared>> -> memref<200x128xf32, #tpu.memory_space<vmem_shared>>
        %dma_start3A_29 = arith.constant 0 : i32
        %dma_start3A_30 = tpu.memref_slice %arg9[%add3A_23, %dma_start3A_29] : memref<10000x128xf32, #tpu.memory_space<vmem_shared>> -> memref<200x128xf32, #tpu.memory_space<vmem_shared>>
        tpu.enqueue_dma source(%arg8 : memref<200x128xf32, #tpu.memory_space<vmem>>) target(%dma_start3A_30 : memref<200x128xf32, #tpu.memory_space<vmem_shared>>) target_semaphore(%run_scoped3A : memref<!tpu.dma_semaphore, #tpu.memory_space<semaphore_mem>>)
        %dma_wait3A = arith.constant 0 : i32
        %dma_wait3A_31 = tpu.memref_slice %arg9[%add3A_23, %dma_wait3A] : memref<10000x128xf32, #tpu.memory_space<vmem_shared>> -> memref<200x128xf32, #tpu.memory_space<vmem_shared>>
        %dma_wait3A_32 = arith.constant 0 : i32
        %dma_wait3A_33 = tpu.memref_slice %arg9[%add3A_23, %dma_wait3A_32] : memref<10000x128xf32, #tpu.memory_space<vmem_shared>> -> memref<200x128xf32, #tpu.memory_space<vmem_shared>>
        tpu.wait_dma2 semaphore(%run_scoped3A : memref<!tpu.dma_semaphore, #tpu.memory_space<semaphore_mem>>) src(%arg8 : memref<200x128xf32, #tpu.memory_space<vmem>>) dst(%dma_wait3A_33 : memref<200x128xf32, #tpu.memory_space<vmem_shared>>)
        tpu.yield
      }) : () -> ()
      %add3A_24 = arith.constant 600 : i32
      %add3A_25 = arith.addi %mul3A_17, %add3A_24 : i32
      "tpu.region"() ({
        %run_scoped3A = tpu.sem_alloc : memref<!tpu.dma_semaphore, #tpu.memory_space<semaphore_mem>>
        %dma_start3A = arith.constant 0 : i32
        %dma_start3A_28 = tpu.memref_slice %arg9[%add3A_25, %dma_start3A] : memref<10000x128xf32, #tpu.memory_space<vmem_shared>> -> memref<200x128xf32, #tpu.memory_space<vmem_shared>>
        %dma_start3A_29 = arith.constant 0 : i32
        %dma_start3A_30 = tpu.memref_slice %arg9[%add3A_25, %dma_start3A_29] : memref<10000x128xf32, #tpu.memory_space<vmem_shared>> -> memref<200x128xf32, #tpu.memory_space<vmem_shared>>
        tpu.enqueue_dma source(%arg8 : memref<200x128xf32, #tpu.memory_space<vmem>>) target(%dma_start3A_30 : memref<200x128xf32, #tpu.memory_space<vmem_shared>>) target_semaphore(%run_scoped3A : memref<!tpu.dma_semaphore, #tpu.memory_space<semaphore_mem>>)
        %dma_wait3A = arith.constant 0 : i32
        %dma_wait3A_31 = tpu.memref_slice %arg9[%add3A_25, %dma_wait3A] : memref<10000x128xf32, #tpu.memory_space<vmem_shared>> -> memref<200x128xf32, #tpu.memory_space<vmem_shared>>
        %dma_wait3A_32 = arith.constant 0 : i32
        %dma_wait3A_33 = tpu.memref_slice %arg9[%add3A_25, %dma_wait3A_32] : memref<10000x128xf32, #tpu.memory_space<vmem_shared>> -> memref<200x128xf32, #tpu.memory_space<vmem_shared>>
        tpu.wait_dma2 semaphore(%run_scoped3A : memref<!tpu.dma_semaphore, #tpu.memory_space<semaphore_mem>>) src(%arg8 : memref<200x128xf32, #tpu.memory_space<vmem>>) dst(%dma_wait3A_33 : memref<200x128xf32, #tpu.memory_space<vmem_shared>>)
        tpu.yield
      }) : () -> ()
      %add3A_26 = arith.constant 800 : i32
      %add3A_27 = arith.addi %mul3A_17, %add3A_26 : i32
      "tpu.region"() ({
        %run_scoped3A = tpu.sem_alloc : memref<!tpu.dma_semaphore, #tpu.memory_space<semaphore_mem>>
        %dma_start3A = arith.constant 0 : i32
        %dma_start3A_28 = tpu.memref_slice %arg9[%add3A_27, %dma_start3A] : memref<10000x128xf32, #tpu.memory_space<vmem_shared>> -> memref<200x128xf32, #tpu.memory_space<vmem_shared>>
        %dma_start3A_29 = arith.constant 0 : i32
        %dma_start3A_30 = tpu.memref_slice %arg9[%add3A_27, %dma_start3A_29] : memref<10000x128xf32, #tpu.memory_space<vmem_shared>> -> memref<200x128xf32, #tpu.memory_space<vmem_shared>>
        tpu.enqueue_dma source(%arg8 : memref<200x128xf32, #tpu.memory_space<vmem>>) target(%dma_start3A_30 : memref<200x128xf32, #tpu.memory_space<vmem_shared>>) target_semaphore(%run_scoped3A : memref<!tpu.dma_semaphore, #tpu.memory_space<semaphore_mem>>)
        %dma_wait3A = arith.constant 0 : i32
        %dma_wait3A_31 = tpu.memref_slice %arg9[%add3A_27, %dma_wait3A] : memref<10000x128xf32, #tpu.memory_space<vmem_shared>> -> memref<200x128xf32, #tpu.memory_space<vmem_shared>>
        %dma_wait3A_32 = arith.constant 0 : i32
        %dma_wait3A_33 = tpu.memref_slice %arg9[%add3A_27, %dma_wait3A_32] : memref<10000x128xf32, #tpu.memory_space<vmem_shared>> -> memref<200x128xf32, #tpu.memory_space<vmem_shared>>
        tpu.wait_dma2 semaphore(%run_scoped3A : memref<!tpu.dma_semaphore, #tpu.memory_space<semaphore_mem>>) src(%arg8 : memref<200x128xf32, #tpu.memory_space<vmem>>) dst(%dma_wait3A_33 : memref<200x128xf32, #tpu.memory_space<vmem_shared>>)
        tpu.yield
      }) : () -> ()
    } else {
    }
    "tpu.region"() ({
      %run_scoped3A = tpu.sem_alloc : memref<!tpu.dma_semaphore, #tpu.memory_space<semaphore_mem>>
      tpu.enqueue_dma source(%arg4 : memref<80x128xf32, #tpu.memory_space<hbm>>) target(%arg7 : memref<80x128xf32, #tpu.memory_space<vmem>>) target_semaphore(%run_scoped3A : memref<!tpu.dma_semaphore, #tpu.memory_space<semaphore_mem>>)
      tpu.wait_dma2 semaphore(%run_scoped3A : memref<!tpu.dma_semaphore, #tpu.memory_space<semaphore_mem>>) src(%arg4 : memref<80x128xf32, #tpu.memory_space<hbm>>) dst(%arg7 : memref<80x128xf32, #tpu.memory_space<vmem>>)
      tpu.yield
    }) : () -> ()
    %barrier3A = arith.constant 0 : index
    tpu.barrier barrier_id(%barrier3A)
    %scan3A = arith.constant 0 : i32
    %scan3A_5 = arith.constant 0 : i32
    %scan3A_6 = arith.constant 125 : i32
    %scan3A_7 = arith.addi %scan3A_5, %scan3A_6 : i32
    %scan3A_8 = arith.constant 1 : i32
    scf.for %scan3A_16 = %scan3A_5 to %scan3A_7 step %scan3A_8  : i32 {
      %mul3A_17 = arith.constant 80 : i32
      %mul3A_18 = arith.muli %scan3A_16, %mul3A_17 : i32
      %add3A_19 = arith.addi %mul3A_2, %mul3A_18 : i32
      "tpu.region"() ({
        %run_scoped3A = tpu.sem_alloc : memref<!tpu.dma_semaphore, #tpu.memory_space<semaphore_mem>>
        %dma_start3A = tpu.memref_slice %arg2[%add3A_19] : memref<320000xi32, #tpu.memory_space<hbm>> -> memref<80xi32, #tpu.memory_space<hbm>>
        %dma_start3A_20 = tpu.memref_slice %arg2[%add3A_19] : memref<320000xi32, #tpu.memory_space<hbm>> -> memref<80xi32, #tpu.memory_space<hbm>>
        tpu.enqueue_dma source(%dma_start3A_20 : memref<80xi32, #tpu.memory_space<hbm>>) target(%arg6 : memref<80xi32, #tpu.memory_space<vmem>>) target_semaphore(%run_scoped3A : memref<!tpu.dma_semaphore, #tpu.memory_space<semaphore_mem>>)
        %dma_wait3A = tpu.memref_slice %arg2[%add3A_19] : memref<320000xi32, #tpu.memory_space<hbm>> -> memref<80xi32, #tpu.memory_space<hbm>>
        %dma_wait3A_21 = tpu.memref_slice %arg2[%add3A_19] : memref<320000xi32, #tpu.memory_space<hbm>> -> memref<80xi32, #tpu.memory_space<hbm>>
        tpu.wait_dma2 semaphore(%run_scoped3A : memref<!tpu.dma_semaphore, #tpu.memory_space<semaphore_mem>>) src(%dma_wait3A_21 : memref<80xi32, #tpu.memory_space<hbm>>) dst(%arg6 : memref<80xi32, #tpu.memory_space<vmem>>)
        tpu.yield
      }) : () -> ()
      "tpu.region"() ({
        %run_scoped3A = tpu.sem_alloc : memref<!tpu.dma_semaphore, #tpu.memory_space<semaphore_mem>>
        %dma_start3A = arith.constant 0 : i32
        %dma_start3A_20 = arith.constant 0 : i32
        %dma_start3A_21 = tpu.memref_slice %arg9[%dma_start3A, %dma_start3A_20] : memref<10000x128xf32, #tpu.memory_space<vmem_shared>> -> memref<10000x128xf32, #tpu.memory_space<vmem_shared>>
        tpu.enqueue_indirect_dma source(%arg7 : memref<80x128xf32, #tpu.memory_space<vmem>>) target(%dma_start3A_21 : memref<10000x128xf32, #tpu.memory_space<vmem_shared>>) offsets(%arg6 : memref<80xi32, #tpu.memory_space<vmem>>) semaphore(%run_scoped3A : memref<!tpu.dma_semaphore, #tpu.memory_space<semaphore_mem>>) {add = true}
        %dma_wait3A = arith.constant 0 : i32
        %dma_wait3A_22 = arith.constant 0 : i32
        %dma_wait3A_23 = tpu.memref_slice %arg9[%dma_wait3A, %dma_wait3A_22] : memref<10000x128xf32, #tpu.memory_space<vmem_shared>> -> memref<10000x128xf32, #tpu.memory_space<vmem_shared>>
        tpu.wait_indirect_dma semaphore(%run_scoped3A : memref<!tpu.dma_semaphore, #tpu.memory_space<semaphore_mem>>) src(%arg7 : memref<80x128xf32, #tpu.memory_space<vmem>>) dst(%dma_wait3A_23 : memref<10000x128xf32, #tpu.memory_space<vmem_shared>>)
        tpu.yield
      }) : () -> ()
    }
    %scan3A_9 = arith.constant 125 : i32
    %barrier3A_10 = arith.constant 0 : index
    tpu.barrier barrier_id(%barrier3A_10)
    %lt3A_11 = arith.constant 10 : i32
    %lt3A_12 = arith.cmpi slt, %arg1, %lt3A_11 : i32
    %convert_element_type3A_13 = arith.extui %lt3A_12 : i1 to i32
    %cond3A_14 = arith.constant 0 : i32
    %cond3A_15 = arith.cmpi ne, %convert_element_type3A_13, %cond3A_14 : i32
    scf.if %cond3A_15 {
      %mul3A_16 = arith.constant 1000 : i32
      %mul3A_17 = arith.muli %arg1, %mul3A_16 : i32
      %add3A_18 = arith.constant 0 : i32
      %add3A_19 = arith.addi %mul3A_17, %add3A_18 : i32
      "tpu.region"() ({
        %run_scoped3A = tpu.sem_alloc : memref<!tpu.dma_semaphore, #tpu.memory_space<semaphore_mem>>
        %dma_start3A = arith.constant 0 : i32
        %dma_start3A_53 = tpu.memref_slice %arg9[%add3A_19, %dma_start3A] : memref<10000x128xf32, #tpu.memory_space<vmem_shared>> -> memref<200x128xf32, #tpu.memory_space<vmem_shared>>
        %dma_start3A_54 = arith.constant 0 : i32
        %dma_start3A_55 = tpu.memref_slice %arg9[%add3A_19, %dma_start3A_54] : memref<10000x128xf32, #tpu.memory_space<vmem_shared>> -> memref<200x128xf32, #tpu.memory_space<vmem_shared>>
        tpu.enqueue_dma source(%dma_start3A_55 : memref<200x128xf32, #tpu.memory_space<vmem_shared>>) target(%arg8 : memref<200x128xf32, #tpu.memory_space<vmem>>) target_semaphore(%run_scoped3A : memref<!tpu.dma_semaphore, #tpu.memory_space<semaphore_mem>>)
        %dma_wait3A = arith.constant 0 : i32
        %dma_wait3A_56 = tpu.memref_slice %arg9[%add3A_19, %dma_wait3A] : memref<10000x128xf32, #tpu.memory_space<vmem_shared>> -> memref<200x128xf32, #tpu.memory_space<vmem_shared>>
        %dma_wait3A_57 = arith.constant 0 : i32
        %dma_wait3A_58 = tpu.memref_slice %arg9[%add3A_19, %dma_wait3A_57] : memref<10000x128xf32, #tpu.memory_space<vmem_shared>> -> memref<200x128xf32, #tpu.memory_space<vmem_shared>>
        tpu.wait_dma2 semaphore(%run_scoped3A : memref<!tpu.dma_semaphore, #tpu.memory_space<semaphore_mem>>) src(%dma_wait3A_58 : memref<200x128xf32, #tpu.memory_space<vmem_shared>>) dst(%arg8 : memref<200x128xf32, #tpu.memory_space<vmem>>)
        tpu.yield
      }) : () -> ()
      %mul3A_20 = arith.constant 10000 : i32
      %mul3A_21 = arith.muli %arg0, %mul3A_20 : i32
      %add3A_22 = arith.addi %mul3A_21, %mul3A_17 : i32
      %add3A_23 = arith.constant 0 : i32
      %add3A_24 = arith.addi %add3A_22, %add3A_23 : i32
      "tpu.region"() ({
        %run_scoped3A = tpu.sem_alloc : memref<!tpu.dma_semaphore, #tpu.memory_space<semaphore_mem>>
        %dma_start3A = arith.constant 0 : i32
        %dma_start3A_53 = tpu.memref_slice %arg5[%add3A_24, %dma_start3A] : memref<20000x128xf32, #tpu.memory_space<hbm>> -> memref<200x128xf32, #tpu.memory_space<hbm>>
        %dma_start3A_54 = arith.constant 0 : i32
        %dma_start3A_55 = tpu.memref_slice %arg5[%add3A_24, %dma_start3A_54] : memref<20000x128xf32, #tpu.memory_space<hbm>> -> memref<200x128xf32, #tpu.memory_space<hbm>>
        tpu.enqueue_dma source(%arg8 : memref<200x128xf32, #tpu.memory_space<vmem>>) target(%dma_start3A_55 : memref<200x128xf32, #tpu.memory_space<hbm>>) target_semaphore(%run_scoped3A : memref<!tpu.dma_semaphore, #tpu.memory_space<semaphore_mem>>)
        %dma_wait3A = arith.constant 0 : i32
        %dma_wait3A_56 = tpu.memref_slice %arg5[%add3A_24, %dma_wait3A] : memref<20000x128xf32, #tpu.memory_space<hbm>> -> memref<200x128xf32, #tpu.memory_space<hbm>>
        %dma_wait3A_57 = arith.constant 0 : i32
        %dma_wait3A_58 = tpu.memref_slice %arg5[%add3A_24, %dma_wait3A_57] : memref<20000x128xf32, #tpu.memory_space<hbm>> -> memref<200x128xf32, #tpu.memory_space<hbm>>
        tpu.wait_dma2 semaphore(%run_scoped3A : memref<!tpu.dma_semaphore, #tpu.memory_space<semaphore_mem>>) src(%arg8 : memref<200x128xf32, #tpu.memory_space<vmem>>) dst(%dma_wait3A_58 : memref<200x128xf32, #tpu.memory_space<hbm>>)
        tpu.yield
      }) : () -> ()
      %add3A_25 = arith.constant 200 : i32
      %add3A_26 = arith.addi %mul3A_17, %add3A_25 : i32
      "tpu.region"() ({
        %run_scoped3A = tpu.sem_alloc : memref<!tpu.dma_semaphore, #tpu.memory_space<semaphore_mem>>
        %dma_start3A = arith.constant 0 : i32
        %dma_start3A_53 = tpu.memref_slice %arg9[%add3A_26, %dma_start3A] : memref<10000x128xf32, #tpu.memory_space<vmem_shared>> -> memref<200x128xf32, #tpu.memory_space<vmem_shared>>
        %dma_start3A_54 = arith.constant 0 : i32
        %dma_start3A_55 = tpu.memref_slice %arg9[%add3A_26, %dma_start3A_54] : memref<10000x128xf32, #tpu.memory_space<vmem_shared>> -> memref<200x128xf32, #tpu.memory_space<vmem_shared>>
        tpu.enqueue_dma source(%dma_start3A_55 : memref<200x128xf32, #tpu.memory_space<vmem_shared>>) target(%arg8 : memref<200x128xf32, #tpu.memory_space<vmem>>) target_semaphore(%run_scoped3A : memref<!tpu.dma_semaphore, #tpu.memory_space<semaphore_mem>>)
        %dma_wait3A = arith.constant 0 : i32
        %dma_wait3A_56 = tpu.memref_slice %arg9[%add3A_26, %dma_wait3A] : memref<10000x128xf32, #tpu.memory_space<vmem_shared>> -> memref<200x128xf32, #tpu.memory_space<vmem_shared>>
        %dma_wait3A_57 = arith.constant 0 : i32
        %dma_wait3A_58 = tpu.memref_slice %arg9[%add3A_26, %dma_wait3A_57] : memref<10000x128xf32, #tpu.memory_space<vmem_shared>> -> memref<200x128xf32, #tpu.memory_space<vmem_shared>>
        tpu.wait_dma2 semaphore(%run_scoped3A : memref<!tpu.dma_semaphore, #tpu.memory_space<semaphore_mem>>) src(%dma_wait3A_58 : memref<200x128xf32, #tpu.memory_space<vmem_shared>>) dst(%arg8 : memref<200x128xf32, #tpu.memory_space<vmem>>)
        tpu.yield
      }) : () -> ()
      %mul3A_27 = arith.constant 10000 : i32
      %mul3A_28 = arith.muli %arg0, %mul3A_27 : i32
      %add3A_29 = arith.addi %mul3A_28, %mul3A_17 : i32
      %add3A_30 = arith.constant 200 : i32
      %add3A_31 = arith.addi %add3A_29, %add3A_30 : i32
      "tpu.region"() ({
        %run_scoped3A = tpu.sem_alloc : memref<!tpu.dma_semaphore, #tpu.memory_space<semaphore_mem>>
        %dma_start3A = arith.constant 0 : i32
        %dma_start3A_53 = tpu.memref_slice %arg5[%add3A_31, %dma_start3A] : memref<20000x128xf32, #tpu.memory_space<hbm>> -> memref<200x128xf32, #tpu.memory_space<hbm>>
        %dma_start3A_54 = arith.constant 0 : i32
        %dma_start3A_55 = tpu.memref_slice %arg5[%add3A_31, %dma_start3A_54] : memref<20000x128xf32, #tpu.memory_space<hbm>> -> memref<200x128xf32, #tpu.memory_space<hbm>>
        tpu.enqueue_dma source(%arg8 : memref<200x128xf32, #tpu.memory_space<vmem>>) target(%dma_start3A_55 : memref<200x128xf32, #tpu.memory_space<hbm>>) target_semaphore(%run_scoped3A : memref<!tpu.dma_semaphore, #tpu.memory_space<semaphore_mem>>)
        %dma_wait3A = arith.constant 0 : i32
        %dma_wait3A_56 = tpu.memref_slice %arg5[%add3A_31, %dma_wait3A] : memref<20000x128xf32, #tpu.memory_space<hbm>> -> memref<200x128xf32, #tpu.memory_space<hbm>>
        %dma_wait3A_57 = arith.constant 0 : i32
        %dma_wait3A_58 = tpu.memref_slice %arg5[%add3A_31, %dma_wait3A_57] : memref<20000x128xf32, #tpu.memory_space<hbm>> -> memref<200x128xf32, #tpu.memory_space<hbm>>
        tpu.wait_dma2 semaphore(%run_scoped3A : memref<!tpu.dma_semaphore, #tpu.memory_space<semaphore_mem>>) src(%arg8 : memref<200x128xf32, #tpu.memory_space<vmem>>) dst(%dma_wait3A_58 : memref<200x128xf32, #tpu.memory_space<hbm>>)
        tpu.yield
      }) : () -> ()
      %add3A_32 = arith.constant 400 : i32
      %add3A_33 = arith.addi %mul3A_17, %add3A_32 : i32
      "tpu.region"() ({
        %run_scoped3A = tpu.sem_alloc : memref<!tpu.dma_semaphore, #tpu.memory_space<semaphore_mem>>
        %dma_start3A = arith.constant 0 : i32
        %dma_start3A_53 = tpu.memref_slice %arg9[%add3A_33, %dma_start3A] : memref<10000x128xf32, #tpu.memory_space<vmem_shared>> -> memref<200x128xf32, #tpu.memory_space<vmem_shared>>
        %dma_start3A_54 = arith.constant 0 : i32
        %dma_start3A_55 = tpu.memref_slice %arg9[%add3A_33, %dma_start3A_54] : memref<10000x128xf32, #tpu.memory_space<vmem_shared>> -> memref<200x128xf32, #tpu.memory_space<vmem_shared>>
        tpu.enqueue_dma source(%dma_start3A_55 : memref<200x128xf32, #tpu.memory_space<vmem_shared>>) target(%arg8 : memref<200x128xf32, #tpu.memory_space<vmem>>) target_semaphore(%run_scoped3A : memref<!tpu.dma_semaphore, #tpu.memory_space<semaphore_mem>>)
        %dma_wait3A = arith.constant 0 : i32
        %dma_wait3A_56 = tpu.memref_slice %arg9[%add3A_33, %dma_wait3A] : memref<10000x128xf32, #tpu.memory_space<vmem_shared>> -> memref<200x128xf32, #tpu.memory_space<vmem_shared>>
        %dma_wait3A_57 = arith.constant 0 : i32
        %dma_wait3A_58 = tpu.memref_slice %arg9[%add3A_33, %dma_wait3A_57] : memref<10000x128xf32, #tpu.memory_space<vmem_shared>> -> memref<200x128xf32, #tpu.memory_space<vmem_shared>>
        tpu.wait_dma2 semaphore(%run_scoped3A : memref<!tpu.dma_semaphore, #tpu.memory_space<semaphore_mem>>) src(%dma_wait3A_58 : memref<200x128xf32, #tpu.memory_space<vmem_shared>>) dst(%arg8 : memref<200x128xf32, #tpu.memory_space<vmem>>)
        tpu.yield
      }) : () -> ()
      %mul3A_34 = arith.constant 10000 : i32
      %mul3A_35 = arith.muli %arg0, %mul3A_34 : i32
      %add3A_36 = arith.addi %mul3A_35, %mul3A_17 : i32
      %add3A_37 = arith.constant 400 : i32
      %add3A_38 = arith.addi %add3A_36, %add3A_37 : i32
      "tpu.region"() ({
        %run_scoped3A = tpu.sem_alloc : memref<!tpu.dma_semaphore, #tpu.memory_space<semaphore_mem>>
        %dma_start3A = arith.constant 0 : i32
        %dma_start3A_53 = tpu.memref_slice %arg5[%add3A_38, %dma_start3A] : memref<20000x128xf32, #tpu.memory_space<hbm>> -> memref<200x128xf32, #tpu.memory_space<hbm>>
        %dma_start3A_54 = arith.constant 0 : i32
        %dma_start3A_55 = tpu.memref_slice %arg5[%add3A_38, %dma_start3A_54] : memref<20000x128xf32, #tpu.memory_space<hbm>> -> memref<200x128xf32, #tpu.memory_space<hbm>>
        tpu.enqueue_dma source(%arg8 : memref<200x128xf32, #tpu.memory_space<vmem>>) target(%dma_start3A_55 : memref<200x128xf32, #tpu.memory_space<hbm>>) target_semaphore(%run_scoped3A : memref<!tpu.dma_semaphore, #tpu.memory_space<semaphore_mem>>)
        %dma_wait3A = arith.constant 0 : i32
        %dma_wait3A_56 = tpu.memref_slice %arg5[%add3A_38, %dma_wait3A] : memref<20000x128xf32, #tpu.memory_space<hbm>> -> memref<200x128xf32, #tpu.memory_space<hbm>>
        %dma_wait3A_57 = arith.constant 0 : i32
        %dma_wait3A_58 = tpu.memref_slice %arg5[%add3A_38, %dma_wait3A_57] : memref<20000x128xf32, #tpu.memory_space<hbm>> -> memref<200x128xf32, #tpu.memory_space<hbm>>
        tpu.wait_dma2 semaphore(%run_scoped3A : memref<!tpu.dma_semaphore, #tpu.memory_space<semaphore_mem>>) src(%arg8 : memref<200x128xf32, #tpu.memory_space<vmem>>) dst(%dma_wait3A_58 : memref<200x128xf32, #tpu.memory_space<hbm>>)
        tpu.yield
      }) : () -> ()
      %add3A_39 = arith.constant 600 : i32
      %add3A_40 = arith.addi %mul3A_17, %add3A_39 : i32
      "tpu.region"() ({
        %run_scoped3A = tpu.sem_alloc : memref<!tpu.dma_semaphore, #tpu.memory_space<semaphore_mem>>
        %dma_start3A = arith.constant 0 : i32
        %dma_start3A_53 = tpu.memref_slice %arg9[%add3A_40, %dma_start3A] : memref<10000x128xf32, #tpu.memory_space<vmem_shared>> -> memref<200x128xf32, #tpu.memory_space<vmem_shared>>
        %dma_start3A_54 = arith.constant 0 : i32
        %dma_start3A_55 = tpu.memref_slice %arg9[%add3A_40, %dma_start3A_54] : memref<10000x128xf32, #tpu.memory_space<vmem_shared>> -> memref<200x128xf32, #tpu.memory_space<vmem_shared>>
        tpu.enqueue_dma source(%dma_start3A_55 : memref<200x128xf32, #tpu.memory_space<vmem_shared>>) target(%arg8 : memref<200x128xf32, #tpu.memory_space<vmem>>) target_semaphore(%run_scoped3A : memref<!tpu.dma_semaphore, #tpu.memory_space<semaphore_mem>>)
        %dma_wait3A = arith.constant 0 : i32
        %dma_wait3A_56 = tpu.memref_slice %arg9[%add3A_40, %dma_wait3A] : memref<10000x128xf32, #tpu.memory_space<vmem_shared>> -> memref<200x128xf32, #tpu.memory_space<vmem_shared>>
        %dma_wait3A_57 = arith.constant 0 : i32
        %dma_wait3A_58 = tpu.memref_slice %arg9[%add3A_40, %dma_wait3A_57] : memref<10000x128xf32, #tpu.memory_space<vmem_shared>> -> memref<200x128xf32, #tpu.memory_space<vmem_shared>>
        tpu.wait_dma2 semaphore(%run_scoped3A : memref<!tpu.dma_semaphore, #tpu.memory_space<semaphore_mem>>) src(%dma_wait3A_58 : memref<200x128xf32, #tpu.memory_space<vmem_shared>>) dst(%arg8 : memref<200x128xf32, #tpu.memory_space<vmem>>)
        tpu.yield
      }) : () -> ()
      %mul3A_41 = arith.constant 10000 : i32
      %mul3A_42 = arith.muli %arg0, %mul3A_41 : i32
      %add3A_43 = arith.addi %mul3A_42, %mul3A_17 : i32
      %add3A_44 = arith.constant 600 : i32
      %add3A_45 = arith.addi %add3A_43, %add3A_44 : i32
      "tpu.region"() ({
        %run_scoped3A = tpu.sem_alloc : memref<!tpu.dma_semaphore, #tpu.memory_space<semaphore_mem>>
        %dma_start3A = arith.constant 0 : i32
        %dma_start3A_53 = tpu.memref_slice %arg5[%add3A_45, %dma_start3A] : memref<20000x128xf32, #tpu.memory_space<hbm>> -> memref<200x128xf32, #tpu.memory_space<hbm>>
        %dma_start3A_54 = arith.constant 0 : i32
        %dma_start3A_55 = tpu.memref_slice %arg5[%add3A_45, %dma_start3A_54] : memref<20000x128xf32, #tpu.memory_space<hbm>> -> memref<200x128xf32, #tpu.memory_space<hbm>>
        tpu.enqueue_dma source(%arg8 : memref<200x128xf32, #tpu.memory_space<vmem>>) target(%dma_start3A_55 : memref<200x128xf32, #tpu.memory_space<hbm>>) target_semaphore(%run_scoped3A : memref<!tpu.dma_semaphore, #tpu.memory_space<semaphore_mem>>)
        %dma_wait3A = arith.constant 0 : i32
        %dma_wait3A_56 = tpu.memref_slice %arg5[%add3A_45, %dma_wait3A] : memref<20000x128xf32, #tpu.memory_space<hbm>> -> memref<200x128xf32, #tpu.memory_space<hbm>>
        %dma_wait3A_57 = arith.constant 0 : i32
        %dma_wait3A_58 = tpu.memref_slice %arg5[%add3A_45, %dma_wait3A_57] : memref<20000x128xf32, #tpu.memory_space<hbm>> -> memref<200x128xf32, #tpu.memory_space<hbm>>
        tpu.wait_dma2 semaphore(%run_scoped3A : memref<!tpu.dma_semaphore, #tpu.memory_space<semaphore_mem>>) src(%arg8 : memref<200x128xf32, #tpu.memory_space<vmem>>) dst(%dma_wait3A_58 : memref<200x128xf32, #tpu.memory_space<hbm>>)
        tpu.yield
      }) : () -> ()
      %add3A_46 = arith.constant 800 : i32
      %add3A_47 = arith.addi %mul3A_17, %add3A_46 : i32
      "tpu.region"() ({
        %run_scoped3A = tpu.sem_alloc : memref<!tpu.dma_semaphore, #tpu.memory_space<semaphore_mem>>
        %dma_start3A = arith.constant 0 : i32
        %dma_start3A_53 = tpu.memref_slice %arg9[%add3A_47, %dma_start3A] : memref<10000x128xf32, #tpu.memory_space<vmem_shared>> -> memref<200x128xf32, #tpu.memory_space<vmem_shared>>
        %dma_start3A_54 = arith.constant 0 : i32
        %dma_start3A_55 = tpu.memref_slice %arg9[%add3A_47, %dma_start3A_54] : memref<10000x128xf32, #tpu.memory_space<vmem_shared>> -> memref<200x128xf32, #tpu.memory_space<vmem_shared>>
        tpu.enqueue_dma source(%dma_start3A_55 : memref<200x128xf32, #tpu.memory_space<vmem_shared>>) target(%arg8 : memref<200x128xf32, #tpu.memory_space<vmem>>) target_semaphore(%run_scoped3A : memref<!tpu.dma_semaphore, #tpu.memory_space<semaphore_mem>>)
        %dma_wait3A = arith.constant 0 : i32
        %dma_wait3A_56 = tpu.memref_slice %arg9[%add3A_47, %dma_wait3A] : memref<10000x128xf32, #tpu.memory_space<vmem_shared>> -> memref<200x128xf32, #tpu.memory_space<vmem_shared>>
        %dma_wait3A_57 = arith.constant 0 : i32
        %dma_wait3A_58 = tpu.memref_slice %arg9[%add3A_47, %dma_wait3A_57] : memref<10000x128xf32, #tpu.memory_space<vmem_shared>> -> memref<200x128xf32, #tpu.memory_space<vmem_shared>>
        tpu.wait_dma2 semaphore(%run_scoped3A : memref<!tpu.dma_semaphore, #tpu.memory_space<semaphore_mem>>) src(%dma_wait3A_58 : memref<200x128xf32, #tpu.memory_space<vmem_shared>>) dst(%arg8 : memref<200x128xf32, #tpu.memory_space<vmem>>)
        tpu.yield
      }) : () -> ()
      %mul3A_48 = arith.constant 10000 : i32
      %mul3A_49 = arith.muli %arg0, %mul3A_48 : i32
      %add3A_50 = arith.addi %mul3A_49, %mul3A_17 : i32
      %add3A_51 = arith.constant 800 : i32
      %add3A_52 = arith.addi %add3A_50, %add3A_51 : i32
      "tpu.region"() ({
        %run_scoped3A = tpu.sem_alloc : memref<!tpu.dma_semaphore, #tpu.memory_space<semaphore_mem>>
        %dma_start3A = arith.constant 0 : i32
        %dma_start3A_53 = tpu.memref_slice %arg5[%add3A_52, %dma_start3A] : memref<20000x128xf32, #tpu.memory_space<hbm>> -> memref<200x128xf32, #tpu.memory_space<hbm>>
        %dma_start3A_54 = arith.constant 0 : i32
        %dma_start3A_55 = tpu.memref_slice %arg5[%add3A_52, %dma_start3A_54] : memref<20000x128xf32, #tpu.memory_space<hbm>> -> memref<200x128xf32, #tpu.memory_space<hbm>>
        tpu.enqueue_dma source(%arg8 : memref<200x128xf32, #tpu.memory_space<vmem>>) target(%dma_start3A_55 : memref<200x128xf32, #tpu.memory_space<hbm>>) target_semaphore(%run_scoped3A : memref<!tpu.dma_semaphore, #tpu.memory_space<semaphore_mem>>)
        %dma_wait3A = arith.constant 0 : i32
        %dma_wait3A_56 = tpu.memref_slice %arg5[%add3A_52, %dma_wait3A] : memref<20000x128xf32, #tpu.memory_space<hbm>> -> memref<200x128xf32, #tpu.memory_space<hbm>>
        %dma_wait3A_57 = arith.constant 0 : i32
        %dma_wait3A_58 = tpu.memref_slice %arg5[%add3A_52, %dma_wait3A_57] : memref<20000x128xf32, #tpu.memory_space<hbm>> -> memref<200x128xf32, #tpu.memory_space<hbm>>
        tpu.wait_dma2 semaphore(%run_scoped3A : memref<!tpu.dma_semaphore, #tpu.memory_space<semaphore_mem>>) src(%arg8 : memref<200x128xf32, #tpu.memory_space<vmem>>) dst(%dma_wait3A_58 : memref<200x128xf32, #tpu.memory_space<hbm>>)
        tpu.yield
      }) : () -> ()
    } else {
    }
    return
  }
}

#map = affine_map<(d0, d1) -> (0, 0)>
#map1 = affine_map<(d0, d1) -> (0)>
module attributes {stable_mosaic.version = 14 : i64} {
  func.func @_sc_pass_body(%arg0: i32, %arg1: i32, %arg2: memref<320000x128xf32, #tpu.memory_space<hbm>>, %arg3: memref<10000x128xf32, #tpu.memory_space<hbm>>, %arg4: memref<320000xi32, #tpu.memory_space<hbm>>, %arg5: memref<320000xi32, #tpu.memory_space<hbm>>, %arg6: memref<200x128xf32, #tpu.memory_space<hbm>>, %arg7: memref<320000x128xf32, #tpu.memory_space<hbm>>, %arg8: memref<20000x128xf32, #tpu.memory_space<hbm>>, %arg9: memref<80xi32, #tpu.memory_space<vmem>>, %arg10: memref<80xi32, #tpu.memory_space<vmem>>, %arg11: memref<80x128xf32, #tpu.memory_space<vmem>>, %arg12: memref<80x128xf32, #tpu.memory_space<vmem>>, %arg13: memref<200x128xf32, #tpu.memory_space<vmem>>, %arg14: memref<10000x128xf32, #tpu.memory_space<vmem_shared>>, %arg15: memref<!tpu.dma_semaphore, #tpu.memory_space<semaphore_mem>>) attributes {dimension_semantics = [#tpu.dimension_semantics<core_parallel>, #tpu.dimension_semantics<subcore_parallel>], iteration_bounds = array<i64: 2, 16>, scalar_prefetch = 0 : i64, scratch_operands = 7 : i64, tpu.core_type = #tpu.core_type<sc_vector_subcore>, window_params = [{transform_indices = #map}, {transform_indices = #map}, {transform_indices = #map1}, {transform_indices = #map1}, {transform_indices = #map}, {transform_indices = #map}, {transform_indices = #map}]} {
    %mul3A = arith.constant 2 : i32
    %mul3A_0 = arith.muli %arg1, %mul3A : i32
    %add3A = arith.addi %mul3A_0, %arg0 : i32
    %mul3A_1 = arith.constant 10000 : i32
    %mul3A_2 = arith.muli %add3A, %mul3A_1 : i32
    %lt3A = arith.constant 10 : i32
    %lt3A_3 = arith.cmpi slt, %arg1, %lt3A : i32
    %convert_element_type3A = arith.extui %lt3A_3 : i1 to i32
    %cond3A = arith.constant 0 : i32
    %cond3A_4 = arith.cmpi ne, %convert_element_type3A, %cond3A : i32
    scf.if %cond3A_4 {
      "tpu.region"() ({
        %run_scoped3A = tpu.sem_alloc : memref<!tpu.dma_semaphore, #tpu.memory_space<semaphore_mem>>
        tpu.enqueue_dma source(%arg6 : memref<200x128xf32, #tpu.memory_space<hbm>>) target(%arg13 : memref<200x128xf32, #tpu.memory_space<vmem>>) target_semaphore(%run_scoped3A : memref<!tpu.dma_semaphore, #tpu.memory_space<semaphore_mem>>)
        tpu.wait_dma2 semaphore(%run_scoped3A : memref<!tpu.dma_semaphore, #tpu.memory_space<semaphore_mem>>) src(%arg6 : memref<200x128xf32, #tpu.memory_space<hbm>>) dst(%arg13 : memref<200x128xf32, #tpu.memory_space<vmem>>)
        tpu.yield
      }) : () -> ()
      %mul3A_16 = arith.constant 1000 : i32
      %mul3A_17 = arith.muli %arg1, %mul3A_16 : i32
      %add3A_18 = arith.constant 0 : i32
      %add3A_19 = arith.addi %mul3A_17, %add3A_18 : i32
      "tpu.region"() ({
        %run_scoped3A = tpu.sem_alloc : memref<!tpu.dma_semaphore, #tpu.memory_space<semaphore_mem>>
        %dma_start3A = arith.constant 0 : i32
        %dma_start3A_28 = tpu.memref_slice %arg14[%add3A_19, %dma_start3A] : memref<10000x128xf32, #tpu.memory_space<vmem_shared>> -> memref<200x128xf32, #tpu.memory_space<vmem_shared>>
        %dma_start3A_29 = arith.constant 0 : i32
        %dma_start3A_30 = tpu.memref_slice %arg14[%add3A_19, %dma_start3A_29] : memref<10000x128xf32, #tpu.memory_space<vmem_shared>> -> memref<200x128xf32, #tpu.memory_space<vmem_shared>>
        tpu.enqueue_dma source(%arg13 : memref<200x128xf32, #tpu.memory_space<vmem>>) target(%dma_start3A_30 : memref<200x128xf32, #tpu.memory_space<vmem_shared>>) target_semaphore(%run_scoped3A : memref<!tpu.dma_semaphore, #tpu.memory_space<semaphore_mem>>)
        %dma_wait3A = arith.constant 0 : i32
        %dma_wait3A_31 = tpu.memref_slice %arg14[%add3A_19, %dma_wait3A] : memref<10000x128xf32, #tpu.memory_space<vmem_shared>> -> memref<200x128xf32, #tpu.memory_space<vmem_shared>>
        %dma_wait3A_32 = arith.constant 0 : i32
        %dma_wait3A_33 = tpu.memref_slice %arg14[%add3A_19, %dma_wait3A_32] : memref<10000x128xf32, #tpu.memory_space<vmem_shared>> -> memref<200x128xf32, #tpu.memory_space<vmem_shared>>
        tpu.wait_dma2 semaphore(%run_scoped3A : memref<!tpu.dma_semaphore, #tpu.memory_space<semaphore_mem>>) src(%arg13 : memref<200x128xf32, #tpu.memory_space<vmem>>) dst(%dma_wait3A_33 : memref<200x128xf32, #tpu.memory_space<vmem_shared>>)
        tpu.yield
      }) : () -> ()
      %add3A_20 = arith.constant 200 : i32
      %add3A_21 = arith.addi %mul3A_17, %add3A_20 : i32
      "tpu.region"() ({
        %run_scoped3A = tpu.sem_alloc : memref<!tpu.dma_semaphore, #tpu.memory_space<semaphore_mem>>
        %dma_start3A = arith.constant 0 : i32
        %dma_start3A_28 = tpu.memref_slice %arg14[%add3A_21, %dma_start3A] : memref<10000x128xf32, #tpu.memory_space<vmem_shared>> -> memref<200x128xf32, #tpu.memory_space<vmem_shared>>
        %dma_start3A_29 = arith.constant 0 : i32
        %dma_start3A_30 = tpu.memref_slice %arg14[%add3A_21, %dma_start3A_29] : memref<10000x128xf32, #tpu.memory_space<vmem_shared>> -> memref<200x128xf32, #tpu.memory_space<vmem_shared>>
        tpu.enqueue_dma source(%arg13 : memref<200x128xf32, #tpu.memory_space<vmem>>) target(%dma_start3A_30 : memref<200x128xf32, #tpu.memory_space<vmem_shared>>) target_semaphore(%run_scoped3A : memref<!tpu.dma_semaphore, #tpu.memory_space<semaphore_mem>>)
        %dma_wait3A = arith.constant 0 : i32
        %dma_wait3A_31 = tpu.memref_slice %arg14[%add3A_21, %dma_wait3A] : memref<10000x128xf32, #tpu.memory_space<vmem_shared>> -> memref<200x128xf32, #tpu.memory_space<vmem_shared>>
        %dma_wait3A_32 = arith.constant 0 : i32
        %dma_wait3A_33 = tpu.memref_slice %arg14[%add3A_21, %dma_wait3A_32] : memref<10000x128xf32, #tpu.memory_space<vmem_shared>> -> memref<200x128xf32, #tpu.memory_space<vmem_shared>>
        tpu.wait_dma2 semaphore(%run_scoped3A : memref<!tpu.dma_semaphore, #tpu.memory_space<semaphore_mem>>) src(%arg13 : memref<200x128xf32, #tpu.memory_space<vmem>>) dst(%dma_wait3A_33 : memref<200x128xf32, #tpu.memory_space<vmem_shared>>)
        tpu.yield
      }) : () -> ()
      %add3A_22 = arith.constant 400 : i32
      %add3A_23 = arith.addi %mul3A_17, %add3A_22 : i32
      "tpu.region"() ({
        %run_scoped3A = tpu.sem_alloc : memref<!tpu.dma_semaphore, #tpu.memory_space<semaphore_mem>>
        %dma_start3A = arith.constant 0 : i32
        %dma_start3A_28 = tpu.memref_slice %arg14[%add3A_23, %dma_start3A] : memref<10000x128xf32, #tpu.memory_space<vmem_shared>> -> memref<200x128xf32, #tpu.memory_space<vmem_shared>>
        %dma_start3A_29 = arith.constant 0 : i32
        %dma_start3A_30 = tpu.memref_slice %arg14[%add3A_23, %dma_start3A_29] : memref<10000x128xf32, #tpu.memory_space<vmem_shared>> -> memref<200x128xf32, #tpu.memory_space<vmem_shared>>
        tpu.enqueue_dma source(%arg13 : memref<200x128xf32, #tpu.memory_space<vmem>>) target(%dma_start3A_30 : memref<200x128xf32, #tpu.memory_space<vmem_shared>>) target_semaphore(%run_scoped3A : memref<!tpu.dma_semaphore, #tpu.memory_space<semaphore_mem>>)
        %dma_wait3A = arith.constant 0 : i32
        %dma_wait3A_31 = tpu.memref_slice %arg14[%add3A_23, %dma_wait3A] : memref<10000x128xf32, #tpu.memory_space<vmem_shared>> -> memref<200x128xf32, #tpu.memory_space<vmem_shared>>
        %dma_wait3A_32 = arith.constant 0 : i32
        %dma_wait3A_33 = tpu.memref_slice %arg14[%add3A_23, %dma_wait3A_32] : memref<10000x128xf32, #tpu.memory_space<vmem_shared>> -> memref<200x128xf32, #tpu.memory_space<vmem_shared>>
        tpu.wait_dma2 semaphore(%run_scoped3A : memref<!tpu.dma_semaphore, #tpu.memory_space<semaphore_mem>>) src(%arg13 : memref<200x128xf32, #tpu.memory_space<vmem>>) dst(%dma_wait3A_33 : memref<200x128xf32, #tpu.memory_space<vmem_shared>>)
        tpu.yield
      }) : () -> ()
      %add3A_24 = arith.constant 600 : i32
      %add3A_25 = arith.addi %mul3A_17, %add3A_24 : i32
      "tpu.region"() ({
        %run_scoped3A = tpu.sem_alloc : memref<!tpu.dma_semaphore, #tpu.memory_space<semaphore_mem>>
        %dma_start3A = arith.constant 0 : i32
        %dma_start3A_28 = tpu.memref_slice %arg14[%add3A_25, %dma_start3A] : memref<10000x128xf32, #tpu.memory_space<vmem_shared>> -> memref<200x128xf32, #tpu.memory_space<vmem_shared>>
        %dma_start3A_29 = arith.constant 0 : i32
        %dma_start3A_30 = tpu.memref_slice %arg14[%add3A_25, %dma_start3A_29] : memref<10000x128xf32, #tpu.memory_space<vmem_shared>> -> memref<200x128xf32, #tpu.memory_space<vmem_shared>>
        tpu.enqueue_dma source(%arg13 : memref<200x128xf32, #tpu.memory_space<vmem>>) target(%dma_start3A_30 : memref<200x128xf32, #tpu.memory_space<vmem_shared>>) target_semaphore(%run_scoped3A : memref<!tpu.dma_semaphore, #tpu.memory_space<semaphore_mem>>)
        %dma_wait3A = arith.constant 0 : i32
        %dma_wait3A_31 = tpu.memref_slice %arg14[%add3A_25, %dma_wait3A] : memref<10000x128xf32, #tpu.memory_space<vmem_shared>> -> memref<200x128xf32, #tpu.memory_space<vmem_shared>>
        %dma_wait3A_32 = arith.constant 0 : i32
        %dma_wait3A_33 = tpu.memref_slice %arg14[%add3A_25, %dma_wait3A_32] : memref<10000x128xf32, #tpu.memory_space<vmem_shared>> -> memref<200x128xf32, #tpu.memory_space<vmem_shared>>
        tpu.wait_dma2 semaphore(%run_scoped3A : memref<!tpu.dma_semaphore, #tpu.memory_space<semaphore_mem>>) src(%arg13 : memref<200x128xf32, #tpu.memory_space<vmem>>) dst(%dma_wait3A_33 : memref<200x128xf32, #tpu.memory_space<vmem_shared>>)
        tpu.yield
      }) : () -> ()
      %add3A_26 = arith.constant 800 : i32
      %add3A_27 = arith.addi %mul3A_17, %add3A_26 : i32
      "tpu.region"() ({
        %run_scoped3A = tpu.sem_alloc : memref<!tpu.dma_semaphore, #tpu.memory_space<semaphore_mem>>
        %dma_start3A = arith.constant 0 : i32
        %dma_start3A_28 = tpu.memref_slice %arg14[%add3A_27, %dma_start3A] : memref<10000x128xf32, #tpu.memory_space<vmem_shared>> -> memref<200x128xf32, #tpu.memory_space<vmem_shared>>
        %dma_start3A_29 = arith.constant 0 : i32
        %dma_start3A_30 = tpu.memref_slice %arg14[%add3A_27, %dma_start3A_29] : memref<10000x128xf32, #tpu.memory_space<vmem_shared>> -> memref<200x128xf32, #tpu.memory_space<vmem_shared>>
        tpu.enqueue_dma source(%arg13 : memref<200x128xf32, #tpu.memory_space<vmem>>) target(%dma_start3A_30 : memref<200x128xf32, #tpu.memory_space<vmem_shared>>) target_semaphore(%run_scoped3A : memref<!tpu.dma_semaphore, #tpu.memory_space<semaphore_mem>>)
        %dma_wait3A = arith.constant 0 : i32
        %dma_wait3A_31 = tpu.memref_slice %arg14[%add3A_27, %dma_wait3A] : memref<10000x128xf32, #tpu.memory_space<vmem_shared>> -> memref<200x128xf32, #tpu.memory_space<vmem_shared>>
        %dma_wait3A_32 = arith.constant 0 : i32
        %dma_wait3A_33 = tpu.memref_slice %arg14[%add3A_27, %dma_wait3A_32] : memref<10000x128xf32, #tpu.memory_space<vmem_shared>> -> memref<200x128xf32, #tpu.memory_space<vmem_shared>>
        tpu.wait_dma2 semaphore(%run_scoped3A : memref<!tpu.dma_semaphore, #tpu.memory_space<semaphore_mem>>) src(%arg13 : memref<200x128xf32, #tpu.memory_space<vmem>>) dst(%dma_wait3A_33 : memref<200x128xf32, #tpu.memory_space<vmem_shared>>)
        tpu.yield
      }) : () -> ()
    } else {
    }
    %barrier3A = arith.constant 0 : index
    tpu.barrier barrier_id(%barrier3A)
    %scan3A = arith.constant 0 : i32
    %scan3A_5 = arith.constant 0 : i32
    %scan3A_6 = arith.constant 125 : i32
    %scan3A_7 = arith.addi %scan3A_5, %scan3A_6 : i32
    %scan3A_8 = arith.constant 1 : i32
    scf.for %scan3A_16 = %scan3A_5 to %scan3A_7 step %scan3A_8  : i32 {
      %mul3A_17 = arith.constant 80 : i32
      %mul3A_18 = arith.muli %scan3A_16, %mul3A_17 : i32
      %add3A_19 = arith.addi %mul3A_2, %mul3A_18 : i32
      "tpu.region"() ({
        %run_scoped3A = tpu.sem_alloc : memref<!tpu.dma_semaphore, #tpu.memory_space<semaphore_mem>>
        %dma_start3A_24 = tpu.memref_slice %arg4[%add3A_19] : memref<320000xi32, #tpu.memory_space<hbm>> -> memref<80xi32, #tpu.memory_space<hbm>>
        %dma_start3A_25 = tpu.memref_slice %arg4[%add3A_19] : memref<320000xi32, #tpu.memory_space<hbm>> -> memref<80xi32, #tpu.memory_space<hbm>>
        tpu.enqueue_dma source(%dma_start3A_25 : memref<80xi32, #tpu.memory_space<hbm>>) target(%arg9 : memref<80xi32, #tpu.memory_space<vmem>>) target_semaphore(%run_scoped3A : memref<!tpu.dma_semaphore, #tpu.memory_space<semaphore_mem>>)
        %dma_wait3A_26 = tpu.memref_slice %arg4[%add3A_19] : memref<320000xi32, #tpu.memory_space<hbm>> -> memref<80xi32, #tpu.memory_space<hbm>>
        %dma_wait3A_27 = tpu.memref_slice %arg4[%add3A_19] : memref<320000xi32, #tpu.memory_space<hbm>> -> memref<80xi32, #tpu.memory_space<hbm>>
        tpu.wait_dma2 semaphore(%run_scoped3A : memref<!tpu.dma_semaphore, #tpu.memory_space<semaphore_mem>>) src(%dma_wait3A_27 : memref<80xi32, #tpu.memory_space<hbm>>) dst(%arg9 : memref<80xi32, #tpu.memory_space<vmem>>)
        tpu.yield
      }) : () -> ()
      "tpu.region"() ({
        %run_scoped3A = tpu.sem_alloc : memref<!tpu.dma_semaphore, #tpu.memory_space<semaphore_mem>>
        %dma_start3A_24 = tpu.memref_slice %arg5[%add3A_19] : memref<320000xi32, #tpu.memory_space<hbm>> -> memref<80xi32, #tpu.memory_space<hbm>>
        %dma_start3A_25 = tpu.memref_slice %arg5[%add3A_19] : memref<320000xi32, #tpu.memory_space<hbm>> -> memref<80xi32, #tpu.memory_space<hbm>>
        tpu.enqueue_dma source(%dma_start3A_25 : memref<80xi32, #tpu.memory_space<hbm>>) target(%arg10 : memref<80xi32, #tpu.memory_space<vmem>>) target_semaphore(%run_scoped3A : memref<!tpu.dma_semaphore, #tpu.memory_space<semaphore_mem>>)
        %dma_wait3A_26 = tpu.memref_slice %arg5[%add3A_19] : memref<320000xi32, #tpu.memory_space<hbm>> -> memref<80xi32, #tpu.memory_space<hbm>>
        %dma_wait3A_27 = tpu.memref_slice %arg5[%add3A_19] : memref<320000xi32, #tpu.memory_space<hbm>> -> memref<80xi32, #tpu.memory_space<hbm>>
        tpu.wait_dma2 semaphore(%run_scoped3A : memref<!tpu.dma_semaphore, #tpu.memory_space<semaphore_mem>>) src(%dma_wait3A_27 : memref<80xi32, #tpu.memory_space<hbm>>) dst(%arg10 : memref<80xi32, #tpu.memory_space<vmem>>)
        tpu.yield
      }) : () -> ()
      "tpu.region"() ({
        %run_scoped3A = tpu.sem_alloc : memref<!tpu.dma_semaphore, #tpu.memory_space<semaphore_mem>>
        %dma_start3A_24 = arith.constant 0 : i32
        %dma_start3A_25 = tpu.memref_slice %arg2[%add3A_19, %dma_start3A_24] : memref<320000x128xf32, #tpu.memory_space<hbm>> -> memref<80x128xf32, #tpu.memory_space<hbm>>
        %dma_start3A_26 = arith.constant 0 : i32
        %dma_start3A_27 = tpu.memref_slice %arg2[%add3A_19, %dma_start3A_26] : memref<320000x128xf32, #tpu.memory_space<hbm>> -> memref<80x128xf32, #tpu.memory_space<hbm>>
        tpu.enqueue_dma source(%dma_start3A_27 : memref<80x128xf32, #tpu.memory_space<hbm>>) target(%arg11 : memref<80x128xf32, #tpu.memory_space<vmem>>) target_semaphore(%run_scoped3A : memref<!tpu.dma_semaphore, #tpu.memory_space<semaphore_mem>>)
        %dma_wait3A_28 = arith.constant 0 : i32
        %dma_wait3A_29 = tpu.memref_slice %arg2[%add3A_19, %dma_wait3A_28] : memref<320000x128xf32, #tpu.memory_space<hbm>> -> memref<80x128xf32, #tpu.memory_space<hbm>>
        %dma_wait3A_30 = arith.constant 0 : i32
        %dma_wait3A_31 = tpu.memref_slice %arg2[%add3A_19, %dma_wait3A_30] : memref<320000x128xf32, #tpu.memory_space<hbm>> -> memref<80x128xf32, #tpu.memory_space<hbm>>
        tpu.wait_dma2 semaphore(%run_scoped3A : memref<!tpu.dma_semaphore, #tpu.memory_space<semaphore_mem>>) src(%dma_wait3A_31 : memref<80x128xf32, #tpu.memory_space<hbm>>) dst(%arg11 : memref<80x128xf32, #tpu.memory_space<vmem>>)
        tpu.yield
      }) : () -> ()
      %dma_start3A = arith.constant 0 : i32
      %dma_start3A_20 = arith.constant 0 : i32
      %dma_start3A_21 = tpu.memref_slice %arg3[%dma_start3A, %dma_start3A_20] : memref<10000x128xf32, #tpu.memory_space<hbm>> -> memref<10000x128xf32, #tpu.memory_space<hbm>>
      tpu.enqueue_indirect_dma source(%dma_start3A_21 : memref<10000x128xf32, #tpu.memory_space<hbm>>) target(%arg12 : memref<80x128xf32, #tpu.memory_space<vmem>>) offsets(%arg9 : memref<80xi32, #tpu.memory_space<vmem>>) semaphore(%arg15 : memref<!tpu.dma_semaphore, #tpu.memory_space<semaphore_mem>>)
      %dma_wait3A = arith.constant 0 : i32
      %dma_wait3A_22 = arith.constant 0 : i32
      %dma_wait3A_23 = tpu.memref_slice %arg3[%dma_wait3A, %dma_wait3A_22] : memref<10000x128xf32, #tpu.memory_space<hbm>> -> memref<10000x128xf32, #tpu.memory_space<hbm>>
      tpu.wait_indirect_dma semaphore(%arg15 : memref<!tpu.dma_semaphore, #tpu.memory_space<semaphore_mem>>) src(%dma_wait3A_23 : memref<10000x128xf32, #tpu.memory_space<hbm>>) dst(%arg12 : memref<80x128xf32, #tpu.memory_space<vmem>>)
      "tpu.region"() ({
        %run_scoped3A = tpu.sem_alloc : memref<!tpu.dma_semaphore, #tpu.memory_space<semaphore_mem>>
        %dma_start3A_24 = arith.constant 0 : i32
        %dma_start3A_25 = tpu.memref_slice %arg7[%add3A_19, %dma_start3A_24] : memref<320000x128xf32, #tpu.memory_space<hbm>> -> memref<80x128xf32, #tpu.memory_space<hbm>>
        %dma_start3A_26 = arith.constant 0 : i32
        %dma_start3A_27 = tpu.memref_slice %arg7[%add3A_19, %dma_start3A_26] : memref<320000x128xf32, #tpu.memory_space<hbm>> -> memref<80x128xf32, #tpu.memory_space<hbm>>
        tpu.enqueue_dma source(%arg12 : memref<80x128xf32, #tpu.memory_space<vmem>>) target(%dma_start3A_27 : memref<80x128xf32, #tpu.memory_space<hbm>>) target_semaphore(%run_scoped3A : memref<!tpu.dma_semaphore, #tpu.memory_space<semaphore_mem>>)
        %dma_wait3A_28 = arith.constant 0 : i32
        %dma_wait3A_29 = tpu.memref_slice %arg7[%add3A_19, %dma_wait3A_28] : memref<320000x128xf32, #tpu.memory_space<hbm>> -> memref<80x128xf32, #tpu.memory_space<hbm>>
        %dma_wait3A_30 = arith.constant 0 : i32
        %dma_wait3A_31 = tpu.memref_slice %arg7[%add3A_19, %dma_wait3A_30] : memref<320000x128xf32, #tpu.memory_space<hbm>> -> memref<80x128xf32, #tpu.memory_space<hbm>>
        tpu.wait_dma2 semaphore(%run_scoped3A : memref<!tpu.dma_semaphore, #tpu.memory_space<semaphore_mem>>) src(%arg12 : memref<80x128xf32, #tpu.memory_space<vmem>>) dst(%dma_wait3A_31 : memref<80x128xf32, #tpu.memory_space<hbm>>)
        tpu.yield
      }) : () -> ()
      "tpu.region"() ({
        %run_scoped3A = tpu.sem_alloc : memref<!tpu.dma_semaphore, #tpu.memory_space<semaphore_mem>>
        %dma_start3A_24 = arith.constant 0 : i32
        %dma_start3A_25 = arith.constant 0 : i32
        %dma_start3A_26 = tpu.memref_slice %arg14[%dma_start3A_24, %dma_start3A_25] : memref<10000x128xf32, #tpu.memory_space<vmem_shared>> -> memref<10000x128xf32, #tpu.memory_space<vmem_shared>>
        tpu.enqueue_indirect_dma source(%arg12 : memref<80x128xf32, #tpu.memory_space<vmem>>) target(%dma_start3A_26 : memref<10000x128xf32, #tpu.memory_space<vmem_shared>>) offsets(%arg10 : memref<80xi32, #tpu.memory_space<vmem>>) semaphore(%run_scoped3A : memref<!tpu.dma_semaphore, #tpu.memory_space<semaphore_mem>>) {add = true}
        %dma_wait3A_27 = arith.constant 0 : i32
        %dma_wait3A_28 = arith.constant 0 : i32
        %dma_wait3A_29 = tpu.memref_slice %arg14[%dma_wait3A_27, %dma_wait3A_28] : memref<10000x128xf32, #tpu.memory_space<vmem_shared>> -> memref<10000x128xf32, #tpu.memory_space<vmem_shared>>
        tpu.wait_indirect_dma semaphore(%run_scoped3A : memref<!tpu.dma_semaphore, #tpu.memory_space<semaphore_mem>>) src(%arg12 : memref<80x128xf32, #tpu.memory_space<vmem>>) dst(%dma_wait3A_29 : memref<10000x128xf32, #tpu.memory_space<vmem_shared>>)
        tpu.yield
      }) : () -> ()
      "tpu.region"() ({
        %run_scoped3A = tpu.sem_alloc : memref<!tpu.dma_semaphore, #tpu.memory_space<semaphore_mem>>
        %dma_start3A_24 = arith.constant 0 : i32
        %dma_start3A_25 = arith.constant 0 : i32
        %dma_start3A_26 = tpu.memref_slice %arg14[%dma_start3A_24, %dma_start3A_25] : memref<10000x128xf32, #tpu.memory_space<vmem_shared>> -> memref<10000x128xf32, #tpu.memory_space<vmem_shared>>
        tpu.enqueue_indirect_dma source(%arg11 : memref<80x128xf32, #tpu.memory_space<vmem>>) target(%dma_start3A_26 : memref<10000x128xf32, #tpu.memory_space<vmem_shared>>) offsets(%arg10 : memref<80xi32, #tpu.memory_space<vmem>>) semaphore(%run_scoped3A : memref<!tpu.dma_semaphore, #tpu.memory_space<semaphore_mem>>) {add = true}
        %dma_wait3A_27 = arith.constant 0 : i32
        %dma_wait3A_28 = arith.constant 0 : i32
        %dma_wait3A_29 = tpu.memref_slice %arg14[%dma_wait3A_27, %dma_wait3A_28] : memref<10000x128xf32, #tpu.memory_space<vmem_shared>> -> memref<10000x128xf32, #tpu.memory_space<vmem_shared>>
        tpu.wait_indirect_dma semaphore(%run_scoped3A : memref<!tpu.dma_semaphore, #tpu.memory_space<semaphore_mem>>) src(%arg11 : memref<80x128xf32, #tpu.memory_space<vmem>>) dst(%dma_wait3A_29 : memref<10000x128xf32, #tpu.memory_space<vmem_shared>>)
        tpu.yield
      }) : () -> ()
    }
    %scan3A_9 = arith.constant 125 : i32
    %barrier3A_10 = arith.constant 0 : index
    tpu.barrier barrier_id(%barrier3A_10)
    %lt3A_11 = arith.constant 10 : i32
    %lt3A_12 = arith.cmpi slt, %arg1, %lt3A_11 : i32
    %convert_element_type3A_13 = arith.extui %lt3A_12 : i1 to i32
    %cond3A_14 = arith.constant 0 : i32
    %cond3A_15 = arith.cmpi ne, %convert_element_type3A_13, %cond3A_14 : i32
    scf.if %cond3A_15 {
      %mul3A_16 = arith.constant 1000 : i32
      %mul3A_17 = arith.muli %arg1, %mul3A_16 : i32
      %add3A_18 = arith.constant 0 : i32
      %add3A_19 = arith.addi %mul3A_17, %add3A_18 : i32
      "tpu.region"() ({
        %run_scoped3A = tpu.sem_alloc : memref<!tpu.dma_semaphore, #tpu.memory_space<semaphore_mem>>
        %dma_start3A = arith.constant 0 : i32
        %dma_start3A_53 = tpu.memref_slice %arg14[%add3A_19, %dma_start3A] : memref<10000x128xf32, #tpu.memory_space<vmem_shared>> -> memref<200x128xf32, #tpu.memory_space<vmem_shared>>
        %dma_start3A_54 = arith.constant 0 : i32
        %dma_start3A_55 = tpu.memref_slice %arg14[%add3A_19, %dma_start3A_54] : memref<10000x128xf32, #tpu.memory_space<vmem_shared>> -> memref<200x128xf32, #tpu.memory_space<vmem_shared>>
        tpu.enqueue_dma source(%dma_start3A_55 : memref<200x128xf32, #tpu.memory_space<vmem_shared>>) target(%arg13 : memref<200x128xf32, #tpu.memory_space<vmem>>) target_semaphore(%run_scoped3A : memref<!tpu.dma_semaphore, #tpu.memory_space<semaphore_mem>>)
        %dma_wait3A = arith.constant 0 : i32
        %dma_wait3A_56 = tpu.memref_slice %arg14[%add3A_19, %dma_wait3A] : memref<10000x128xf32, #tpu.memory_space<vmem_shared>> -> memref<200x128xf32, #tpu.memory_space<vmem_shared>>
        %dma_wait3A_57 = arith.constant 0 : i32
        %dma_wait3A_58 = tpu.memref_slice %arg14[%add3A_19, %dma_wait3A_57] : memref<10000x128xf32, #tpu.memory_space<vmem_shared>> -> memref<200x128xf32, #tpu.memory_space<vmem_shared>>
        tpu.wait_dma2 semaphore(%run_scoped3A : memref<!tpu.dma_semaphore, #tpu.memory_space<semaphore_mem>>) src(%dma_wait3A_58 : memref<200x128xf32, #tpu.memory_space<vmem_shared>>) dst(%arg13 : memref<200x128xf32, #tpu.memory_space<vmem>>)
        tpu.yield
      }) : () -> ()
      %mul3A_20 = arith.constant 10000 : i32
      %mul3A_21 = arith.muli %arg0, %mul3A_20 : i32
      %add3A_22 = arith.addi %mul3A_21, %mul3A_17 : i32
      %add3A_23 = arith.constant 0 : i32
      %add3A_24 = arith.addi %add3A_22, %add3A_23 : i32
      "tpu.region"() ({
        %run_scoped3A = tpu.sem_alloc : memref<!tpu.dma_semaphore, #tpu.memory_space<semaphore_mem>>
        %dma_start3A = arith.constant 0 : i32
        %dma_start3A_53 = tpu.memref_slice %arg8[%add3A_24, %dma_start3A] : memref<20000x128xf32, #tpu.memory_space<hbm>> -> memref<200x128xf32, #tpu.memory_space<hbm>>
        %dma_start3A_54 = arith.constant 0 : i32
        %dma_start3A_55 = tpu.memref_slice %arg8[%add3A_24, %dma_start3A_54] : memref<20000x128xf32, #tpu.memory_space<hbm>> -> memref<200x128xf32, #tpu.memory_space<hbm>>
        tpu.enqueue_dma source(%arg13 : memref<200x128xf32, #tpu.memory_space<vmem>>) target(%dma_start3A_55 : memref<200x128xf32, #tpu.memory_space<hbm>>) target_semaphore(%run_scoped3A : memref<!tpu.dma_semaphore, #tpu.memory_space<semaphore_mem>>)
        %dma_wait3A = arith.constant 0 : i32
        %dma_wait3A_56 = tpu.memref_slice %arg8[%add3A_24, %dma_wait3A] : memref<20000x128xf32, #tpu.memory_space<hbm>> -> memref<200x128xf32, #tpu.memory_space<hbm>>
        %dma_wait3A_57 = arith.constant 0 : i32
        %dma_wait3A_58 = tpu.memref_slice %arg8[%add3A_24, %dma_wait3A_57] : memref<20000x128xf32, #tpu.memory_space<hbm>> -> memref<200x128xf32, #tpu.memory_space<hbm>>
        tpu.wait_dma2 semaphore(%run_scoped3A : memref<!tpu.dma_semaphore, #tpu.memory_space<semaphore_mem>>) src(%arg13 : memref<200x128xf32, #tpu.memory_space<vmem>>) dst(%dma_wait3A_58 : memref<200x128xf32, #tpu.memory_space<hbm>>)
        tpu.yield
      }) : () -> ()
      %add3A_25 = arith.constant 200 : i32
      %add3A_26 = arith.addi %mul3A_17, %add3A_25 : i32
      "tpu.region"() ({
        %run_scoped3A = tpu.sem_alloc : memref<!tpu.dma_semaphore, #tpu.memory_space<semaphore_mem>>
        %dma_start3A = arith.constant 0 : i32
        %dma_start3A_53 = tpu.memref_slice %arg14[%add3A_26, %dma_start3A] : memref<10000x128xf32, #tpu.memory_space<vmem_shared>> -> memref<200x128xf32, #tpu.memory_space<vmem_shared>>
        %dma_start3A_54 = arith.constant 0 : i32
        %dma_start3A_55 = tpu.memref_slice %arg14[%add3A_26, %dma_start3A_54] : memref<10000x128xf32, #tpu.memory_space<vmem_shared>> -> memref<200x128xf32, #tpu.memory_space<vmem_shared>>
        tpu.enqueue_dma source(%dma_start3A_55 : memref<200x128xf32, #tpu.memory_space<vmem_shared>>) target(%arg13 : memref<200x128xf32, #tpu.memory_space<vmem>>) target_semaphore(%run_scoped3A : memref<!tpu.dma_semaphore, #tpu.memory_space<semaphore_mem>>)
        %dma_wait3A = arith.constant 0 : i32
        %dma_wait3A_56 = tpu.memref_slice %arg14[%add3A_26, %dma_wait3A] : memref<10000x128xf32, #tpu.memory_space<vmem_shared>> -> memref<200x128xf32, #tpu.memory_space<vmem_shared>>
        %dma_wait3A_57 = arith.constant 0 : i32
        %dma_wait3A_58 = tpu.memref_slice %arg14[%add3A_26, %dma_wait3A_57] : memref<10000x128xf32, #tpu.memory_space<vmem_shared>> -> memref<200x128xf32, #tpu.memory_space<vmem_shared>>
        tpu.wait_dma2 semaphore(%run_scoped3A : memref<!tpu.dma_semaphore, #tpu.memory_space<semaphore_mem>>) src(%dma_wait3A_58 : memref<200x128xf32, #tpu.memory_space<vmem_shared>>) dst(%arg13 : memref<200x128xf32, #tpu.memory_space<vmem>>)
        tpu.yield
      }) : () -> ()
      %mul3A_27 = arith.constant 10000 : i32
      %mul3A_28 = arith.muli %arg0, %mul3A_27 : i32
      %add3A_29 = arith.addi %mul3A_28, %mul3A_17 : i32
      %add3A_30 = arith.constant 200 : i32
      %add3A_31 = arith.addi %add3A_29, %add3A_30 : i32
      "tpu.region"() ({
        %run_scoped3A = tpu.sem_alloc : memref<!tpu.dma_semaphore, #tpu.memory_space<semaphore_mem>>
        %dma_start3A = arith.constant 0 : i32
        %dma_start3A_53 = tpu.memref_slice %arg8[%add3A_31, %dma_start3A] : memref<20000x128xf32, #tpu.memory_space<hbm>> -> memref<200x128xf32, #tpu.memory_space<hbm>>
        %dma_start3A_54 = arith.constant 0 : i32
        %dma_start3A_55 = tpu.memref_slice %arg8[%add3A_31, %dma_start3A_54] : memref<20000x128xf32, #tpu.memory_space<hbm>> -> memref<200x128xf32, #tpu.memory_space<hbm>>
        tpu.enqueue_dma source(%arg13 : memref<200x128xf32, #tpu.memory_space<vmem>>) target(%dma_start3A_55 : memref<200x128xf32, #tpu.memory_space<hbm>>) target_semaphore(%run_scoped3A : memref<!tpu.dma_semaphore, #tpu.memory_space<semaphore_mem>>)
        %dma_wait3A = arith.constant 0 : i32
        %dma_wait3A_56 = tpu.memref_slice %arg8[%add3A_31, %dma_wait3A] : memref<20000x128xf32, #tpu.memory_space<hbm>> -> memref<200x128xf32, #tpu.memory_space<hbm>>
        %dma_wait3A_57 = arith.constant 0 : i32
        %dma_wait3A_58 = tpu.memref_slice %arg8[%add3A_31, %dma_wait3A_57] : memref<20000x128xf32, #tpu.memory_space<hbm>> -> memref<200x128xf32, #tpu.memory_space<hbm>>
        tpu.wait_dma2 semaphore(%run_scoped3A : memref<!tpu.dma_semaphore, #tpu.memory_space<semaphore_mem>>) src(%arg13 : memref<200x128xf32, #tpu.memory_space<vmem>>) dst(%dma_wait3A_58 : memref<200x128xf32, #tpu.memory_space<hbm>>)
        tpu.yield
      }) : () -> ()
      %add3A_32 = arith.constant 400 : i32
      %add3A_33 = arith.addi %mul3A_17, %add3A_32 : i32
      "tpu.region"() ({
        %run_scoped3A = tpu.sem_alloc : memref<!tpu.dma_semaphore, #tpu.memory_space<semaphore_mem>>
        %dma_start3A = arith.constant 0 : i32
        %dma_start3A_53 = tpu.memref_slice %arg14[%add3A_33, %dma_start3A] : memref<10000x128xf32, #tpu.memory_space<vmem_shared>> -> memref<200x128xf32, #tpu.memory_space<vmem_shared>>
        %dma_start3A_54 = arith.constant 0 : i32
        %dma_start3A_55 = tpu.memref_slice %arg14[%add3A_33, %dma_start3A_54] : memref<10000x128xf32, #tpu.memory_space<vmem_shared>> -> memref<200x128xf32, #tpu.memory_space<vmem_shared>>
        tpu.enqueue_dma source(%dma_start3A_55 : memref<200x128xf32, #tpu.memory_space<vmem_shared>>) target(%arg13 : memref<200x128xf32, #tpu.memory_space<vmem>>) target_semaphore(%run_scoped3A : memref<!tpu.dma_semaphore, #tpu.memory_space<semaphore_mem>>)
        %dma_wait3A = arith.constant 0 : i32
        %dma_wait3A_56 = tpu.memref_slice %arg14[%add3A_33, %dma_wait3A] : memref<10000x128xf32, #tpu.memory_space<vmem_shared>> -> memref<200x128xf32, #tpu.memory_space<vmem_shared>>
        %dma_wait3A_57 = arith.constant 0 : i32
        %dma_wait3A_58 = tpu.memref_slice %arg14[%add3A_33, %dma_wait3A_57] : memref<10000x128xf32, #tpu.memory_space<vmem_shared>> -> memref<200x128xf32, #tpu.memory_space<vmem_shared>>
        tpu.wait_dma2 semaphore(%run_scoped3A : memref<!tpu.dma_semaphore, #tpu.memory_space<semaphore_mem>>) src(%dma_wait3A_58 : memref<200x128xf32, #tpu.memory_space<vmem_shared>>) dst(%arg13 : memref<200x128xf32, #tpu.memory_space<vmem>>)
        tpu.yield
      }) : () -> ()
      %mul3A_34 = arith.constant 10000 : i32
      %mul3A_35 = arith.muli %arg0, %mul3A_34 : i32
      %add3A_36 = arith.addi %mul3A_35, %mul3A_17 : i32
      %add3A_37 = arith.constant 400 : i32
      %add3A_38 = arith.addi %add3A_36, %add3A_37 : i32
      "tpu.region"() ({
        %run_scoped3A = tpu.sem_alloc : memref<!tpu.dma_semaphore, #tpu.memory_space<semaphore_mem>>
        %dma_start3A = arith.constant 0 : i32
        %dma_start3A_53 = tpu.memref_slice %arg8[%add3A_38, %dma_start3A] : memref<20000x128xf32, #tpu.memory_space<hbm>> -> memref<200x128xf32, #tpu.memory_space<hbm>>
        %dma_start3A_54 = arith.constant 0 : i32
        %dma_start3A_55 = tpu.memref_slice %arg8[%add3A_38, %dma_start3A_54] : memref<20000x128xf32, #tpu.memory_space<hbm>> -> memref<200x128xf32, #tpu.memory_space<hbm>>
        tpu.enqueue_dma source(%arg13 : memref<200x128xf32, #tpu.memory_space<vmem>>) target(%dma_start3A_55 : memref<200x128xf32, #tpu.memory_space<hbm>>) target_semaphore(%run_scoped3A : memref<!tpu.dma_semaphore, #tpu.memory_space<semaphore_mem>>)
        %dma_wait3A = arith.constant 0 : i32
        %dma_wait3A_56 = tpu.memref_slice %arg8[%add3A_38, %dma_wait3A] : memref<20000x128xf32, #tpu.memory_space<hbm>> -> memref<200x128xf32, #tpu.memory_space<hbm>>
        %dma_wait3A_57 = arith.constant 0 : i32
        %dma_wait3A_58 = tpu.memref_slice %arg8[%add3A_38, %dma_wait3A_57] : memref<20000x128xf32, #tpu.memory_space<hbm>> -> memref<200x128xf32, #tpu.memory_space<hbm>>
        tpu.wait_dma2 semaphore(%run_scoped3A : memref<!tpu.dma_semaphore, #tpu.memory_space<semaphore_mem>>) src(%arg13 : memref<200x128xf32, #tpu.memory_space<vmem>>) dst(%dma_wait3A_58 : memref<200x128xf32, #tpu.memory_space<hbm>>)
        tpu.yield
      }) : () -> ()
      %add3A_39 = arith.constant 600 : i32
      %add3A_40 = arith.addi %mul3A_17, %add3A_39 : i32
      "tpu.region"() ({
        %run_scoped3A = tpu.sem_alloc : memref<!tpu.dma_semaphore, #tpu.memory_space<semaphore_mem>>
        %dma_start3A = arith.constant 0 : i32
        %dma_start3A_53 = tpu.memref_slice %arg14[%add3A_40, %dma_start3A] : memref<10000x128xf32, #tpu.memory_space<vmem_shared>> -> memref<200x128xf32, #tpu.memory_space<vmem_shared>>
        %dma_start3A_54 = arith.constant 0 : i32
        %dma_start3A_55 = tpu.memref_slice %arg14[%add3A_40, %dma_start3A_54] : memref<10000x128xf32, #tpu.memory_space<vmem_shared>> -> memref<200x128xf32, #tpu.memory_space<vmem_shared>>
        tpu.enqueue_dma source(%dma_start3A_55 : memref<200x128xf32, #tpu.memory_space<vmem_shared>>) target(%arg13 : memref<200x128xf32, #tpu.memory_space<vmem>>) target_semaphore(%run_scoped3A : memref<!tpu.dma_semaphore, #tpu.memory_space<semaphore_mem>>)
        %dma_wait3A = arith.constant 0 : i32
        %dma_wait3A_56 = tpu.memref_slice %arg14[%add3A_40, %dma_wait3A] : memref<10000x128xf32, #tpu.memory_space<vmem_shared>> -> memref<200x128xf32, #tpu.memory_space<vmem_shared>>
        %dma_wait3A_57 = arith.constant 0 : i32
        %dma_wait3A_58 = tpu.memref_slice %arg14[%add3A_40, %dma_wait3A_57] : memref<10000x128xf32, #tpu.memory_space<vmem_shared>> -> memref<200x128xf32, #tpu.memory_space<vmem_shared>>
        tpu.wait_dma2 semaphore(%run_scoped3A : memref<!tpu.dma_semaphore, #tpu.memory_space<semaphore_mem>>) src(%dma_wait3A_58 : memref<200x128xf32, #tpu.memory_space<vmem_shared>>) dst(%arg13 : memref<200x128xf32, #tpu.memory_space<vmem>>)
        tpu.yield
      }) : () -> ()
      %mul3A_41 = arith.constant 10000 : i32
      %mul3A_42 = arith.muli %arg0, %mul3A_41 : i32
      %add3A_43 = arith.addi %mul3A_42, %mul3A_17 : i32
      %add3A_44 = arith.constant 600 : i32
      %add3A_45 = arith.addi %add3A_43, %add3A_44 : i32
      "tpu.region"() ({
        %run_scoped3A = tpu.sem_alloc : memref<!tpu.dma_semaphore, #tpu.memory_space<semaphore_mem>>
        %dma_start3A = arith.constant 0 : i32
        %dma_start3A_53 = tpu.memref_slice %arg8[%add3A_45, %dma_start3A] : memref<20000x128xf32, #tpu.memory_space<hbm>> -> memref<200x128xf32, #tpu.memory_space<hbm>>
        %dma_start3A_54 = arith.constant 0 : i32
        %dma_start3A_55 = tpu.memref_slice %arg8[%add3A_45, %dma_start3A_54] : memref<20000x128xf32, #tpu.memory_space<hbm>> -> memref<200x128xf32, #tpu.memory_space<hbm>>
        tpu.enqueue_dma source(%arg13 : memref<200x128xf32, #tpu.memory_space<vmem>>) target(%dma_start3A_55 : memref<200x128xf32, #tpu.memory_space<hbm>>) target_semaphore(%run_scoped3A : memref<!tpu.dma_semaphore, #tpu.memory_space<semaphore_mem>>)
        %dma_wait3A = arith.constant 0 : i32
        %dma_wait3A_56 = tpu.memref_slice %arg8[%add3A_45, %dma_wait3A] : memref<20000x128xf32, #tpu.memory_space<hbm>> -> memref<200x128xf32, #tpu.memory_space<hbm>>
        %dma_wait3A_57 = arith.constant 0 : i32
        %dma_wait3A_58 = tpu.memref_slice %arg8[%add3A_45, %dma_wait3A_57] : memref<20000x128xf32, #tpu.memory_space<hbm>> -> memref<200x128xf32, #tpu.memory_space<hbm>>
        tpu.wait_dma2 semaphore(%run_scoped3A : memref<!tpu.dma_semaphore, #tpu.memory_space<semaphore_mem>>) src(%arg13 : memref<200x128xf32, #tpu.memory_space<vmem>>) dst(%dma_wait3A_58 : memref<200x128xf32, #tpu.memory_space<hbm>>)
        tpu.yield
      }) : () -> ()
      %add3A_46 = arith.constant 800 : i32
      %add3A_47 = arith.addi %mul3A_17, %add3A_46 : i32
      "tpu.region"() ({
        %run_scoped3A = tpu.sem_alloc : memref<!tpu.dma_semaphore, #tpu.memory_space<semaphore_mem>>
        %dma_start3A = arith.constant 0 : i32
        %dma_start3A_53 = tpu.memref_slice %arg14[%add3A_47, %dma_start3A] : memref<10000x128xf32, #tpu.memory_space<vmem_shared>> -> memref<200x128xf32, #tpu.memory_space<vmem_shared>>
        %dma_start3A_54 = arith.constant 0 : i32
        %dma_start3A_55 = tpu.memref_slice %arg14[%add3A_47, %dma_start3A_54] : memref<10000x128xf32, #tpu.memory_space<vmem_shared>> -> memref<200x128xf32, #tpu.memory_space<vmem_shared>>
        tpu.enqueue_dma source(%dma_start3A_55 : memref<200x128xf32, #tpu.memory_space<vmem_shared>>) target(%arg13 : memref<200x128xf32, #tpu.memory_space<vmem>>) target_semaphore(%run_scoped3A : memref<!tpu.dma_semaphore, #tpu.memory_space<semaphore_mem>>)
        %dma_wait3A = arith.constant 0 : i32
        %dma_wait3A_56 = tpu.memref_slice %arg14[%add3A_47, %dma_wait3A] : memref<10000x128xf32, #tpu.memory_space<vmem_shared>> -> memref<200x128xf32, #tpu.memory_space<vmem_shared>>
        %dma_wait3A_57 = arith.constant 0 : i32
        %dma_wait3A_58 = tpu.memref_slice %arg14[%add3A_47, %dma_wait3A_57] : memref<10000x128xf32, #tpu.memory_space<vmem_shared>> -> memref<200x128xf32, #tpu.memory_space<vmem_shared>>
        tpu.wait_dma2 semaphore(%run_scoped3A : memref<!tpu.dma_semaphore, #tpu.memory_space<semaphore_mem>>) src(%dma_wait3A_58 : memref<200x128xf32, #tpu.memory_space<vmem_shared>>) dst(%arg13 : memref<200x128xf32, #tpu.memory_space<vmem>>)
        tpu.yield
      }) : () -> ()
      %mul3A_48 = arith.constant 10000 : i32
      %mul3A_49 = arith.muli %arg0, %mul3A_48 : i32
      %add3A_50 = arith.addi %mul3A_49, %mul3A_17 : i32
      %add3A_51 = arith.constant 800 : i32
      %add3A_52 = arith.addi %add3A_50, %add3A_51 : i32
      "tpu.region"() ({
        %run_scoped3A = tpu.sem_alloc : memref<!tpu.dma_semaphore, #tpu.memory_space<semaphore_mem>>
        %dma_start3A = arith.constant 0 : i32
        %dma_start3A_53 = tpu.memref_slice %arg8[%add3A_52, %dma_start3A] : memref<20000x128xf32, #tpu.memory_space<hbm>> -> memref<200x128xf32, #tpu.memory_space<hbm>>
        %dma_start3A_54 = arith.constant 0 : i32
        %dma_start3A_55 = tpu.memref_slice %arg8[%add3A_52, %dma_start3A_54] : memref<20000x128xf32, #tpu.memory_space<hbm>> -> memref<200x128xf32, #tpu.memory_space<hbm>>
        tpu.enqueue_dma source(%arg13 : memref<200x128xf32, #tpu.memory_space<vmem>>) target(%dma_start3A_55 : memref<200x128xf32, #tpu.memory_space<hbm>>) target_semaphore(%run_scoped3A : memref<!tpu.dma_semaphore, #tpu.memory_space<semaphore_mem>>)
        %dma_wait3A = arith.constant 0 : i32
        %dma_wait3A_56 = tpu.memref_slice %arg8[%add3A_52, %dma_wait3A] : memref<20000x128xf32, #tpu.memory_space<hbm>> -> memref<200x128xf32, #tpu.memory_space<hbm>>
        %dma_wait3A_57 = arith.constant 0 : i32
        %dma_wait3A_58 = tpu.memref_slice %arg8[%add3A_52, %dma_wait3A_57] : memref<20000x128xf32, #tpu.memory_space<hbm>> -> memref<200x128xf32, #tpu.memory_space<hbm>>
        tpu.wait_dma2 semaphore(%run_scoped3A : memref<!tpu.dma_semaphore, #tpu.memory_space<semaphore_mem>>) src(%arg13 : memref<200x128xf32, #tpu.memory_space<vmem>>) dst(%dma_wait3A_58 : memref<200x128xf32, #tpu.memory_space<hbm>>)
        tpu.yield
      }) : () -> ()
    } else {
    }
    return
  }
}

module attributes {stable_mosaic.version = 14 : i64} {
  func.func @_tc0_body(%arg0: i32, %arg1: memref<2000x16xf32, #tpu.memory_space<vmem>>, %arg2: memref<10000x128xf32, #tpu.memory_space<vmem>>, %arg3: memref<16x128xf32, #tpu.memory_space<vmem>>, %arg4: memref<128x128xf32, #tpu.memory_space<vmem>>, %arg5: memref<2000x128xf32, #tpu.memory_space<vmem>>, %arg6: memref<10000x128xf32, #tpu.memory_space<vmem>>, %arg7: memref<1x128xf32, #tpu.memory_space<vmem>>) attributes {dimension_semantics = [#tpu.dimension_semantics<arbitrary>], iteration_bounds = array<i64: 160>, scalar_prefetch = 0 : i64, scratch_operands = 0 : i64, tpu.core_type = #tpu.core_type<tc>, window_params = [{transform_indices = @transform_0, window_bounds = array<i64: 2000, 16>}, {pipeline_mode = #tpu.pipeline_mode<synchronous>, transform_indices = @transform_1, window_bounds = array<i64: 10000, 128>}, {pipeline_mode = #tpu.pipeline_mode<synchronous>, transform_indices = @transform_2, window_bounds = array<i64: 16, 128>}, {pipeline_mode = #tpu.pipeline_mode<synchronous>, transform_indices = @transform_3, window_bounds = array<i64: 128, 128>}, {transform_indices = @transform_4, window_bounds = array<i64: 2000, 128>}, {pipeline_mode = #tpu.pipeline_mode<synchronous>, transform_indices = @transform_5, window_bounds = array<i64: 10000, 128>}, {pipeline_mode = #tpu.pipeline_mode<synchronous>, transform_indices = @transform_6, window_bounds = array<i64: 1, 128>}]} {
    %get3A = arith.constant 0 : index
    %get3A_0 = arith.constant 0 : index
    %get3A_1 = vector.load %arg1[%get3A, %get3A_0] : memref<2000x16xf32, #tpu.memory_space<vmem>>, vector<2000x16xf32>
    %get3A_2 = arith.constant 0 : index
    %get3A_3 = arith.constant 0 : index
    %get3A_4 = vector.load %arg3[%get3A_2, %get3A_3] : memref<16x128xf32, #tpu.memory_space<vmem>>, vector<16x128xf32>
    %dot_general3A = arith.constant dense<0.000000e+00> : vector<2000x128xf32>
    %dot_general3A_5 = tpu.matmul %get3A_1, %get3A_4, %dot_general3A {dimension_numbers = #tpu.dot_dimension_numbers<[1], [0], [0], [1], [0, 0, 1, 1], [], []>, transpose_lhs_hint = false} : vector<2000x16xf32>, vector<16x128xf32>, vector<2000x128xf32> -> vector<2000x128xf32>
    %swap3A = arith.constant 0 : index
    %swap3A_6 = arith.constant 0 : index
    %swap3A_7 = vector.load %arg5[%swap3A, %swap3A_6] : memref<2000x128xf32, #tpu.memory_space<vmem>>, vector<2000x128xf32>
    tpu.vector_store %arg5[%swap3A, %swap3A_6], %dot_general3A_5 {strides = array<i32>} : memref<2000x128xf32, #tpu.memory_space<vmem>>, vector<2000x128xf32>,
    %eq3A = arith.constant 0 : i32
    %eq3A_8 = arith.cmpi eq, %arg0, %eq3A : i32
    %convert_element_type3A = arith.extui %eq3A_8 : i1 to i32
    %cond3A = arith.constant 0 : i32
    %cond3A_9 = arith.cmpi ne, %convert_element_type3A, %cond3A : i32
    scf.if %cond3A_9 {
      %get3A_10 = arith.constant 0 : index
      %get3A_11 = arith.constant 0 : index
      %get3A_12 = vector.load %arg2[%get3A_10, %get3A_11] : memref<10000x128xf32, #tpu.memory_space<vmem>>, vector<10000x128xf32>
      %get3A_13 = arith.constant 0 : index
      %get3A_14 = arith.constant 0 : index
      %get3A_15 = vector.load %arg4[%get3A_13, %get3A_14] : memref<128x128xf32, #tpu.memory_space<vmem>>, vector<128x128xf32>
      %dot_general3A_16 = arith.constant dense<0.000000e+00> : vector<10000x128xf32>
      %dot_general3A_17 = tpu.matmul %get3A_12, %get3A_15, %dot_general3A_16 {dimension_numbers = #tpu.dot_dimension_numbers<[1], [0], [0], [1], [0, 0, 1, 1], [], []>, transpose_lhs_hint = false} : vector<10000x128xf32>, vector<128x128xf32>, vector<10000x128xf32> -> vector<10000x128xf32>
      %swap3A_18 = arith.constant 0 : index
      %swap3A_19 = arith.constant 0 : index
      %swap3A_20 = vector.load %arg6[%swap3A_18, %swap3A_19] : memref<10000x128xf32, #tpu.memory_space<vmem>>, vector<10000x128xf32>
      tpu.vector_store %arg6[%swap3A_18, %swap3A_19], %dot_general3A_17 {strides = array<i32>} : memref<10000x128xf32, #tpu.memory_space<vmem>>, vector<10000x128xf32>,
      %get3A_21 = arith.constant 0 : index
      %get3A_22 = arith.constant 0 : index
      %get3A_23 = vector.load %arg2[%get3A_21, %get3A_22] : memref<10000x128xf32, #tpu.memory_space<vmem>>, vector<10000x128xf32>
      %reduce_sum3A = arith.constant dense<0.000000e+00> : vector<128xf32>
      %reduce_sum3A_24 = vector.multi_reduction <add>, %get3A_23, %reduce_sum3A [0] : vector<10000x128xf32> to vector<128xf32>
      %broadcast_in_dim3A = vector.shape_cast %reduce_sum3A_24 : vector<128xf32> to vector<1x128xf32>
      %swap3A_25 = arith.constant 0 : index
      %swap3A_26 = arith.constant 0 : index
      %swap3A_27 = vector.load %arg7[%swap3A_25, %swap3A_26] : memref<1x128xf32, #tpu.memory_space<vmem>>, vector<1x128xf32>
      tpu.vector_store %arg7[%swap3A_25, %swap3A_26], %broadcast_in_dim3A {strides = array<i32>} : memref<1x128xf32, #tpu.memory_space<vmem>>, vector<1x128xf32>,
    } else {
    }
    return
  }
  func.func @transform_0(%arg0: i32) -> (i32, i32) {
    %c0_i32 = arith.constant 0 : i32
    %c0_i32_0 = arith.constant 0 : i32
    return %arg0, %c0_i32 : i32, i32
  }
  func.func @transform_1(%arg0: i32) -> (i32, i32) {
    %c0_i32 = arith.constant 0 : i32
    %c0_i32_0 = arith.constant 0 : i32
    %c0_i32_1 = arith.constant 0 : i32
    return %c0_i32, %c0_i32_0 : i32, i32
  }
  func.func @transform_2(%arg0: i32) -> (i32, i32) {
    %c0_i32 = arith.constant 0 : i32
    %c0_i32_0 = arith.constant 0 : i32
    %c0_i32_1 = arith.constant 0 : i32
    return %c0_i32, %c0_i32_0 : i32, i32
  }
  func.func @transform_3(%arg0: i32) -> (i32, i32) {
    %c0_i32 = arith.constant 0 : i32
    %c0_i32_0 = arith.constant 0 : i32
    %c0_i32_1 = arith.constant 0 : i32
    return %c0_i32, %c0_i32_0 : i32, i32
  }
  func.func @transform_4(%arg0: i32) -> (i32, i32) {
    %c0_i32 = arith.constant 0 : i32
    %c0_i32_0 = arith.constant 0 : i32
    return %arg0, %c0_i32 : i32, i32
  }
  func.func @transform_5(%arg0: i32) -> (i32, i32) {
    %c0_i32 = arith.constant 0 : i32
    %c0_i32_0 = arith.constant 0 : i32
    %c0_i32_1 = arith.constant 0 : i32
    return %c0_i32, %c0_i32_0 : i32, i32
  }
  func.func @transform_6(%arg0: i32) -> (i32, i32) {
    %c0_i32 = arith.constant 0 : i32
    %c0_i32_0 = arith.constant 0 : i32
    %c0_i32_1 = arith.constant 0 : i32
    return %c0_i32, %c0_i32_0 : i32, i32
  }
}

module attributes {stable_mosaic.version = 14 : i64} {
  func.func @_tc1_body(%arg0: i32, %arg1: memref<2000x128xf32, #tpu.memory_space<vmem>>, %arg2: memref<2000x128xf32, #tpu.memory_space<vmem>>, %arg3: memref<2x10000x128xf32, #tpu.memory_space<vmem>>, %arg4: memref<128x128xf32, #tpu.memory_space<vmem>>, %arg5: memref<2000x128xf32, #tpu.memory_space<vmem>>, %arg6: memref<2000x128xf32, #tpu.memory_space<vmem>>, %arg7: memref<10000x128xf32, #tpu.memory_space<vmem>>, %arg8: memref<1x128xf32, #tpu.memory_space<vmem>>, %arg9: memref<1x128xf32, #tpu.memory_space<vmem>>) attributes {dimension_semantics = [#tpu.dimension_semantics<arbitrary>], iteration_bounds = array<i64: 160>, scalar_prefetch = 0 : i64, scratch_operands = 1 : i64, tpu.core_type = #tpu.core_type<tc>, window_params = [{transform_indices = @transform_0, window_bounds = array<i64: 2000, 128>}, {transform_indices = @transform_1, window_bounds = array<i64: 2000, 128>}, {pipeline_mode = #tpu.pipeline_mode<synchronous>, transform_indices = @transform_2, window_bounds = array<i64: 2, 10000, 128>}, {pipeline_mode = #tpu.pipeline_mode<synchronous>, transform_indices = @transform_3, window_bounds = array<i64: 128, 128>}, {transform_indices = @transform_4, window_bounds = array<i64: 2000, 128>}, {transform_indices = @transform_5, window_bounds = array<i64: 2000, 128>}, {pipeline_mode = #tpu.pipeline_mode<synchronous>, transform_indices = @transform_6, window_bounds = array<i64: 10000, 128>}, {pipeline_mode = #tpu.pipeline_mode<synchronous>, transform_indices = @transform_7, window_bounds = array<i64: 1, 128>}]} {
    %get3A = arith.constant 0 : index
    %get3A_0 = arith.constant 0 : index
    %get3A_1 = vector.load %arg1[%get3A, %get3A_0] : memref<2000x128xf32, #tpu.memory_space<vmem>>, vector<2000x128xf32>
    %get3A_2 = arith.constant 0 : index
    %get3A_3 = arith.constant 0 : index
    %get3A_4 = vector.load %arg2[%get3A_2, %get3A_3] : memref<2000x128xf32, #tpu.memory_space<vmem>>, vector<2000x128xf32>
    %add3A = arith.addf %get3A_1, %get3A_4 : vector<2000x128xf32>
    %swap3A = arith.constant 0 : index
    %swap3A_5 = arith.constant 0 : index
    %swap3A_6 = vector.load %arg5[%swap3A, %swap3A_5] : memref<2000x128xf32, #tpu.memory_space<vmem>>, vector<2000x128xf32>
    tpu.vector_store %arg5[%swap3A, %swap3A_5], %add3A {strides = array<i32>} : memref<2000x128xf32, #tpu.memory_space<vmem>>, vector<2000x128xf32>,
    %get3A_7 = arith.constant 0 : index
    %get3A_8 = arith.constant 0 : index
    %get3A_9 = vector.load %arg4[%get3A_7, %get3A_8] : memref<128x128xf32, #tpu.memory_space<vmem>>, vector<128x128xf32>
    %dot_general3A = arith.constant dense<0.000000e+00> : vector<2000x128xf32>
    %dot_general3A_10 = tpu.matmul %add3A, %get3A_9, %dot_general3A {dimension_numbers = #tpu.dot_dimension_numbers<[1], [0], [0], [1], [0, 0, 1, 1], [], []>, transpose_lhs_hint = false} : vector<2000x128xf32>, vector<128x128xf32>, vector<2000x128xf32> -> vector<2000x128xf32>
    %sub3A = arith.subf %add3A, %dot_general3A_10 : vector<2000x128xf32>
    %swap3A_11 = arith.constant 0 : index
    %swap3A_12 = arith.constant 0 : index
    %swap3A_13 = vector.load %arg6[%swap3A_11, %swap3A_12] : memref<2000x128xf32, #tpu.memory_space<vmem>>, vector<2000x128xf32>
    tpu.vector_store %arg6[%swap3A_11, %swap3A_12], %sub3A {strides = array<i32>} : memref<2000x128xf32, #tpu.memory_space<vmem>>, vector<2000x128xf32>,
    %reduce_sum3A = arith.constant dense<0.000000e+00> : vector<128xf32>
    %reduce_sum3A_14 = vector.multi_reduction <add>, %add3A, %reduce_sum3A [0] : vector<2000x128xf32> to vector<128xf32>
    %broadcast_in_dim3A = vector.shape_cast %reduce_sum3A_14 : vector<128xf32> to vector<1x128xf32>
    %eq3A = arith.constant 0 : i32
    %eq3A_15 = arith.cmpi eq, %arg0, %eq3A : i32
    %convert_element_type3A = arith.extui %eq3A_15 : i1 to i32
    %cond3A = arith.constant 0 : i32
    %cond3A_16 = arith.cmpi ne, %convert_element_type3A, %cond3A : i32
    scf.if %cond3A_16 {
      %swap3A_26 = arith.constant 0 : index
      %swap3A_27 = arith.constant 0 : index
      %swap3A_28 = vector.load %arg9[%swap3A_26, %swap3A_27] : memref<1x128xf32, #tpu.memory_space<vmem>>, vector<1x128xf32>
      tpu.vector_store %arg9[%swap3A_26, %swap3A_27], %broadcast_in_dim3A {strides = array<i32>} : memref<1x128xf32, #tpu.memory_space<vmem>>, vector<1x128xf32>,
      %get3A_29 = arith.constant 0 : index
      %get3A_30 = arith.constant 0 : index
      %get3A_31 = arith.constant 0 : index
      %get3A_32 = vector.load %arg3[%get3A_29, %get3A_30, %get3A_31] : memref<2x10000x128xf32, #tpu.memory_space<vmem>>, vector<1x10000x128xf32>
      %get3A_33 = vector.shape_cast %get3A_32 : vector<1x10000x128xf32> to vector<10000x128xf32>
      %get3A_34 = arith.constant 1 : index
      %get3A_35 = arith.constant 0 : index
      %get3A_36 = arith.constant 0 : index
      %get3A_37 = vector.load %arg3[%get3A_34, %get3A_35, %get3A_36] : memref<2x10000x128xf32, #tpu.memory_space<vmem>>, vector<1x10000x128xf32>
      %get3A_38 = vector.shape_cast %get3A_37 : vector<1x10000x128xf32> to vector<10000x128xf32>
      %add3A_39 = arith.addf %get3A_33, %get3A_38 : vector<10000x128xf32>
      %get3A_40 = arith.constant 0 : index
      %get3A_41 = arith.constant 0 : index
      %get3A_42 = vector.load %arg4[%get3A_40, %get3A_41] : memref<128x128xf32, #tpu.memory_space<vmem>>, vector<128x128xf32>
      %dot_general3A_43 = arith.constant dense<0.000000e+00> : vector<10000x128xf32>
      %dot_general3A_44 = tpu.matmul %add3A_39, %get3A_42, %dot_general3A_43 {dimension_numbers = #tpu.dot_dimension_numbers<[1], [0], [0], [1], [0, 0, 1, 1], [], []>, transpose_lhs_hint = false} : vector<10000x128xf32>, vector<128x128xf32>, vector<10000x128xf32> -> vector<10000x128xf32>
      %swap3A_45 = arith.constant 0 : index
      %swap3A_46 = arith.constant 0 : index
      %swap3A_47 = vector.load %arg7[%swap3A_45, %swap3A_46] : memref<10000x128xf32, #tpu.memory_space<vmem>>, vector<10000x128xf32>
      tpu.vector_store %arg7[%swap3A_45, %swap3A_46], %dot_general3A_44 {strides = array<i32>} : memref<10000x128xf32, #tpu.memory_space<vmem>>, vector<10000x128xf32>,
    } else {
    }
    %gt3A = arith.constant 0 : i32
    %gt3A_17 = arith.cmpi sgt, %arg0, %gt3A : i32
    %convert_element_type3A_18 = arith.extui %gt3A_17 : i1 to i32
    %cond3A_19 = arith.constant 0 : i32
    %cond3A_20 = arith.cmpi ne, %convert_element_type3A_18, %cond3A_19 : i32
    scf.if %cond3A_20 {
      %get3A_26 = arith.constant 0 : index
      %get3A_27 = arith.constant 0 : index
      %get3A_28 = vector.load %arg9[%get3A_26, %get3A_27] : memref<1x128xf32, #tpu.memory_space<vmem>>, vector<1x128xf32>
      %add3A_29 = arith.addf %get3A_28, %broadcast_in_dim3A : vector<1x128xf32>
      %swap3A_30 = arith.constant 0 : index
      %swap3A_31 = arith.constant 0 : index
      %swap3A_32 = vector.load %arg9[%swap3A_30, %swap3A_31] : memref<1x128xf32, #tpu.memory_space<vmem>>, vector<1x128xf32>
      tpu.vector_store %arg9[%swap3A_30, %swap3A_31], %add3A_29 {strides = array<i32>} : memref<1x128xf32, #tpu.memory_space<vmem>>, vector<1x128xf32>,
    } else {
    }
    %eq3A_21 = arith.constant 159 : i32
    %eq3A_22 = arith.cmpi eq, %arg0, %eq3A_21 : i32
    %convert_element_type3A_23 = arith.extui %eq3A_22 : i1 to i32
    %cond3A_24 = arith.constant 0 : i32
    %cond3A_25 = arith.cmpi ne, %convert_element_type3A_23, %cond3A_24 : i32
    scf.if %cond3A_25 {
      %get3A_26 = arith.constant 0 : index
      %get3A_27 = arith.constant 0 : index
      %get3A_28 = vector.load %arg9[%get3A_26, %get3A_27] : memref<1x128xf32, #tpu.memory_space<vmem>>, vector<1x128xf32>
      %swap3A_29 = arith.constant 0 : index
      %swap3A_30 = arith.constant 0 : index
      %swap3A_31 = vector.load %arg8[%swap3A_29, %swap3A_30] : memref<1x128xf32, #tpu.memory_space<vmem>>, vector<1x128xf32>
      tpu.vector_store %arg8[%swap3A_29, %swap3A_30], %get3A_28 {strides = array<i32>} : memref<1x128xf32, #tpu.memory_space<vmem>>, vector<1x128xf32>,
    } else {
    }
    return
  }
  func.func @transform_0(%arg0: i32) -> (i32, i32) {
    %c0_i32 = arith.constant 0 : i32
    %c0_i32_0 = arith.constant 0 : i32
    return %arg0, %c0_i32 : i32, i32
  }
  func.func @transform_1(%arg0: i32) -> (i32, i32) {
    %c0_i32 = arith.constant 0 : i32
    %c0_i32_0 = arith.constant 0 : i32
    return %arg0, %c0_i32 : i32, i32
  }
  func.func @transform_2(%arg0: i32) -> (i32, i32, i32) {
    %c0_i32 = arith.constant 0 : i32
    %c0_i32_0 = arith.constant 0 : i32
    %c0_i32_1 = arith.constant 0 : i32
    %c0_i32_2 = arith.constant 0 : i32
    return %c0_i32, %c0_i32_0, %c0_i32_1 : i32, i32, i32
  }
  func.func @transform_3(%arg0: i32) -> (i32, i32) {
    %c0_i32 = arith.constant 0 : i32
    %c0_i32_0 = arith.constant 0 : i32
    %c0_i32_1 = arith.constant 0 : i32
    return %c0_i32, %c0_i32_0 : i32, i32
  }
  func.func @transform_4(%arg0: i32) -> (i32, i32) {
    %c0_i32 = arith.constant 0 : i32
    %c0_i32_0 = arith.constant 0 : i32
    return %arg0, %c0_i32 : i32, i32
  }
  func.func @transform_5(%arg0: i32) -> (i32, i32) {
    %c0_i32 = arith.constant 0 : i32
    %c0_i32_0 = arith.constant 0 : i32
    return %arg0, %c0_i32 : i32, i32
  }
  func.func @transform_6(%arg0: i32) -> (i32, i32) {
    %c0_i32 = arith.constant 0 : i32
    %c0_i32_0 = arith.constant 0 : i32
    %c0_i32_1 = arith.constant 0 : i32
    return %c0_i32, %c0_i32_0 : i32, i32
  }
  func.func @transform_7(%arg0: i32) -> (i32, i32) {
    %c0_i32 = arith.constant 0 : i32
    %c0_i32_0 = arith.constant 0 : i32
    %c0_i32_1 = arith.constant 0 : i32
    return %c0_i32, %c0_i32_0 : i32, i32
  }
}

module attributes {stable_mosaic.version = 14 : i64} {
  func.func @_tc2_body(%arg0: i32, %arg1: memref<2000x128xf32, #tpu.memory_space<vmem>>, %arg2: memref<2000x128xf32, #tpu.memory_space<vmem>>, %arg3: memref<2000x128xf32, #tpu.memory_space<vmem>>, %arg4: memref<2x10000x128xf32, #tpu.memory_space<vmem>>, %arg5: memref<128x128xf32, #tpu.memory_space<vmem>>, %arg6: memref<2000x128xf32, #tpu.memory_space<vmem>>, %arg7: memref<10000x128xf32, #tpu.memory_space<vmem>>) attributes {dimension_semantics = [#tpu.dimension_semantics<arbitrary>], iteration_bounds = array<i64: 160>, scalar_prefetch = 0 : i64, scratch_operands = 0 : i64, tpu.core_type = #tpu.core_type<tc>, window_params = [{transform_indices = @transform_0, window_bounds = array<i64: 2000, 128>}, {transform_indices = @transform_1, window_bounds = array<i64: 2000, 128>}, {transform_indices = @transform_2, window_bounds = array<i64: 2000, 128>}, {pipeline_mode = #tpu.pipeline_mode<synchronous>, transform_indices = @transform_3, window_bounds = array<i64: 2, 10000, 128>}, {pipeline_mode = #tpu.pipeline_mode<synchronous>, transform_indices = @transform_4, window_bounds = array<i64: 128, 128>}, {transform_indices = @transform_5, window_bounds = array<i64: 2000, 128>}, {pipeline_mode = #tpu.pipeline_mode<synchronous>, transform_indices = @transform_6, window_bounds = array<i64: 10000, 128>}]} {
    %get3A = arith.constant 0 : index
    %get3A_0 = arith.constant 0 : index
    %get3A_1 = vector.load %arg1[%get3A, %get3A_0] : memref<2000x128xf32, #tpu.memory_space<vmem>>, vector<2000x128xf32>
    %get3A_2 = arith.constant 0 : index
    %get3A_3 = arith.constant 0 : index
    %get3A_4 = vector.load %arg2[%get3A_2, %get3A_3] : memref<2000x128xf32, #tpu.memory_space<vmem>>, vector<2000x128xf32>
    %add3A = arith.addf %get3A_1, %get3A_4 : vector<2000x128xf32>
    %get3A_5 = arith.constant 0 : index
    %get3A_6 = arith.constant 0 : index
    %get3A_7 = vector.load %arg3[%get3A_5, %get3A_6] : memref<2000x128xf32, #tpu.memory_space<vmem>>, vector<2000x128xf32>
    %get3A_8 = arith.constant 0 : index
    %get3A_9 = arith.constant 0 : index
    %get3A_10 = vector.load %arg5[%get3A_8, %get3A_9] : memref<128x128xf32, #tpu.memory_space<vmem>>, vector<128x128xf32>
    %dot_general3A = arith.constant dense<0.000000e+00> : vector<2000x128xf32>
    %dot_general3A_11 = tpu.matmul %add3A, %get3A_10, %dot_general3A {dimension_numbers = #tpu.dot_dimension_numbers<[1], [0], [0], [1], [0, 0, 1, 1], [], []>, transpose_lhs_hint = false} : vector<2000x128xf32>, vector<128x128xf32>, vector<2000x128xf32> -> vector<2000x128xf32>
    %sub3A = arith.subf %get3A_7, %dot_general3A_11 : vector<2000x128xf32>
    %swap3A = arith.constant 0 : index
    %swap3A_12 = arith.constant 0 : index
    %swap3A_13 = vector.load %arg6[%swap3A, %swap3A_12] : memref<2000x128xf32, #tpu.memory_space<vmem>>, vector<2000x128xf32>
    tpu.vector_store %arg6[%swap3A, %swap3A_12], %sub3A {strides = array<i32>} : memref<2000x128xf32, #tpu.memory_space<vmem>>, vector<2000x128xf32>,
    %eq3A = arith.constant 0 : i32
    %eq3A_14 = arith.cmpi eq, %arg0, %eq3A : i32
    %convert_element_type3A = arith.extui %eq3A_14 : i1 to i32
    %cond3A = arith.constant 0 : i32
    %cond3A_15 = arith.cmpi ne, %convert_element_type3A, %cond3A : i32
    scf.if %cond3A_15 {
      %get3A_16 = arith.constant 0 : index
      %get3A_17 = arith.constant 0 : index
      %get3A_18 = arith.constant 0 : index
      %get3A_19 = vector.load %arg4[%get3A_16, %get3A_17, %get3A_18] : memref<2x10000x128xf32, #tpu.memory_space<vmem>>, vector<1x10000x128xf32>
      %get3A_20 = vector.shape_cast %get3A_19 : vector<1x10000x128xf32> to vector<10000x128xf32>
      %get3A_21 = arith.constant 1 : index
      %get3A_22 = arith.constant 0 : index
      %get3A_23 = arith.constant 0 : index
      %get3A_24 = vector.load %arg4[%get3A_21, %get3A_22, %get3A_23] : memref<2x10000x128xf32, #tpu.memory_space<vmem>>, vector<1x10000x128xf32>
      %get3A_25 = vector.shape_cast %get3A_24 : vector<1x10000x128xf32> to vector<10000x128xf32>
      %add3A_26 = arith.addf %get3A_20, %get3A_25 : vector<10000x128xf32>
      %get3A_27 = arith.constant 0 : index
      %get3A_28 = arith.constant 0 : index
      %get3A_29 = vector.load %arg5[%get3A_27, %get3A_28] : memref<128x128xf32, #tpu.memory_space<vmem>>, vector<128x128xf32>
      %dot_general3A_30 = arith.constant dense<0.000000e+00> : vector<10000x128xf32>
      %dot_general3A_31 = tpu.matmul %add3A_26, %get3A_29, %dot_general3A_30 {dimension_numbers = #tpu.dot_dimension_numbers<[1], [0], [0], [1], [0, 0, 1, 1], [], []>, transpose_lhs_hint = false} : vector<10000x128xf32>, vector<128x128xf32>, vector<10000x128xf32> -> vector<10000x128xf32>
      %swap3A_32 = arith.constant 0 : index
      %swap3A_33 = arith.constant 0 : index
      %swap3A_34 = vector.load %arg7[%swap3A_32, %swap3A_33] : memref<10000x128xf32, #tpu.memory_space<vmem>>, vector<10000x128xf32>
      tpu.vector_store %arg7[%swap3A_32, %swap3A_33], %dot_general3A_31 {strides = array<i32>} : memref<10000x128xf32, #tpu.memory_space<vmem>>, vector<10000x128xf32>,
    } else {
    }
    return
  }
  func.func @transform_0(%arg0: i32) -> (i32, i32) {
    %c0_i32 = arith.constant 0 : i32
    %c0_i32_0 = arith.constant 0 : i32
    return %arg0, %c0_i32 : i32, i32
  }
  func.func @transform_1(%arg0: i32) -> (i32, i32) {
    %c0_i32 = arith.constant 0 : i32
    %c0_i32_0 = arith.constant 0 : i32
    return %arg0, %c0_i32 : i32, i32
  }
  func.func @transform_2(%arg0: i32) -> (i32, i32) {
    %c0_i32 = arith.constant 0 : i32
    %c0_i32_0 = arith.constant 0 : i32
    return %arg0, %c0_i32 : i32, i32
  }
  func.func @transform_3(%arg0: i32) -> (i32, i32, i32) {
    %c0_i32 = arith.constant 0 : i32
    %c0_i32_0 = arith.constant 0 : i32
    %c0_i32_1 = arith.constant 0 : i32
    %c0_i32_2 = arith.constant 0 : i32
    return %c0_i32, %c0_i32_0, %c0_i32_1 : i32, i32, i32
  }
  func.func @transform_4(%arg0: i32) -> (i32, i32) {
    %c0_i32 = arith.constant 0 : i32
    %c0_i32_0 = arith.constant 0 : i32
    %c0_i32_1 = arith.constant 0 : i32
    return %c0_i32, %c0_i32_0 : i32, i32
  }
  func.func @transform_5(%arg0: i32) -> (i32, i32) {
    %c0_i32 = arith.constant 0 : i32
    %c0_i32_0 = arith.constant 0 : i32
    return %arg0, %c0_i32 : i32, i32
  }
  func.func @transform_6(%arg0: i32) -> (i32, i32) {
    %c0_i32 = arith.constant 0 : i32
    %c0_i32_0 = arith.constant 0 : i32
    %c0_i32_1 = arith.constant 0 : i32
    return %c0_i32, %c0_i32_0 : i32, i32
  }
}

module attributes {stable_mosaic.version = 14 : i64} {
  func.func @_tc3_body(%arg0: i32, %arg1: memref<2000x128xf32, #tpu.memory_space<vmem>>, %arg2: memref<2000x128xf32, #tpu.memory_space<vmem>>, %arg3: memref<2x10000x128xf32, #tpu.memory_space<vmem>>, %arg4: memref<20000x128xf32, #tpu.memory_space<vmem>>, %arg5: memref<128x128xf32, #tpu.memory_space<vmem>>, %arg6: memref<256x128xf32, #tpu.memory_space<vmem>>, %arg7: memref<256x1xf32, #tpu.memory_space<vmem>>, %arg8: memref<1x128xf32, #tpu.memory_space<vmem>>, %arg9: memref<1x128xf32, #tpu.memory_space<vmem>>, %arg10: memref<1x128xf32, #tpu.memory_space<vmem>>, %arg11: memref<1x1xf32, #tpu.memory_space<vmem>>, %arg12: memref<1x128xf32, #tpu.memory_space<vmem>>) attributes {dimension_semantics = [#tpu.dimension_semantics<arbitrary>], iteration_bounds = array<i64: 160>, scalar_prefetch = 0 : i64, scratch_operands = 1 : i64, tpu.core_type = #tpu.core_type<tc>, window_params = [{transform_indices = @transform_0, window_bounds = array<i64: 2000, 128>}, {transform_indices = @transform_1, window_bounds = array<i64: 2000, 128>}, {pipeline_mode = #tpu.pipeline_mode<synchronous>, transform_indices = @transform_2, window_bounds = array<i64: 2, 10000, 128>}, {pipeline_mode = #tpu.pipeline_mode<synchronous>, transform_indices = @transform_3, window_bounds = array<i64: 20000, 128>}, {pipeline_mode = #tpu.pipeline_mode<synchronous>, transform_indices = @transform_4, window_bounds = array<i64: 128, 128>}, {pipeline_mode = #tpu.pipeline_mode<synchronous>, transform_indices = @transform_5, window_bounds = array<i64: 256, 128>}, {pipeline_mode = #tpu.pipeline_mode<synchronous>, transform_indices = @transform_6, window_bounds = array<i64: 256, 1>}, {pipeline_mode = #tpu.pipeline_mode<synchronous>, transform_indices = @transform_7, window_bounds = array<i64: 1, 128>}, {pipeline_mode = #tpu.pipeline_mode<synchronous>, transform_indices = @transform_8, window_bounds = array<i64: 1, 128>}, {pipeline_mode = #tpu.pipeline_mode<synchronous>, transform_indices = @transform_9, window_bounds = array<i64: 1, 128>}, {pipeline_mode = #tpu.pipeline_mode<synchronous>, transform_indices = @transform_10, window_bounds = array<i64: 1, 1>}]} {
    %get3A = arith.constant 0 : index
    %get3A_0 = arith.constant 0 : index
    %get3A_1 = vector.load %arg1[%get3A, %get3A_0] : memref<2000x128xf32, #tpu.memory_space<vmem>>, vector<2000x128xf32>
    %get3A_2 = arith.constant 0 : index
    %get3A_3 = arith.constant 0 : index
    %get3A_4 = vector.load %arg2[%get3A_2, %get3A_3] : memref<2000x128xf32, #tpu.memory_space<vmem>>, vector<2000x128xf32>
    %add3A = arith.addf %get3A_1, %get3A_4 : vector<2000x128xf32>
    %reduce_sum3A = arith.constant dense<0.000000e+00> : vector<128xf32>
    %reduce_sum3A_5 = vector.multi_reduction <add>, %add3A, %reduce_sum3A [0] : vector<2000x128xf32> to vector<128xf32>
    %broadcast_in_dim3A = vector.shape_cast %reduce_sum3A_5 : vector<128xf32> to vector<1x128xf32>
    %eq3A = arith.constant 0 : i32
    %eq3A_6 = arith.cmpi eq, %arg0, %eq3A : i32
    %convert_element_type3A = arith.extui %eq3A_6 : i1 to i32
    %cond3A = arith.constant 0 : i32
    %cond3A_7 = arith.cmpi ne, %convert_element_type3A, %cond3A : i32
    scf.if %cond3A_7 {
      %swap3A = arith.constant 0 : index
      %swap3A_17 = arith.constant 0 : index
      %swap3A_18 = vector.load %arg12[%swap3A, %swap3A_17] : memref<1x128xf32, #tpu.memory_space<vmem>>, vector<1x128xf32>
      tpu.vector_store %arg12[%swap3A, %swap3A_17], %broadcast_in_dim3A {strides = array<i32>} : memref<1x128xf32, #tpu.memory_space<vmem>>, vector<1x128xf32>,
    } else {
    }
    %gt3A = arith.constant 0 : i32
    %gt3A_8 = arith.cmpi sgt, %arg0, %gt3A : i32
    %convert_element_type3A_9 = arith.extui %gt3A_8 : i1 to i32
    %cond3A_10 = arith.constant 0 : i32
    %cond3A_11 = arith.cmpi ne, %convert_element_type3A_9, %cond3A_10 : i32
    scf.if %cond3A_11 {
      %get3A_17 = arith.constant 0 : index
      %get3A_18 = arith.constant 0 : index
      %get3A_19 = vector.load %arg12[%get3A_17, %get3A_18] : memref<1x128xf32, #tpu.memory_space<vmem>>, vector<1x128xf32>
      %add3A_20 = arith.addf %get3A_19, %broadcast_in_dim3A : vector<1x128xf32>
      %swap3A = arith.constant 0 : index
      %swap3A_21 = arith.constant 0 : index
      %swap3A_22 = vector.load %arg12[%swap3A, %swap3A_21] : memref<1x128xf32, #tpu.memory_space<vmem>>, vector<1x128xf32>
      tpu.vector_store %arg12[%swap3A, %swap3A_21], %add3A_20 {strides = array<i32>} : memref<1x128xf32, #tpu.memory_space<vmem>>, vector<1x128xf32>,
    } else {
    }
    %eq3A_12 = arith.constant 159 : i32
    %eq3A_13 = arith.cmpi eq, %arg0, %eq3A_12 : i32
    %convert_element_type3A_14 = arith.extui %eq3A_13 : i1 to i32
    %cond3A_15 = arith.constant 0 : i32
    %cond3A_16 = arith.cmpi ne, %convert_element_type3A_14, %cond3A_15 : i32
    scf.if %cond3A_16 {
      %get3A_17 = arith.constant 0 : index
      %get3A_18 = arith.constant 0 : index
      %get3A_19 = arith.constant 0 : index
      %get3A_20 = vector.load %arg3[%get3A_17, %get3A_18, %get3A_19] : memref<2x10000x128xf32, #tpu.memory_space<vmem>>, vector<1x10000x128xf32>
      %get3A_21 = vector.shape_cast %get3A_20 : vector<1x10000x128xf32> to vector<10000x128xf32>
      %get3A_22 = arith.constant 1 : index
      %get3A_23 = arith.constant 0 : index
      %get3A_24 = arith.constant 0 : index
      %get3A_25 = vector.load %arg3[%get3A_22, %get3A_23, %get3A_24] : memref<2x10000x128xf32, #tpu.memory_space<vmem>>, vector<1x10000x128xf32>
      %get3A_26 = vector.shape_cast %get3A_25 : vector<1x10000x128xf32> to vector<10000x128xf32>
      %add3A_27 = arith.addf %get3A_21, %get3A_26 : vector<10000x128xf32>
      %get3A_28 = arith.constant 0 : index
      %get3A_29 = arith.constant 0 : index
      %get3A_30 = vector.load %arg5[%get3A_28, %get3A_29] : memref<128x128xf32, #tpu.memory_space<vmem>>, vector<128x128xf32>
      %dot_general3A = arith.constant dense<0.000000e+00> : vector<10000x128xf32>
      %dot_general3A_31 = tpu.matmul %add3A_27, %get3A_30, %dot_general3A {dimension_numbers = #tpu.dot_dimension_numbers<[1], [0], [0], [1], [0, 0, 1, 1], [], []>, transpose_lhs_hint = false} : vector<10000x128xf32>, vector<128x128xf32>, vector<10000x128xf32> -> vector<10000x128xf32>
      %get3A_32 = arith.constant 0 : index
      %get3A_33 = arith.constant 0 : index
      %get3A_34 = vector.load %arg4[%get3A_32, %get3A_33] : memref<20000x128xf32, #tpu.memory_space<vmem>>, vector<20000x128xf32>
      %slice3A = vector.extract_strided_slice %get3A_34 {offsets = [0, 0], sizes = [10000, 128], strides = [1, 1]} : vector<20000x128xf32> to vector<10000x128xf32>
      %slice3A_35 = vector.extract_strided_slice %get3A_34 {offsets = [10000, 0], sizes = [10000, 128], strides = [1, 1]} : vector<20000x128xf32> to vector<10000x128xf32>
      %add3A_36 = arith.addf %slice3A, %slice3A_35 : vector<10000x128xf32>
      %mul3A = arith.mulf %add3A_36, %dot_general3A_31 : vector<10000x128xf32>
      %reduce_sum3A_37 = arith.constant dense<0.000000e+00> : vector<128xf32>
      %reduce_sum3A_38 = vector.multi_reduction <add>, %mul3A, %reduce_sum3A_37 [0] : vector<10000x128xf32> to vector<128xf32>
      %broadcast_in_dim3A_39 = vector.shape_cast %reduce_sum3A_38 : vector<128xf32> to vector<1x128xf32>
      %get3A_40 = arith.constant 0 : index
      %get3A_41 = arith.constant 0 : index
      %get3A_42 = vector.load %arg10[%get3A_40, %get3A_41] : memref<1x128xf32, #tpu.memory_space<vmem>>, vector<1x128xf32>
      %add3A_43 = arith.addf %broadcast_in_dim3A_39, %get3A_42 : vector<1x128xf32>
      %get3A_44 = arith.constant 0 : index
      %get3A_45 = arith.constant 0 : index
      %get3A_46 = vector.load %arg12[%get3A_44, %get3A_45] : memref<1x128xf32, #tpu.memory_space<vmem>>, vector<1x128xf32>
      %get3A_47 = arith.constant 0 : index
      %get3A_48 = arith.constant 0 : index
      %get3A_49 = vector.load %arg5[%get3A_47, %get3A_48] : memref<128x128xf32, #tpu.memory_space<vmem>>, vector<128x128xf32>
      %dot_general3A_50 = arith.constant dense<0.000000e+00> : vector<1x128xf32>
      %dot_general3A_51 = tpu.matmul %get3A_46, %get3A_49, %dot_general3A_50 {dimension_numbers = #tpu.dot_dimension_numbers<[1], [0], [0], [1], [0, 0, 1, 1], [], []>, transpose_lhs_hint = false} : vector<1x128xf32>, vector<128x128xf32>, vector<1x128xf32> -> vector<1x128xf32>
      %sub3A = arith.subf %add3A_43, %dot_general3A_51 : vector<1x128xf32>
      %get3A_52 = arith.constant 0 : index
      %get3A_53 = arith.constant 0 : index
      %get3A_54 = vector.load %arg9[%get3A_52, %get3A_53] : memref<1x128xf32, #tpu.memory_space<vmem>>, vector<1x128xf32>
      %get3A_55 = arith.constant 0 : index
      %get3A_56 = arith.constant 0 : index
      %get3A_57 = vector.load %arg6[%get3A_55, %get3A_56] : memref<256x128xf32, #tpu.memory_space<vmem>>, vector<128x128xf32>
      %dot_general3A_58 = arith.constant dense<0.000000e+00> : vector<1x128xf32>
      %dot_general3A_59 = tpu.matmul %get3A_54, %get3A_57, %dot_general3A_58 {dimension_numbers = #tpu.dot_dimension_numbers<[1], [0], [0], [1], [0, 0, 1, 1], [], []>, transpose_lhs_hint = false} : vector<1x128xf32>, vector<128x128xf32>, vector<1x128xf32> -> vector<1x128xf32>
      %get3A_60 = arith.constant 128 : index
      %get3A_61 = arith.constant 0 : index
      %get3A_62 = vector.load %arg6[%get3A_60, %get3A_61] : memref<256x128xf32, #tpu.memory_space<vmem>>, vector<128x128xf32>
      %dot_general3A_63 = arith.constant dense<0.000000e+00> : vector<1x128xf32>
      %dot_general3A_64 = tpu.matmul %sub3A, %get3A_62, %dot_general3A_63 {dimension_numbers = #tpu.dot_dimension_numbers<[1], [0], [0], [1], [0, 0, 1, 1], [], []>, transpose_lhs_hint = false} : vector<1x128xf32>, vector<128x128xf32>, vector<1x128xf32> -> vector<1x128xf32>
      %add3A_65 = arith.addf %dot_general3A_59, %dot_general3A_64 : vector<1x128xf32>
      %get3A_66 = arith.constant 0 : index
      %get3A_67 = arith.constant 0 : index
      %get3A_68 = vector.load %arg7[%get3A_66, %get3A_67] : memref<256x1xf32, #tpu.memory_space<vmem>>, vector<128x1xf32>
      %dot_general3A_69 = arith.constant dense<0.000000e+00> : vector<1x1xf32>
      %dot_general3A_70 = tpu.matmul %add3A_65, %get3A_68, %dot_general3A_69 {dimension_numbers = #tpu.dot_dimension_numbers<[1], [0], [0], [1], [0, 0, 1, 1], [], []>, transpose_lhs_hint = false} : vector<1x128xf32>, vector<128x1xf32>, vector<1x1xf32> -> vector<1x1xf32>
      %get3A_71 = arith.constant 0 : index
      %get3A_72 = arith.constant 0 : index
      %get3A_73 = vector.load %arg8[%get3A_71, %get3A_72] : memref<1x128xf32, #tpu.memory_space<vmem>>, vector<1x128xf32>
      %get3A_74 = arith.constant 128 : index
      %get3A_75 = arith.constant 0 : index
      %get3A_76 = vector.load %arg7[%get3A_74, %get3A_75] : memref<256x1xf32, #tpu.memory_space<vmem>>, vector<128x1xf32>
      %dot_general3A_77 = arith.constant dense<0.000000e+00> : vector<1x1xf32>
      %dot_general3A_78 = tpu.matmul %get3A_73, %get3A_76, %dot_general3A_77 {dimension_numbers = #tpu.dot_dimension_numbers<[1], [0], [0], [1], [0, 0, 1, 1], [], []>, transpose_lhs_hint = false} : vector<1x128xf32>, vector<128x1xf32>, vector<1x1xf32> -> vector<1x1xf32>
      %add3A_79 = arith.addf %dot_general3A_70, %dot_general3A_78 : vector<1x1xf32>
      %swap3A = arith.constant 0 : index
      %swap3A_80 = arith.constant 0 : index
      %swap3A_81 = vector.load %arg11[%swap3A, %swap3A_80] : memref<1x1xf32, #tpu.memory_space<vmem>>, vector<1x1xf32>
      tpu.vector_store %arg11[%swap3A, %swap3A_80], %add3A_79 {strides = array<i32>} : memref<1x1xf32, #tpu.memory_space<vmem>>, vector<1x1xf32>,
    } else {
    }
    return
  }
  func.func @transform_0(%arg0: i32) -> (i32, i32) {
    %c0_i32 = arith.constant 0 : i32
    %c0_i32_0 = arith.constant 0 : i32
    return %arg0, %c0_i32 : i32, i32
  }
  func.func @transform_1(%arg0: i32) -> (i32, i32) {
    %c0_i32 = arith.constant 0 : i32
    %c0_i32_0 = arith.constant 0 : i32
    return %arg0, %c0_i32 : i32, i32
  }
  func.func @transform_2(%arg0: i32) -> (i32, i32, i32) {
    %c0_i32 = arith.constant 0 : i32
    %c0_i32_0 = arith.constant 0 : i32
    %c0_i32_1 = arith.constant 0 : i32
    %c0_i32_2 = arith.constant 0 : i32
    return %c0_i32, %c0_i32_0, %c0_i32_1 : i32, i32, i32
  }
  func.func @transform_3(%arg0: i32) -> (i32, i32) {
    %c0_i32 = arith.constant 0 : i32
    %c0_i32_0 = arith.constant 0 : i32
    %c0_i32_1 = arith.constant 0 : i32
    return %c0_i32, %c0_i32_0 : i32, i32
  }
  func.func @transform_4(%arg0: i32) -> (i32, i32) {
    %c0_i32 = arith.constant 0 : i32
    %c0_i32_0 = arith.constant 0 : i32
    %c0_i32_1 = arith.constant 0 : i32
    return %c0_i32, %c0_i32_0 : i32, i32
  }
  func.func @transform_5(%arg0: i32) -> (i32, i32) {
    %c0_i32 = arith.constant 0 : i32
    %c0_i32_0 = arith.constant 0 : i32
    %c0_i32_1 = arith.constant 0 : i32
    return %c0_i32, %c0_i32_0 : i32, i32
  }
  func.func @transform_6(%arg0: i32) -> (i32, i32) {
    %c0_i32 = arith.constant 0 : i32
    %c0_i32_0 = arith.constant 0 : i32
    %c0_i32_1 = arith.constant 0 : i32
    return %c0_i32, %c0_i32_0 : i32, i32
  }
  func.func @transform_7(%arg0: i32) -> (i32, i32) {
    %c0_i32 = arith.constant 0 : i32
    %c0_i32_0 = arith.constant 0 : i32
    %c0_i32_1 = arith.constant 0 : i32
    return %c0_i32, %c0_i32_0 : i32, i32
  }
  func.func @transform_8(%arg0: i32) -> (i32, i32) {
    %c0_i32 = arith.constant 0 : i32
    %c0_i32_0 = arith.constant 0 : i32
    %c0_i32_1 = arith.constant 0 : i32
    return %c0_i32, %c0_i32_0 : i32, i32
  }
  func.func @transform_9(%arg0: i32) -> (i32, i32) {
    %c0_i32 = arith.constant 0 : i32
    %c0_i32_0 = arith.constant 0 : i32
    %c0_i32_1 = arith.constant 0 : i32
    return %c0_i32, %c0_i32_0 : i32, i32
  }
  func.func @transform_10(%arg0: i32) -> (i32, i32) {
    %c0_i32 = arith.constant 0 : i32
    %c0_i32_0 = arith.constant 0 : i32
    %c0_i32_1 = arith.constant 0 : i32
    return %c0_i32, %c0_i32_0 : i32, i32
  }
}

</mosaic_0001>

<sc_bundles>
// kernel: kernel.10.cloned.1.call-start
scs
__scs_entry_jumppad:
0x0: {  	(pc) =	sbr.rel $0x88, $3  }
0x1: {  	(tag) =	ssettag $0x0;
	lr =	simm.s32 $0x1  }
0x2: {  	[smem:$0x3F99] =	sst lr;
	_ =	strace $0xD0000000  }
0x3: {  	_ = 	snop  }
0x4: {  	_ = 	snop  }
0x5: {  	_ = 	snop  }
0x6: {  	_ = 	snop  }
0x7: {  	_ = 	snop  }
__scs_overlays_trampoline_lowered:
0x8: {  	[smem:$0x3FA8] =	sst s0  }
0x9: {  	[smem:$0x3FA9] =	sst s1  }
0xa: {  	[smem:$0x3FAA] =	sst s2  }
0xb: {  	[smem:$0x3FAB] =	sst s3  }
0xc: {  	[smem:$0x3FAC] =	sst s4  }
0xd: {  	[smem:$0x3FAD] =	sst s5  }
0xe: {  	[smem:$0x3FAE] =	sst s6  }
0xf: {  	[smem:$0x3FAF] =	sst s7  }
0x10: {  	[smem:$0x3FB0] =	sst s8  }
0x11: {  	[smem:$0x3FB1] =	sst s9;
	s0 =	simm.s32 @!p0 $0x0  }
0x12: {  	s1 =	sld [smem:$0x3F97];
	s0 =	simm.s32 @p0 $0x1  }
0x13: {  	[smem:$0x3FB2] =	sst s0;
	s0 =	simm.s32 @!p1 $0x0  }
0x14: {  	s2 =	sld [smem:$0x3F96];
	s0 =	simm.s32 @p1 $0x1  }
0x15: {  	[smem:$0x3FB3] =	sst s0;
	s0 =	simm.s32 @!p2 $0x0  }
0x16: {  	s3 =	sld [smem:$0x3FDB];
	s0 =	simm.s32 @p2 $0x1  }
0x17: {  	s4 =	simm.s32 $0x1BF5;
	[smem:$0x3FB5] =	sst s0  }
0x18: {  	s0 =	sld [smem:$0x3F98];
	_ =	swait.ge [sflag:s4], $0x0  }
0x19: {  	s7 =	sld [smem:$0x3F99]  }
0x1a: {  	s8 =	sadd.s32 $0xFFFFE003, lr  }
0x1b: {  	s9 =	sadd.s32 $0xFFFFFEF7, lr;
	s5 =	simm.s32 $0xFFFFFFFF;
	p2 =	slt.u32 s8, $0xFFFFF086  }
0x1c: {  	p1 =	slt.u32 s9, $0xF7A;
	s5 =	simm.s32 @!p2 $0x0  }
0x1d: {  	s5 =	simm.s32 @p1 $0x1;
	p0 =	seq.s32 s7, s2  }
0x1e: {  	s7 =	smul.u32 @!p0 $0xF7A, s2;
	p2 =	seq.s32 @!p0 s5, $0x0  }
0x1f: {  	s9 =	smul.u32 $0xF7A, s1;
	s8 =	simm.s32 @!p0 $0x1BF5;
	p2 =	por !p2, p0  }
0x20: {  	[sflag:s8] =	ssyncset.s32 @!p0 $0xFFFFF086;
	s6 =	sadd.s32 @!p0 s3, s7;
	s7 =	simm.s32 @!p0 $0x108  }
0x21: {  	s3 =	sadd.s32 s3, s9;
	s6 =	sadd.s32 @!p0 $0x88, s6;
	s7 =	simm.s32 @p2 $0x1082  }
0x22: {  	[simem:s7], [sflag:s8] =	dma.local @!p0 [hbm:s6], $0xF7A  }
0x23: {  	s9 =	sor.u32 $0xD0000000, s2;
	s6 =	simm.s32 $0x108;
	_ =	swait.ge @!p0 [sflag:s8], $0x0  }
0x24: {  	s3 =	sadd.s32 $0x88, s3;
	s6 =	simm.s32 @!p1 $0x1082;
	[sflag:s4] =	ssyncset.s32 $0xFFFFF086  }
0x25: {  	[simem:s6], [sflag:s4] =	dma.local [hbm:s3], $0xF7A  }
0x26: {  	[smem:$0x3F99] =	sst s1;
	(tag) =	ssettag s2;
	_ =	strace s9  }
0x27: {  	s1 =	sld [smem:$0x3FA9]  }
0x28: {  	s2 =	sld [smem:$0x3FAA]  }
0x29: {  	s4 =	sld [smem:$0x3FAC]  }
0x2a: {  	p0 =	seq.s32 s5, $0x0;
	s5 =	sld [smem:$0x3FAD]  }
0x2b: {  	s6 =	sld [smem:$0x3FAE]  }
0x2c: {  	s7 =	sld [smem:$0x3FAF]  }
0x2d: {  	s3 =	simm.s32 $0x108;
	s8 =	sld [smem:$0x3FB0]  }
0x2e: {  	s3 =	simm.s32 @!p0 $0x1082;
	s9 =	sld [smem:$0x3FB1]  }
0x2f: {  	lr =	sadd.s32 s0, s3;
	s0 =	sld [smem:$0x3FA8]  }
0x30: {  	s3 =	sld [smem:$0x3FAB]  }
0x31: {  	[smem:$0x3FB4] =	sst s10  }
0x32: {  	s10 =	sld [smem:$0x3FB2];
	_ =	sdelay $0x3  }
0x33: {  	p0 =	seq.s32 s10, $0x1;
	s10 =	sld [smem:$0x3FB4];
	_ =	sdelay $0x3  }
0x34: {  	[smem:$0x3FB4] =	sst s10  }
0x35: {  	s10 =	sld [smem:$0x3FB3];
	_ =	sdelay $0x3  }
0x36: {  	p1 =	seq.s32 s10, $0x1;
	s10 =	sld [smem:$0x3FB4];
	_ =	sdelay $0x3  }
0x37: {  	[smem:$0x3FB4] =	sst s10  }
0x38: {  	s10 =	sld [smem:$0x3FB5]  }
0x39: {  	_ = 	snop;
	(pc) =	sbr.ind lr, $3  }
0x3a: {  	_ = 	snop  }
0x3b: {  	_ = 	snop  }
0x3c: {  	p2 =	seq.s32 s10, $0x1;
	s10 =	sld [smem:$0x3FB4]  }
0x3d: {  	_ =	shalt  }
0x3e: {  	_ =	shalt  }
0x3f: {  	_ =	shalt  }
0x40: {  	_ =	shalt  }
0x41: {  	_ =	shalt  }
0x42: {  	_ =	shalt  }
0x43: {  	_ =	shalt  }
0x44: {  	_ =	shalt  }
0x45: {  	_ =	shalt  }
0x46: {  	_ =	shalt  }
0x47: {  	_ =	shalt  }
0x48: {  	_ =	shalt  }
0x49: {  	_ =	shalt  }
0x4a: {  	_ =	shalt  }
0x4b: {  	_ =	shalt  }
0x4c: {  	_ =	shalt  }
0x4d: {  	_ =	shalt  }
0x4e: {  	_ =	shalt  }
0x4f: {  	_ =	shalt  }
0x50: {  	_ =	shalt  }
0x51: {  	_ =	shalt  }
0x52: {  	_ =	shalt  }
0x53: {  	_ =	shalt  }
0x54: {  	_ =	shalt  }
0x55: {  	_ =	shalt  }
0x56: {  	_ =	shalt  }
0x57: {  	_ =	shalt  }
0x58: {  	_ =	shalt  }
0x59: {  	_ =	shalt  }
0x5a: {  	_ =	shalt  }
0x5b: {  	_ =	shalt  }
0x5c: {  	_ =	shalt  }
0x5d: {  	_ =	shalt  }
0x5e: {  	_ =	shalt  }
0x5f: {  	_ =	shalt  }
0x60: {  	_ =	shalt  }
0x61: {  	_ =	shalt  }
0x62: {  	_ =	shalt  }
0x63: {  	_ =	shalt  }
0x64: {  	_ =	shalt  }
0x65: {  	_ =	shalt  }
0x66: {  	_ =	shalt  }
0x67: {  	_ =	shalt  }
0x68: {  	_ =	shalt  }
0x69: {  	_ =	shalt  }
0x6a: {  	_ =	shalt  }
0x6b: {  	_ =	shalt  }
0x6c: {  	_ =	shalt  }
0x6d: {  	_ =	shalt  }
0x6e: {  	_ =	shalt  }
0x6f: {  	_ =	shalt  }
0x70: {  	_ =	shalt  }
0x71: {  	_ =	shalt  }
0x72: {  	_ =	shalt  }
0x73: {  	_ =	shalt  }
0x74: {  	_ =	shalt  }
0x75: {  	_ =	shalt  }
0x76: {  	_ =	shalt  }
0x77: {  	_ =	shalt  }
0x78: {  	_ =	shalt  }
0x79: {  	_ =	shalt  }
0x7a: {  	_ =	shalt  }
0x7b: {  	_ =	shalt  }
0x7c: {  	_ =	shalt  }
0x7d: {  	_ =	shalt  }
0x7e: {  	_ =	shalt  }
0x7f: {  	_ =	shalt  }
0x80: {  	_ =	shalt  }
0x81: {  	_ =	shalt  }
0x82: {  	_ =	shalt  }
0x83: {  	_ =	shalt  }
0x84: {  	_ =	shalt  }
0x85: {  	_ =	shalt  }
0x86: {  	_ =	shalt  }
0x87: {  	_ =	shalt  }
.Lfunc_end0:
.L_simem_size_0:
called_computation_lowered:
.L_overlay_start_0:
0x88: {  	s2 =	sld [smem:$0x3FD9]  }
0x89: {  	s3 =	sld [smem:$0x3FFE];
	_ =	sdelay $0x1  }
0x8a: {  	s1 =	srdreg.scid  }
0x8b: {  	s0 =	sand.u32 $0x1, s1  }
0x8c: {  	s17 =	sshll.u32 s0, $0xA;
	s2 =	sadd.s32 s3, s2  }
0x8d: {  	s2 =	sadd.s32 s2, s17  }
0x8e: {  	[smem:$0x3FC0] =	sst s2  }
0x8f: {  	_ = 	snop  }
0x90: {  	(tm) =	ssettm $0x1  }
0x91: {  	s18 =	sld [smem:$0x3FFB];
	_ =	sdelay $0x3  }
0x92: {  	_ =	strace s18  }
0x93: {  	s2 =	sld [smem:$0x3FFC];
	_ =	sdelay $0x3  }
0x94: {  	_ =	strace s2  }
0x95: {  	s2 =	sld [smem:$0x3FFD];
	_ =	sdelay $0x3  }
0x96: {  	_ =	strace s2  }
0x97: {  	_ =	strace $0x8FFFFFFF  }
0x98: {  	s19 =	sld [smem:$0x3FDB];
	_ =	sdelay $0x1  }
0x99: {  	s20 =	simm.s32 $_scs_section_size  }
0x9a: {  	s4 =	simm.s32 $_size__tile_overlayer_lowered;
	s5 =	simm.s32 $_tile_overlayer_lowered  }
0x9b: {  	s6 =	simm.s32 $0x1BFF;
	s21 =	sshll.u32 s5, $0x1;
	s3 =	sadd.s32 s20, s19  }
0x9c: {  	s22 =	simm.s32 $0x0;
	s4 =	sshll.u32 s4, $0x1;
	s5 =	sadd.s32 s21, s3  }
0x9d: {  	[timem:s22], [sflag:s6] =	dma.local [hbm:s5], s4  }
0x9e: {  	_ =	swait.ge [sflag:s6], s4  }
0x9f: {  	s4 =	ssub.s32 $0x0, s4;
	[sflag:s6] =	ssyncset.done $0x0  }
0xa0: {  	[sflag:s6] =	ssyncadd.s32 s4;
	_ =	sdelay $0x1  }
0xa1: {  	s23 =	simm.s32 $0x1B8B  }
0xa2: {  	_ =	swait.ge [sflag:s23], $0x1  }
0xa3: {  	[sflag:s23] =	ssyncset.done $0x0  }
0xa4: {  	[sflag:s23] =	ssyncadd.s32 $0xFFFFFFFF  }
0xa5: {  	s4 =	sld [smem:$0x0]  }
0xa6: {  	s5 =	sand.u32 $0xFFFFFFFE, s1  }
0xa7: {  	p0 =	sne.s32 s1, s5  }
0xa8: {  	s5 =	sshll.u32 @p0 s5, $0xE  }
0xa9: {  	s5 =	sadd.s32 @p0 $0x11B8D, s5;
	s6 =	sshll.u32 @p0 s4, $0x11  }
0xaa: {  	s5 =	sor.u32 @p0 s6, s5  }
0xab: {  	[sflag:s5] =	ssyncadd.remote.s32 @p0 $0x1;
	_ =	sdelay $0x1  }
0xac: {  	s5 =	simm.s32 @p0 $0x1B8D  }
0xad: {  	_ =	swait.eq @p0 [sflag:s5], $0x1  }
0xae: {  	[sflag:s5] =	ssyncadd.s32 @p0 $0xFFFFFFFF  }
0xaf: {  	s6 =	sshll.u32 @!p0 s1, $0xE  }
0xb0: {  	s6 =	sor.u32 @!p0 $0x4000, s6;
	s5 =	simm.s32 @!p0 $0x1B8D  }
0xb1: {  	s4 =	sshll.u32 @!p0 s4, $0x11;
	s6 =	sadd.s32 @!p0 $0x11B8D, s6;
	_ =	swait.eq @!p0 [sflag:s5], $0x1  }
0xb2: {  	s4 =	sor.u32 @!p0 s4, s6;
	[sflag:s5] =	ssyncadd.s32 @!p0 $0xFFFFFFFF  }
0xb3: {  	s25 =	simm.s32 $0x1B8E;
	s24 =	sld [smem:$0x3FFE];
	[sflag:s4] =	ssyncadd.remote.s32 @!p0 $0x1  }
0xb4: {  	s26 =	simm.s32 $execute0_lowered;
	[smem:$0x3FD2] =	sst s25  }
0xb5: {  	s5 =	sshll.u32 s26, $0x1;
	_ =	strace $0x8000004C;
	[dreg:$0x1] =	wrdreg $0xFFFFFFFF  }
0xb6: {  	s28 =	simm.s32 $_size_execute0_lowered;
	s3 =	sadd.s32 s3, s5;
	[dreg:$0x0] =	wrdreg $0x0  }
0xb7: {  	s5 =	sshll.u32 s28, $0x1;
	[dreg:$0x2] =	wrdreg s3  }
0xb8: {  	[dreg:$0x3] =	wrdreg s5  }
0xb9: {  	[dreg:$0x4] =	wrdreg $0xC0  }
0xba: {  	_ =	task [dreg:s22], $0x5FFFF  }
0xbb: {  	[dreg:$0x1] =	wrdreg $0xFFFFFFFF  }
0xbc: {  	[dreg:$0x0] =	wrdreg $0x60  }
0xbd: {  	[dreg:$0x2] =	wrdreg s24  }
0xbe: {  	[dreg:$0x3] =	wrdreg $0x8C800  }
0xbf: {  	[dreg:$0x4] =	wrdreg $0x9  }
0xc0: {  	_ =	task.clear_ibuf [dreg:s22], $0x5FFFF;
	_ =	strace $0x9000004C  }
0xc1: {  	s29 =	simm.s32 $0x9;
	_ =	strace $0x8000004E  }
0xc2: {  	_ =	swait.ge [sflag:s29], $0x1  }
0xc3: {  	[sflag:s29] =	ssyncadd.s32 $0xFFFFFFFF  }
0xc4: {  	_ =	strace $0x9000004E  }
0xc5: {  	_ =	sfence  }
0xc6: {  	s30 =	sld [smem:$0x0];
	_ =	sdelay $0x2  }
0xc7: {  	s31 =	sshll.u32 s1, $0xD;
	s1 =	sshrl.u32 s1, $0x2  }
0xc8: {  	s4 =	sand.u32 $0x4000, s31;
	s1 =	sadd.s32 s1, s30  }
0xc9: {  	s0 =	sor.u32 s4, s0;
	s1 =	sshll.u32 s1, $0x11  }
0xca: {  	s0 =	sor.u32 s1, s0  }
0xcb: {  	s0 =	sadd.s32 $0x8F2B, s0  }
0xcc: {  	[sflag:s0] =	ssyncadd.remote.s32 $0x1  }
0xcd: {  	_ =	sfence.sel $0xFFFF  }
0xce: {  	[dreg:$0x0] =	wrdreg $0xFFFFFFFF;
	(pc) =	sbr.abs _section_cstart, $3  }
0xcf: {  	[dreg:$0x1] =	wrdreg $0xFFFFFFFF  }
0xd0: {  	_ =	task.clear_ibuf [dreg:s22], $0x2FFFF;
	_ =	strace $0x9FFFFFFF  }
0xd1: {  	(tm) =	ssettm $0x7FFFFFFF  }
tec
execute0_lowered:
.L_overlay_start_1:
0x0: {  	(tag) =	ssettag $0x1  }
0x1: {  	s6 =	rddreg [dreg:$0x0]  }
0x2: {  	s0 =	srdreg.scid;
	s2 =	rddreg [dreg:$0x1]  }
0x3: {  	s1 =	rddreg [dreg:$0x2];
	s3 =	simm.s32 $0x0;
	s7 =	sand.u32 $0x1, s0  }
0x4: {  	s18 =	simm.s32 $0x80;
	s0 =	stileid.u32;
	s5 =	smul.u32 $0x2710, s7  }
0x5: {  	s19 =	simm.s32 $0x1;
	s20 =	simm.s32 $0x50;
	s4 =	smul.u32 $0x4E20, s0  }
0x6: {  	s21 =	simm.s32 $0x0;
	[smem:$0x7FF] =	sst s3;
	s8 =	smul.u32 $0x3E8, s0  }
0x7: {  	_ =	strace $0x8000004D;
	s9 =	smul.u32 $0x7D000, s0;
	s12 =	ssub.s32 $0x2, s7  }
0x8: {  	p0 =	sgt.u32 s0, $0x9;
	s13 =	sshrl.u32 s12, $0x1;
	s4 =	sadd.s32 s5, s4  }
0x9: {  	s8 =	sadd.s32 s8, s5;
	s5 =	sadd.s32 $0x40400, s6;
	s4 =	sshrl.u32 s4, $0x3  }
0xa: {  	s9 =	sshrl.u32 s9, $0x2;
	s8 =	sshll.u32 s8, $0x4;
	s17 =	sadd.s32 s4, s6  }
0xb: {  	s4 =	sadd.s32 $0x3F400, s6;
	s15 =	sadd.s32 s8, s6;
	s6 =	sadd.s32 s9, s2  }
0xc: {  	s7 =	sadd.s32 $0x6400, s6;
	s8 =	sadd.s32 $0xC800, s6;
	s9 =	sadd.s32 $0x12C00, s6  }
0xd: {  	s16 =	ssub.s32 s12, s13;
	s11 =	sadd.s32 $0x5BF600, s15;
	s12 =	sadd.s32 $0x5C0280, s15  }
0xe: {  	s16 =	smax.u32 s16, $0x1;
	s13 =	sadd.s32 $0x5C0F00, s15;
	s14 =	sadd.s32 $0x5C1B80, s15  }
0xf: {  	s10 =	sadd.s32 $0x19000, s6;
	s15 =	sadd.s32 $0x5C2800, s15;
	s17 =	sadd.s32 $0xE400, s17  }
.LBB2_1:
0x10: {  	s22 =	simm.s32 @!p0 $0x0;
	s23 =	simm.s32 @!p0 $0x2880  }
0x11: {  	[tilespmem:s23], [sflag:$0x1] =	stream.linear.gather @!p0 [hbm4b:s4+s22], $0x6400, $0x38;
	[tilespmem:$0x1C500] =	vst v63  }
0x12: {  	s22 =	simm.s32 @!p0 $0x1  }
0x13: {  	_ =	swait.ge @!p0 [sflag:s22], $0x6400  }
0x14: {  	[sflag:s22] =	ssyncset.done @!p0 $0x0  }
0x15: {  	[sflag:s22] =	ssyncadd.s32 @!p0 $0xFFFF9C00  }
0x16: {  	[spmem:s6] =	stream.linear.scatter @!p0 [tilespmem:s23], [sflag:$0x1], $0x6400, $0x38;
	[tilespmem:$0x1C500] =	vst v63  }
0x17: {  	_ =	swait.ge @!p0 [sflag:s22], $0x6400  }
0x18: {  	[sflag:s22] =	ssyncset.done @!p0 $0x0  }
0x19: {  	[sflag:s22] =	ssyncadd.s32 @!p0 $0xFFFF9C00  }
0x1a: {  	[spmem:s7] =	stream.linear.scatter @!p0 [tilespmem:s23], [sflag:$0x1], $0x6400, $0x38;
	[tilespmem:$0x1C500] =	vst v63  }
0x1b: {  	_ =	swait.ge @!p0 [sflag:s22], $0x6400  }
0x1c: {  	[sflag:s22] =	ssyncset.done @!p0 $0x0  }
0x1d: {  	[sflag:s22] =	ssyncadd.s32 @!p0 $0xFFFF9C00  }
0x1e: {  	[spmem:s8] =	stream.linear.scatter @!p0 [tilespmem:s23], [sflag:$0x1], $0x6400, $0x38;
	[tilespmem:$0x1C500] =	vst v63  }
0x1f: {  	_ =	swait.ge @!p0 [sflag:s22], $0x6400  }
0x20: {  	[sflag:s22] =	ssyncset.done @!p0 $0x0  }
0x21: {  	[sflag:s22] =	ssyncadd.s32 @!p0 $0xFFFF9C00  }
0x22: {  	[spmem:s9] =	stream.linear.scatter @!p0 [tilespmem:s23], [sflag:$0x1], $0x6400, $0x38;
	[tilespmem:$0x1C500] =	vst v63  }
0x23: {  	_ =	swait.ge @!p0 [sflag:s22], $0x6400  }
0x24: {  	[sflag:s22] =	ssyncset.done @!p0 $0x0  }
0x25: {  	[sflag:s22] =	ssyncadd.s32 @!p0 $0xFFFF9C00  }
0x26: {  	[spmem:s10] =	stream.linear.scatter @!p0 [tilespmem:s23], [sflag:$0x1], $0x6400, $0x38;
	[tilespmem:$0x1C500] =	vst v63  }
0x27: {  	_ =	swait.ge @!p0 [sflag:s22], $0x6400  }
0x28: {  	[sflag:s22] =	ssyncset.done @!p0 $0x0  }
0x29: {  	[sflag:s22] =	ssyncadd.s32 @!p0 $0xFFFF9C00  }
0x2a: {  	[tilespmem:s18], [sflag:$0x1] =	stream.linear.gather [hbm4b:s5+s3], $0x2800, $0x38;
	[tilespmem:$0x1C500] =	vst v63  }
0x2b: {  	_ =	swait.ge [sflag:s19], $0x2800  }
0x2c: {  	[sflag:s19] =	ssyncset.done $0x0  }
0x2d: {  	[sflag:s19] =	ssyncadd.s32 $0xFFFFD800  }
0x2e: {  	s31 =	sadd.s32 $0x0, s17;
	[bflag:$0x0] =	sbarrier.arrive $0xFFFF  }
0x2f: {  	[tilespmem:s3], [sflag:$0x1] =	stream.linear.gather [hbm4b:s31+s3], $0x50, $0x38;
	[tilespmem:$0x1C500] =	vst v63  }
0x30: {  	_ =	swait.ge [sflag:s19], $0x50  }
0x31: {  	[sflag:s19] =	ssyncset.done $0x0  }
0x32: {  	[sflag:s19] =	ssyncadd.s32 $0xFFFFFFB0  }
0x33: {  	[spmem:s2] =	stream.indirect.scatter.add.f32 [tilespmem:s18], [sflag:$0x1], $0x80, s3, s20, $0xb8;
	[tilespmem:$0x1C500] =	vst v63  }
0x34: {  	_ =	swait.ge [sflag:s19], $0x2800  }
0x35: {  	s23 =	simm.s32 $0x14;
	s22 =	simm.s32 $0xA;
	[sflag:s19] =	ssyncset.done $0x0  }
.LBB2_2:
0x36: {  	s24 =	sadd.s32 s22, s17  }
0x37: {  	[sflag:s19] =	ssyncadd.s32 $0xFFFFD800;
	s22 =	smov.u32 s23;
	s25 =	sadd.s32 $0xA, s23  }
0x38: {  	[tilespmem:s3], [sflag:$0x1] =	stream.linear.gather [hbm4b:s24+s3], $0x50, $0x38;
	[tilespmem:$0x1C500] =	vst v63  }
0x39: {  	p1 =	sne.s32 s23, $0x4D8;
	_ =	swait.ge [sflag:s19], $0x50  }
.Ltmp0:
0x3a: {  	[sflag:s19] =	ssyncset.done $0x0;
	(pc) =	sbr.rel @p1 .LBB2_2-.Ltmp0, $4  }
0x3b: {  	[sflag:s19] =	ssyncadd.s32 $0xFFFFFFB0  }
0x3c: {  	[spmem:s2] =	stream.indirect.scatter.add.f32 [tilespmem:s18], [sflag:$0x1], $0x80, s3, s20, $0xb8;
	[tilespmem:$0x1C500] =	vst v63  }
0x3d: {  	_ =	swait.ge [sflag:s19], $0x2800  }
0x3e: {  	s23 =	smov.u32 s25;
	[sflag:s19] =	ssyncset.done $0x0  }
0x3f: {  	s22 =	sadd.s32 s22, s17;
	[sflag:s19] =	ssyncadd.s32 $0xFFFFD800  }
0x40: {  	[tilespmem:s3], [sflag:$0x1] =	stream.linear.gather [hbm4b:s22+s3], $0x50, $0x38;
	[tilespmem:$0x1C500] =	vst v63  }
0x41: {  	_ =	swait.ge [sflag:s19], $0x50  }
0x42: {  	[sflag:s19] =	ssyncset.done $0x0  }
0x43: {  	[sflag:s19] =	ssyncadd.s32 $0xFFFFFFB0  }
0x44: {  	[spmem:s2] =	stream.indirect.scatter.add.f32 [tilespmem:s18], [sflag:$0x1], $0x80, s3, s20, $0xb8;
	[tilespmem:$0x1C500] =	vst v63  }
0x45: {  	_ =	swait.ge [sflag:s19], $0x2800  }
0x46: {  	[sflag:s19] =	ssyncset.done $0x0  }
0x47: {  	[sflag:s19] =	ssyncadd.s32 $0xFFFFD800  }
0x48: {  	s23 =	simm.s32 @!p0 $0x1;
	s22 =	simm.s32 @!p0 $0x2880;
	[bflag:$0x0] =	sbarrier.arrive $0xFFFF  }
0x49: {  	[tilespmem:s22], [sflag:$0x1] =	stream.linear.gather @!p0 [spmem:s6], $0x6400, $0x38;
	[tilespmem:$0x1C500] =	vst v63  }
0x4a: {  	_ =	swait.ge @!p0 [sflag:s23], $0x6400  }
0x4b: {  	[sflag:s23] =	ssyncset.done @!p0 $0x0  }
0x4c: {  	s24 =	simm.s32 @!p0 $0x0;
	[sflag:s23] =	ssyncadd.s32 @!p0 $0xFFFF9C00  }
0x4d: {  	[hbm4b:s11+s24] =	stream.linear.scatter @!p0 [tilespmem:s22], [sflag:$0x1], $0x6400, $0x38;
	[tilespmem:$0x1C500] =	vst v63  }
0x4e: {  	_ =	swait.ge @!p0 [sflag:s23], $0x6400  }
0x4f: {  	[sflag:s23] =	ssyncset.done @!p0 $0x0  }
0x50: {  	[sflag:s23] =	ssyncadd.s32 @!p0 $0xFFFF9C00  }
0x51: {  	[tilespmem:s22], [sflag:$0x1] =	stream.linear.gather @!p0 [spmem:s7], $0x6400, $0x38;
	[tilespmem:$0x1C500] =	vst v63  }
0x52: {  	_ =	swait.ge @!p0 [sflag:s23], $0x6400  }
0x53: {  	[sflag:s23] =	ssyncset.done @!p0 $0x0  }
0x54: {  	[sflag:s23] =	ssyncadd.s32 @!p0 $0xFFFF9C00  }
0x55: {  	[hbm4b:s12+s24] =	stream.linear.scatter @!p0 [tilespmem:s22], [sflag:$0x1], $0x6400, $0x38;
	[tilespmem:$0x1C500] =	vst v63  }
0x56: {  	_ =	swait.ge @!p0 [sflag:s23], $0x6400  }
0x57: {  	[sflag:s23] =	ssyncset.done @!p0 $0x0  }
0x58: {  	[sflag:s23] =	ssyncadd.s32 @!p0 $0xFFFF9C00  }
0x59: {  	[tilespmem:s22], [sflag:$0x1] =	stream.linear.gather @!p0 [spmem:s8], $0x6400, $0x38;
	[tilespmem:$0x1C500] =	vst v63  }
0x5a: {  	_ =	swait.ge @!p0 [sflag:s23], $0x6400  }
0x5b: {  	[sflag:s23] =	ssyncset.done @!p0 $0x0  }
0x5c: {  	[sflag:s23] =	ssyncadd.s32 @!p0 $0xFFFF9C00  }
0x5d: {  	[hbm4b:s13+s24] =	stream.linear.scatter @!p0 [tilespmem:s22], [sflag:$0x1], $0x6400, $0x38;
	[tilespmem:$0x1C500] =	vst v63  }
0x5e: {  	_ =	swait.ge @!p0 [sflag:s23], $0x6400  }
0x5f: {  	[sflag:s23] =	ssyncset.done @!p0 $0x0  }
0x60: {  	[sflag:s23] =	ssyncadd.s32 @!p0 $0xFFFF9C00  }
0x61: {  	[tilespmem:s22], [sflag:$0x1] =	stream.linear.gather @!p0 [spmem:s9], $0x6400, $0x38;
	[tilespmem:$0x1C500] =	vst v63  }
0x62: {  	_ =	swait.ge @!p0 [sflag:s23], $0x6400  }
0x63: {  	[sflag:s23] =	ssyncset.done @!p0 $0x0  }
0x64: {  	[sflag:s23] =	ssyncadd.s32 @!p0 $0xFFFF9C00  }
0x65: {  	[hbm4b:s14+s24] =	stream.linear.scatter @!p0 [tilespmem:s22], [sflag:$0x1], $0x6400, $0x38;
	[tilespmem:$0x1C500] =	vst v63  }
0x66: {  	_ =	swait.ge @!p0 [sflag:s23], $0x6400  }
0x67: {  	[sflag:s23] =	ssyncset.done @!p0 $0x0  }
0x68: {  	[sflag:s23] =	ssyncadd.s32 @!p0 $0xFFFF9C00  }
0x69: {  	[tilespmem:s22], [sflag:$0x1] =	stream.linear.gather @!p0 [spmem:s10], $0x6400, $0x38;
	[tilespmem:$0x1C500] =	vst v63  }
0x6a: {  	s21 =	sadd.s32 $0x1, s21;
	_ =	swait.ge @!p0 [sflag:s23], $0x6400  }
0x6b: {  	p1 =	sne.s32 s21, s16;
	[sflag:s23] =	ssyncset.done @!p0 $0x0  }
.Ltmp1:
0x6c: {  	[sflag:s23] =	ssyncadd.s32 @!p0 $0xFFFF9C00;
	(pc) =	sbr.rel @p1 .LBB2_1-.Ltmp1, $4  }
0x6d: {  	[hbm4b:s15+s24] =	stream.linear.scatter @!p0 [tilespmem:s22], [sflag:$0x1], $0x6400, $0x38;
	[tilespmem:$0x1C500] =	vst v63  }
0x6e: {  	_ =	swait.ge @!p0 [sflag:s23], $0x6400  }
0x6f: {  	[sflag:s23] =	ssyncset.done @!p0 $0x0  }
0x70: {  	[sflag:s23] =	ssyncadd.s32 @!p0 $0xFFFF9C00  }
0x71: {  	_ =	sfence.sel $0x180000  }
0x72: {  	[bflag:$0x0] =	sbarrier.arrive $0xFFFF  }
0x73: {  	p0 =	sne.s32 s0, $0x0;
	_ =	strace $0x9000004D  }
0x74: {  	s0 =	sadd.s32 @!p0 $0x100000, s1;
	[bflag:$0x2] =	sbarrier.arrive $0xFFFF  }
0x75: {  	[sflag:s0] =	ssyncadd.tile.s32 @!p0 $0x1;
	_ =	shalt  }
.Lfunc_end2:
_tile_overlayer_lowered:
.L_overlay_start_2:
0x76: {  	(tag) =	ssettag $0x2  }
0x77: {  	s0 =	rddreg [dreg:$0x0];
	s2 =	stileid.u32  }
0x78: {  	s1 =	rddreg [dreg:$0x1];
	p0 =	sne.s32 s2, $0x0  }
0x79: {  	s3 =	rddreg [dreg:$0x2];
	[bflag:$0x3] =	sbarrier.arrive $0xFFFF;
	s2 =	simm.s32 @!p0 $0x1C01  }
0x7a: {  	[timem:s3], [sflag:s2] =	dma.local @!p0 [hbm:s0], s1  }
0x7b: {  	s0 =	simm.s32 @!p0 $0x1  }
0x7c: {  	_ =	swait.ge @!p0 [sflag:s0], s1  }
0x7d: {  	s1 =	ssub.s32 @!p0 $0x0, s1;
	[sflag:s0] =	ssyncset.done @!p0 $0x0  }
0x7e: {  	[sflag:s0] =	ssyncadd.s32 @!p0 s1  }
0x7f: {  	[bflag:$0x3] =	sbarrier.arrive $0xFFFF  }
0x80: {  	_ =	shalt  }

// kernel: kernel.13.cloned.1.call-start
scs
__scs_entry_jumppad:
0x0: {  	(pc) =	sbr.rel $0x88, $3  }
0x1: {  	(tag) =	ssettag $0x0;
	lr =	simm.s32 $0x1  }
0x2: {  	[smem:$0x3F99] =	sst lr;
	_ =	strace $0xD0000000  }
0x3: {  	_ = 	snop  }
0x4: {  	_ = 	snop  }
0x5: {  	_ = 	snop  }
0x6: {  	_ = 	snop  }
0x7: {  	_ = 	snop  }
__scs_overlays_trampoline_lowered:
0x8: {  	[smem:$0x3FA8] =	sst s0  }
0x9: {  	[smem:$0x3FA9] =	sst s1  }
0xa: {  	[smem:$0x3FAA] =	sst s2  }
0xb: {  	[smem:$0x3FAB] =	sst s3  }
0xc: {  	[smem:$0x3FAC] =	sst s4  }
0xd: {  	[smem:$0x3FAD] =	sst s5  }
0xe: {  	[smem:$0x3FAE] =	sst s6  }
0xf: {  	[smem:$0x3FAF] =	sst s7  }
0x10: {  	[smem:$0x3FB0] =	sst s8  }
0x11: {  	[smem:$0x3FB1] =	sst s9;
	s0 =	simm.s32 @!p0 $0x0  }
0x12: {  	s1 =	sld [smem:$0x3F97];
	s0 =	simm.s32 @p0 $0x1  }
0x13: {  	[smem:$0x3FB2] =	sst s0;
	s0 =	simm.s32 @!p1 $0x0  }
0x14: {  	s2 =	sld [smem:$0x3F96];
	s0 =	simm.s32 @p1 $0x1  }
0x15: {  	[smem:$0x3FB3] =	sst s0;
	s0 =	simm.s32 @!p2 $0x0  }
0x16: {  	s3 =	sld [smem:$0x3FDB];
	s0 =	simm.s32 @p2 $0x1  }
0x17: {  	s4 =	simm.s32 $0x1BF5;
	[smem:$0x3FB5] =	sst s0  }
0x18: {  	s0 =	sld [smem:$0x3F98];
	_ =	swait.ge [sflag:s4], $0x0  }
0x19: {  	s7 =	sld [smem:$0x3F99]  }
0x1a: {  	s8 =	sadd.s32 $0xFFFFE003, lr  }
0x1b: {  	s9 =	sadd.s32 $0xFFFFFEF7, lr;
	s5 =	simm.s32 $0xFFFFFFFF;
	p2 =	slt.u32 s8, $0xFFFFF086  }
0x1c: {  	p1 =	slt.u32 s9, $0xF7A;
	s5 =	simm.s32 @!p2 $0x0  }
0x1d: {  	s5 =	simm.s32 @p1 $0x1;
	p0 =	seq.s32 s7, s2  }
0x1e: {  	s7 =	smul.u32 @!p0 $0xF7A, s2;
	p2 =	seq.s32 @!p0 s5, $0x0  }
0x1f: {  	s9 =	smul.u32 $0xF7A, s1;
	s8 =	simm.s32 @!p0 $0x1BF5;
	p2 =	por !p2, p0  }
0x20: {  	[sflag:s8] =	ssyncset.s32 @!p0 $0xFFFFF086;
	s6 =	sadd.s32 @!p0 s3, s7;
	s7 =	simm.s32 @!p0 $0x108  }
0x21: {  	s3 =	sadd.s32 s3, s9;
	s6 =	sadd.s32 @!p0 $0x88, s6;
	s7 =	simm.s32 @p2 $0x1082  }
0x22: {  	[simem:s7], [sflag:s8] =	dma.local @!p0 [hbm:s6], $0xF7A  }
0x23: {  	s9 =	sor.u32 $0xD0000000, s2;
	s6 =	simm.s32 $0x108;
	_ =	swait.ge @!p0 [sflag:s8], $0x0  }
0x24: {  	s3 =	sadd.s32 $0x88, s3;
	s6 =	simm.s32 @!p1 $0x1082;
	[sflag:s4] =	ssyncset.s32 $0xFFFFF086  }
0x25: {  	[simem:s6], [sflag:s4] =	dma.local [hbm:s3], $0xF7A  }
0x26: {  	[smem:$0x3F99] =	sst s1;
	(tag) =	ssettag s2;
	_ =	strace s9  }
0x27: {  	s1 =	sld [smem:$0x3FA9]  }
0x28: {  	s2 =	sld [smem:$0x3FAA]  }
0x29: {  	s4 =	sld [smem:$0x3FAC]  }
0x2a: {  	p0 =	seq.s32 s5, $0x0;
	s5 =	sld [smem:$0x3FAD]  }
0x2b: {  	s6 =	sld [smem:$0x3FAE]  }
0x2c: {  	s7 =	sld [smem:$0x3FAF]  }
0x2d: {  	s3 =	simm.s32 $0x108;
	s8 =	sld [smem:$0x3FB0]  }
0x2e: {  	s3 =	simm.s32 @!p0 $0x1082;
	s9 =	sld [smem:$0x3FB1]  }
0x2f: {  	lr =	sadd.s32 s0, s3;
	s0 =	sld [smem:$0x3FA8]  }
0x30: {  	s3 =	sld [smem:$0x3FAB]  }
0x31: {  	[smem:$0x3FB4] =	sst s10  }
0x32: {  	s10 =	sld [smem:$0x3FB2];
	_ =	sdelay $0x3  }
0x33: {  	p0 =	seq.s32 s10, $0x1;
	s10 =	sld [smem:$0x3FB4];
	_ =	sdelay $0x3  }
0x34: {  	[smem:$0x3FB4] =	sst s10  }
0x35: {  	s10 =	sld [smem:$0x3FB3];
	_ =	sdelay $0x3  }
0x36: {  	p1 =	seq.s32 s10, $0x1;
	s10 =	sld [smem:$0x3FB4];
	_ =	sdelay $0x3  }
0x37: {  	[smem:$0x3FB4] =	sst s10  }
0x38: {  	s10 =	sld [smem:$0x3FB5]  }
0x39: {  	_ = 	snop;
	(pc) =	sbr.ind lr, $3  }
0x3a: {  	_ = 	snop  }
0x3b: {  	_ = 	snop  }
0x3c: {  	p2 =	seq.s32 s10, $0x1;
	s10 =	sld [smem:$0x3FB4]  }
0x3d: {  	_ =	shalt  }
0x3e: {  	_ =	shalt  }
0x3f: {  	_ =	shalt  }
0x40: {  	_ =	shalt  }
0x41: {  	_ =	shalt  }
0x42: {  	_ =	shalt  }
0x43: {  	_ =	shalt  }
0x44: {  	_ =	shalt  }
0x45: {  	_ =	shalt  }
0x46: {  	_ =	shalt  }
0x47: {  	_ =	shalt  }
0x48: {  	_ =	shalt  }
0x49: {  	_ =	shalt  }
0x4a: {  	_ =	shalt  }
0x4b: {  	_ =	shalt  }
0x4c: {  	_ =	shalt  }
0x4d: {  	_ =	shalt  }
0x4e: {  	_ =	shalt  }
0x4f: {  	_ =	shalt  }
0x50: {  	_ =	shalt  }
0x51: {  	_ =	shalt  }
0x52: {  	_ =	shalt  }
0x53: {  	_ =	shalt  }
0x54: {  	_ =	shalt  }
0x55: {  	_ =	shalt  }
0x56: {  	_ =	shalt  }
0x57: {  	_ =	shalt  }
0x58: {  	_ =	shalt  }
0x59: {  	_ =	shalt  }
0x5a: {  	_ =	shalt  }
0x5b: {  	_ =	shalt  }
0x5c: {  	_ =	shalt  }
0x5d: {  	_ =	shalt  }
0x5e: {  	_ =	shalt  }
0x5f: {  	_ =	shalt  }
0x60: {  	_ =	shalt  }
0x61: {  	_ =	shalt  }
0x62: {  	_ =	shalt  }
0x63: {  	_ =	shalt  }
0x64: {  	_ =	shalt  }
0x65: {  	_ =	shalt  }
0x66: {  	_ =	shalt  }
0x67: {  	_ =	shalt  }
0x68: {  	_ =	shalt  }
0x69: {  	_ =	shalt  }
0x6a: {  	_ =	shalt  }
0x6b: {  	_ =	shalt  }
0x6c: {  	_ =	shalt  }
0x6d: {  	_ =	shalt  }
0x6e: {  	_ =	shalt  }
0x6f: {  	_ =	shalt  }
0x70: {  	_ =	shalt  }
0x71: {  	_ =	shalt  }
0x72: {  	_ =	shalt  }
0x73: {  	_ =	shalt  }
0x74: {  	_ =	shalt  }
0x75: {  	_ =	shalt  }
0x76: {  	_ =	shalt  }
0x77: {  	_ =	shalt  }
0x78: {  	_ =	shalt  }
0x79: {  	_ =	shalt  }
0x7a: {  	_ =	shalt  }
0x7b: {  	_ =	shalt  }
0x7c: {  	_ =	shalt  }
0x7d: {  	_ =	shalt  }
0x7e: {  	_ =	shalt  }
0x7f: {  	_ =	shalt  }
0x80: {  	_ =	shalt  }
0x81: {  	_ =	shalt  }
0x82: {  	_ =	shalt  }
0x83: {  	_ =	shalt  }
0x84: {  	_ =	shalt  }
0x85: {  	_ =	shalt  }
0x86: {  	_ =	shalt  }
0x87: {  	_ =	shalt  }
.Lfunc_end0:
.L_simem_size_0:
called_computation.1_lowered:
.L_overlay_start_0:
0x88: {  	s2 =	sld [smem:$0x3FD9]  }
0x89: {  	s3 =	sld [smem:$0x3FFE];
	_ =	sdelay $0x1  }
0x8a: {  	s1 =	srdreg.scid  }
0x8b: {  	s0 =	sand.u32 $0x1, s1  }
0x8c: {  	s16 =	sshll.u32 s0, $0xA;
	s2 =	sadd.s32 s3, s2  }
0x8d: {  	s2 =	sadd.s32 s2, s16  }
0x8e: {  	[smem:$0x3FC0] =	sst s2  }
0x8f: {  	_ = 	snop  }
0x90: {  	(tm) =	ssettm $0x1  }
0x91: {  	s17 =	sld [smem:$0x3FFB];
	_ =	sdelay $0x3  }
0x92: {  	_ =	strace s17  }
0x93: {  	s2 =	sld [smem:$0x3FFC];
	_ =	sdelay $0x3  }
0x94: {  	_ =	strace s2  }
0x95: {  	s2 =	sld [smem:$0x3FFD];
	_ =	sdelay $0x3  }
0x96: {  	_ =	strace s2  }
0x97: {  	_ =	strace $0x8FFFFFFF  }
0x98: {  	s18 =	sld [smem:$0x3FDB];
	_ =	sdelay $0x1  }
0x99: {  	s19 =	simm.s32 $_scs_section_size  }
0x9a: {  	s4 =	simm.s32 $_size__tile_overlayer_lowered;
	s5 =	simm.s32 $_tile_overlayer_lowered  }
0x9b: {  	s22 =	simm.s32 $0x1BFF;
	s21 =	sshll.u32 s5, $0x1;
	s2 =	sadd.s32 s19, s18  }
0x9c: {  	s6 =	simm.s32 $0x0;
	s20 =	sshll.u32 s4, $0x1;
	s4 =	sadd.s32 s21, s2  }
0x9d: {  	[timem:s6], [sflag:s22] =	dma.local [hbm:s4], s20  }
0x9e: {  	_ =	swait.ge [sflag:s22], s20  }
0x9f: {  	s3 =	ssub.s32 $0x0, s20;
	[sflag:s22] =	ssyncset.done $0x0  }
0xa0: {  	[sflag:s22] =	ssyncadd.s32 s3;
	_ =	sdelay $0x1  }
0xa1: {  	s23 =	simm.s32 $0x1B8B  }
0xa2: {  	_ =	swait.ge [sflag:s23], $0x1  }
0xa3: {  	[sflag:s23] =	ssyncset.done $0x0  }
0xa4: {  	s25 =	simm.s32 $0x1B8E;
	s24 =	sld [smem:$0x3FFE];
	[sflag:s23] =	ssyncadd.s32 $0xFFFFFFFF  }
0xa5: {  	s26 =	simm.s32 $execute0_lowered;
	[smem:$0x3FD2] =	sst s25  }
0xa6: {  	s4 =	sshll.u32 s26, $0x1;
	_ =	strace $0x80000046;
	[dreg:$0x1] =	wrdreg $0xFFFFFFFF  }
0xa7: {  	s28 =	simm.s32 $_size_execute0_lowered;
	s2 =	sadd.s32 s2, s4;
	[dreg:$0x0] =	wrdreg $0x0  }
0xa8: {  	s4 =	sshll.u32 s28, $0x1;
	[dreg:$0x2] =	wrdreg s2  }
0xa9: {  	[dreg:$0x3] =	wrdreg s4  }
0xaa: {  	[dreg:$0x4] =	wrdreg $0xC0  }
0xab: {  	_ =	task [dreg:s6], $0x5FFFF  }
0xac: {  	[dreg:$0x1] =	wrdreg $0xFFFFFFFF  }
0xad: {  	[dreg:$0x0] =	wrdreg $0x60  }
0xae: {  	[dreg:$0x2] =	wrdreg s24  }
0xaf: {  	[dreg:$0x3] =	wrdreg $0xB5000  }
0xb0: {  	[dreg:$0x4] =	wrdreg $0x9  }
0xb1: {  	_ =	task.clear_ibuf [dreg:s6], $0x5FFFF;
	_ =	strace $0x90000046  }
0xb2: {  	s29 =	simm.s32 $0x9;
	_ =	strace $0x80000048  }
0xb3: {  	_ =	swait.ge [sflag:s29], $0x1  }
0xb4: {  	[sflag:s29] =	ssyncadd.s32 $0xFFFFFFFF  }
0xb5: {  	_ =	strace $0x90000048  }
0xb6: {  	_ =	sfence  }
0xb7: {  	s30 =	sld [smem:$0x0];
	_ =	sdelay $0x2  }
0xb8: {  	s31 =	sshll.u32 s1, $0xD;
	s1 =	sshrl.u32 s1, $0x2  }
0xb9: {  	s3 =	sand.u32 $0x4000, s31;
	s1 =	sadd.s32 s1, s30  }
0xba: {  	s0 =	sor.u32 s3, s0;
	s1 =	sshll.u32 s1, $0x11  }
0xbb: {  	s0 =	sor.u32 s1, s0  }
0xbc: {  	s0 =	sadd.s32 $0x8F2B, s0  }
0xbd: {  	[sflag:s0] =	ssyncadd.remote.s32 $0x1  }
0xbe: {  	_ =	sfence.sel $0xFFFF  }
0xbf: {  	[dreg:$0x0] =	wrdreg $0xFFFFFFFF;
	(pc) =	sbr.abs _section_cstart, $3  }
0xc0: {  	[dreg:$0x1] =	wrdreg $0xFFFFFFFF  }
0xc1: {  	_ =	task.clear_ibuf [dreg:s6], $0x2FFFF;
	_ =	strace $0x9FFFFFFF  }
0xc2: {  	(tm) =	ssettm $0x7FFFFFFF  }
0xc3: {  	_ =	shalt  }
tec
execute0_lowered:
.L_overlay_start_1:
0x0: {  	(tag) =	ssettag $0x1  }
0x1: {  	s0 =	rddreg [dreg:$0x0];
	s1 =	srdreg.scid  }
0x2: {  	s2 =	rddreg [dreg:$0x1];
	s25 =	stileid.u32;
	s3 =	simm.s32 $0x0  }
0x3: {  	s21 =	simm.s32 $0x2;
	s22 =	simm.s32 $0x80;
	s4 =	smul.u32 $0x4E20, s25  }
0x4: {  	s23 =	simm.s32 $0x100;
	s24 =	simm.s32 $0x50;
	s7 =	smul.u32 $0x4E200, s25  }
0x5: {  	s28 =	simm.s32 $0x0;
	s9 =	sand.u32 $0x1, s1;
	s8 =	smul.u32 $0x3E8, s25  }
0x6: {  	[smem:$0x7FF] =	sst s3;
	s26 =	sadd.s32 $0x3F400, s0;
	s10 =	smul.u32 $0x7D000, s25  }
0x7: {  	p0 =	sgt.u32 s25, $0x9;
	s25 =	simm.s32 $0x2900;
	s6 =	smul.u32 $0x2710, s9  }
0x8: {  	_ =	strace $0x80000047;
	[dreg:$0x3] =	wrdreg s26;
	s29 =	ssub.s32 $0x2, s9  }
0x9: {  	s15 =	smul.u32 $0x27100, s9;
	s26 =	simm.s32 $0x1;
	s14 =	sadd.s32 s7, s0  }
0xa: {  	s30 =	sshrl.u32 s29, $0x1;
	s10 =	sshrl.u32 s10, $0x2;
	s5 =	sadd.s32 s6, s4  }
0xb: {  	s4 =	sadd.s32 $0x18200, s0;
	s6 =	sadd.s32 s8, s6;
	s17 =	ssub.s32 s29, s30  }
0xc: {  	s18 =	sadd.s32 s15, s14;
	s5 =	sshrl.u32 s5, $0x3;
	s6 =	sshll.u32 s6, $0x4  }
0xd: {  	s16 =	sadd.s32 $0x4FA200, s18;
	s17 =	smax.u32 s17, $0x1;
	s18 =	sadd.s32 $0x9DC200, s18  }
0xe: {  	s20 =	sadd.s32 s5, s0;
	s0 =	sadd.s32 s6, s0;
	s6 =	sadd.s32 s10, s2  }
0xf: {  	s7 =	sadd.s32 $0x6400, s6;
	s8 =	sadd.s32 $0xC800, s6;
	s9 =	sadd.s32 $0x12C00, s6  }
0x10: {  	s10 =	sadd.s32 $0x19000, s6;
	s31 =	sadd.s32 $0x40200, s0;
	s12 =	sadd.s32 $0x40E80, s0  }
0x11: {  	s13 =	sadd.s32 $0x41B00, s0;
	s14 =	sadd.s32 $0x42780, s0;
	s15 =	sadd.s32 $0x43400, s0  }
0x12: {  	s19 =	sadd.s32 $0x4600, s20;
	s20 =	sadd.s32 $0xE400, s20;
	[dreg:$0x4] =	wrdreg s31  }
.LBB2_1:
0x13: {  	s0 =	simm.s32 @!p0 $0x0;
	s29 =	simm.s32 @!p0 $0x5100;
	s1 =	rddreg [dreg:$0x3]  }
0x14: {  	[tilespmem:s29], [sflag:$0x2] =	stream.linear.gather @!p0 [hbm4b:s1+s0], $0x6400, $0x38;
	[tilespmem:$0x1ED80] =	vst v63  }
0x15: {  	s0 =	simm.s32 @!p0 $0x2  }
0x16: {  	_ =	swait.ge @!p0 [sflag:s0], $0x6400  }
0x17: {  	[sflag:s0] =	ssyncset.done @!p0 $0x0  }
0x18: {  	[sflag:s0] =	ssyncadd.s32 @!p0 $0xFFFF9C00  }
0x19: {  	[spmem:s6] =	stream.linear.scatter @!p0 [tilespmem:s29], [sflag:$0x2], $0x6400, $0x38;
	[tilespmem:$0x1ED80] =	vst v63  }
0x1a: {  	_ =	swait.ge @!p0 [sflag:s0], $0x6400  }
0x1b: {  	[sflag:s0] =	ssyncset.done @!p0 $0x0  }
0x1c: {  	[sflag:s0] =	ssyncadd.s32 @!p0 $0xFFFF9C00  }
0x1d: {  	[spmem:s7] =	stream.linear.scatter @!p0 [tilespmem:s29], [sflag:$0x2], $0x6400, $0x38;
	[tilespmem:$0x1ED80] =	vst v63  }
0x1e: {  	_ =	swait.ge @!p0 [sflag:s0], $0x6400  }
0x1f: {  	[sflag:s0] =	ssyncset.done @!p0 $0x0  }
0x20: {  	[sflag:s0] =	ssyncadd.s32 @!p0 $0xFFFF9C00  }
0x21: {  	[spmem:s8] =	stream.linear.scatter @!p0 [tilespmem:s29], [sflag:$0x2], $0x6400, $0x38;
	[tilespmem:$0x1ED80] =	vst v63  }
0x22: {  	_ =	swait.ge @!p0 [sflag:s0], $0x6400  }
0x23: {  	[sflag:s0] =	ssyncset.done @!p0 $0x0  }
0x24: {  	[sflag:s0] =	ssyncadd.s32 @!p0 $0xFFFF9C00  }
0x25: {  	[spmem:s9] =	stream.linear.scatter @!p0 [tilespmem:s29], [sflag:$0x2], $0x6400, $0x38;
	[tilespmem:$0x1ED80] =	vst v63  }
0x26: {  	_ =	swait.ge @!p0 [sflag:s0], $0x6400  }
0x27: {  	[sflag:s0] =	ssyncset.done @!p0 $0x0  }
0x28: {  	[sflag:s0] =	ssyncadd.s32 @!p0 $0xFFFF9C00  }
0x29: {  	[spmem:s10] =	stream.linear.scatter @!p0 [tilespmem:s29], [sflag:$0x2], $0x6400, $0x38;
	[tilespmem:$0x1ED80] =	vst v63  }
0x2a: {  	_ =	swait.ge @!p0 [sflag:s0], $0x6400  }
0x2b: {  	[sflag:s0] =	ssyncset.done @!p0 $0x0  }
0x2c: {  	[sflag:s0] =	ssyncadd.s32 @!p0 $0xFFFF9C00  }
0x2d: {  	s5 =	sadd.s32 $0x0, s20;
	[bflag:$0x0] =	sbarrier.arrive $0xFFFF  }
0x2e: {  	[tilespmem:s3], [sflag:$0x2] =	stream.linear.gather [hbm4b:s5+s3], $0x50, $0x38;
	[tilespmem:$0x1ED80] =	vst v63  }
0x2f: {  	_ =	swait.ge [sflag:s21], $0x50  }
0x30: {  	[sflag:s21] =	ssyncset.done $0x0  }
0x31: {  	s11 =	sadd.s32 $0x0, s19;
	[sflag:s21] =	ssyncadd.s32 $0xFFFFFFB0  }
0x32: {  	[tilespmem:s22], [sflag:$0x2] =	stream.linear.gather [hbm4b:s11+s3], $0x50, $0x38;
	[tilespmem:$0x1ED80] =	vst v63  }
0x33: {  	_ =	swait.ge [sflag:s21], $0x50  }
0x34: {  	[sflag:s21] =	ssyncset.done $0x0  }
0x35: {  	[sflag:s21] =	ssyncadd.s32 $0xFFFFFFB0  }
0x36: {  	[tilespmem:s23], [sflag:$0x2] =	stream.linear.gather [hbm4b:s16+s3], $0x2800, $0x38;
	[tilespmem:$0x1ED80] =	vst v63  }
0x37: {  	_ =	swait.ge [sflag:s21], $0x2800  }
0x38: {  	[sflag:s21] =	ssyncset.done $0x0  }
0x39: {  	[sflag:s21] =	ssyncadd.s32 $0xFFFFD800  }
0x3a: {  	[tilespmem:s25], [sflag:$0x1] =	stream.indirect.gather [hbm4b:s4+s24], $0x80, s3, s24, $0xb8;
	[tilespmem:$0x1ED80] =	vst v63  }
0x3b: {  	_ =	swait.ge [sflag:s26], $0x2800  }
0x3c: {  	[sflag:s26] =	ssyncset.done $0x0  }
0x3d: {  	[sflag:s26] =	ssyncadd.s32 $0xFFFFD800  }
0x3e: {  	[hbm4b:s18+s3] =	stream.linear.scatter [tilespmem:s25], [sflag:$0x2], $0x2800, $0x38;
	[tilespmem:$0x1ED80] =	vst v63  }
0x3f: {  	_ =	swait.ge [sflag:s21], $0x2800  }
0x40: {  	[sflag:s21] =	ssyncset.done $0x0  }
0x41: {  	[sflag:s21] =	ssyncadd.s32 $0xFFFFD800  }
0x42: {  	[spmem:s2] =	stream.indirect.scatter.add.f32 [tilespmem:s25], [sflag:$0x2], $0x80, s22, s24, $0xb8;
	[tilespmem:$0x1ED80] =	vst v63  }
0x43: {  	_ =	swait.ge [sflag:s21], $0x2800  }
0x44: {  	[sflag:s21] =	ssyncset.done $0x0  }
0x45: {  	[sflag:s21] =	ssyncadd.s32 $0xFFFFD800  }
0x46: {  	[spmem:s2] =	stream.indirect.scatter.add.f32 [tilespmem:s23], [sflag:$0x2], $0x80, s22, s24, $0xb8;
	[tilespmem:$0x1ED80] =	vst v63  }
0x47: {  	s31 =	simm.s32 $0xA;
	s30 =	sadd.s32 $0x500, s16;
	_ =	swait.ge [sflag:s21], $0x2800  }
0x48: {  	s29 =	sadd.s32 $0x500, s18;
	s0 =	simm.s32 $0x14;
	[sflag:s21] =	ssyncset.done $0x0  }
.LBB2_2:
0x49: {  	s1 =	sadd.s32 s31, s20  }
0x4a: {  	[sflag:s21] =	ssyncadd.s32 $0xFFFFD800;
	s5 =	smov.u32 s0;
	s11 =	sadd.s32 $0xA, s0  }
0x4b: {  	[tilespmem:s3], [sflag:$0x2] =	stream.linear.gather [hbm4b:s1+s3], $0x50, $0x38;
	[tilespmem:$0x1ED80] =	vst v63  }
0x4c: {  	p1 =	sne.s32 s0, $0x4D8;
	_ =	swait.ge [sflag:s21], $0x50  }
0x4d: {  	[sflag:s21] =	ssyncset.done $0x0  }
0x4e: {  	s0 =	sadd.s32 s31, s19;
	s31 =	smov.u32 s5;
	[sflag:s21] =	ssyncadd.s32 $0xFFFFFFB0  }
0x4f: {  	[tilespmem:s22], [sflag:$0x2] =	stream.linear.gather [hbm4b:s0+s3], $0x50, $0x38;
	[tilespmem:$0x1ED80] =	vst v63  }
0x50: {  	_ =	swait.ge [sflag:s21], $0x50  }
0x51: {  	[sflag:s21] =	ssyncset.done $0x0  }
0x52: {  	[sflag:s21] =	ssyncadd.s32 $0xFFFFFFB0  }
0x53: {  	[tilespmem:s23], [sflag:$0x2] =	stream.linear.gather [hbm4b:s30+s3], $0x2800, $0x38;
	[tilespmem:$0x1ED80] =	vst v63  }
0x54: {  	_ =	swait.ge [sflag:s21], $0x2800  }
0x55: {  	[sflag:s21] =	ssyncset.done $0x0  }
0x56: {  	[sflag:s21] =	ssyncadd.s32 $0xFFFFD800  }
0x57: {  	[tilespmem:s25], [sflag:$0x1] =	stream.indirect.gather [hbm4b:s4+s24], $0x80, s3, s24, $0xb8;
	[tilespmem:$0x1ED80] =	vst v63  }
0x58: {  	_ =	swait.ge [sflag:s26], $0x2800  }
0x59: {  	[sflag:s26] =	ssyncset.done $0x0  }
0x5a: {  	[sflag:s26] =	ssyncadd.s32 $0xFFFFD800  }
0x5b: {  	[hbm4b:s29+s3] =	stream.linear.scatter [tilespmem:s25], [sflag:$0x2], $0x2800, $0x38;
	[tilespmem:$0x1ED80] =	vst v63  }
0x5c: {  	_ =	swait.ge [sflag:s21], $0x2800  }
0x5d: {  	[sflag:s21] =	ssyncset.done $0x0  }
0x5e: {  	[sflag:s21] =	ssyncadd.s32 $0xFFFFD800  }
0x5f: {  	[spmem:s2] =	stream.indirect.scatter.add.f32 [tilespmem:s25], [sflag:$0x2], $0x80, s22, s24, $0xb8;
	[tilespmem:$0x1ED80] =	vst v63  }
0x60: {  	_ =	swait.ge [sflag:s21], $0x2800  }
.Ltmp0:
0x61: {  	[sflag:s21] =	ssyncset.done $0x0;
	(pc) =	sbr.rel @p1 .LBB2_2-.Ltmp0, $4  }
0x62: {  	[sflag:s21] =	ssyncadd.s32 $0xFFFFD800  }
0x63: {  	[spmem:s2] =	stream.indirect.scatter.add.f32 [tilespmem:s23], [sflag:$0x2], $0x80, s22, s24, $0xb8;
	[tilespmem:$0x1ED80] =	vst v63  }
0x64: {  	s0 =	smov.u32 s11;
	_ =	swait.ge [sflag:s21], $0x2800  }
0x65: {  	s30 =	sadd.s32 $0x500, s30;
	s29 =	sadd.s32 $0x500, s29;
	[sflag:s21] =	ssyncset.done $0x0  }
0x66: {  	s0 =	sadd.s32 s31, s20;
	[sflag:s21] =	ssyncadd.s32 $0xFFFFD800  }
0x67: {  	[tilespmem:s3], [sflag:$0x2] =	stream.linear.gather [hbm4b:s0+s3], $0x50, $0x38;
	[tilespmem:$0x1ED80] =	vst v63  }
0x68: {  	_ =	swait.ge [sflag:s21], $0x50  }
0x69: {  	[sflag:s21] =	ssyncset.done $0x0  }
0x6a: {  	s31 =	sadd.s32 s31, s19;
	[sflag:s21] =	ssyncadd.s32 $0xFFFFFFB0  }
0x6b: {  	[tilespmem:s22], [sflag:$0x2] =	stream.linear.gather [hbm4b:s31+s3], $0x50, $0x38;
	[tilespmem:$0x1ED80] =	vst v63  }
0x6c: {  	_ =	swait.ge [sflag:s21], $0x50  }
0x6d: {  	[sflag:s21] =	ssyncset.done $0x0  }
0x6e: {  	[sflag:s21] =	ssyncadd.s32 $0xFFFFFFB0  }
0x6f: {  	[tilespmem:s23], [sflag:$0x2] =	stream.linear.gather [hbm4b:s30+s3], $0x2800, $0x38;
	[tilespmem:$0x1ED80] =	vst v63  }
0x70: {  	_ =	swait.ge [sflag:s21], $0x2800  }
0x71: {  	[sflag:s21] =	ssyncset.done $0x0  }
0x72: {  	[sflag:s21] =	ssyncadd.s32 $0xFFFFD800  }
0x73: {  	[tilespmem:s25], [sflag:$0x1] =	stream.indirect.gather [hbm4b:s4+s24], $0x80, s3, s24, $0xb8;
	[tilespmem:$0x1ED80] =	vst v63  }
0x74: {  	_ =	swait.ge [sflag:s26], $0x2800  }
0x75: {  	[sflag:s26] =	ssyncset.done $0x0  }
0x76: {  	[sflag:s26] =	ssyncadd.s32 $0xFFFFD800  }
0x77: {  	[hbm4b:s29+s3] =	stream.linear.scatter [tilespmem:s25], [sflag:$0x2], $0x2800, $0x38;
	[tilespmem:$0x1ED80] =	vst v63  }
0x78: {  	_ =	swait.ge [sflag:s21], $0x2800  }
0x79: {  	[sflag:s21] =	ssyncset.done $0x0  }
0x7a: {  	[sflag:s21] =	ssyncadd.s32 $0xFFFFD800  }
0x7b: {  	[spmem:s2] =	stream.indirect.scatter.add.f32 [tilespmem:s25], [sflag:$0x2], $0x80, s22, s24, $0xb8;
	[tilespmem:$0x1ED80] =	vst v63  }
0x7c: {  	_ =	swait.ge [sflag:s21], $0x2800  }
0x7d: {  	[sflag:s21] =	ssyncset.done $0x0  }
0x7e: {  	[sflag:s21] =	ssyncadd.s32 $0xFFFFD800  }
0x7f: {  	[spmem:s2] =	stream.indirect.scatter.add.f32 [tilespmem:s23], [sflag:$0x2], $0x80, s22, s24, $0xb8;
	[tilespmem:$0x1ED80] =	vst v63  }
0x80: {  	_ =	swait.ge [sflag:s21], $0x2800  }
0x81: {  	[sflag:s21] =	ssyncset.done $0x0  }
0x82: {  	[sflag:s21] =	ssyncadd.s32 $0xFFFFD800  }
0x83: {  	s1 =	simm.s32 @!p0 $0x2;
	s0 =	simm.s32 @!p0 $0x5100;
	[bflag:$0x0] =	sbarrier.arrive $0xFFFF  }
0x84: {  	[tilespmem:s0], [sflag:$0x2] =	stream.linear.gather @!p0 [spmem:s6], $0x6400, $0x38;
	[tilespmem:$0x1ED80] =	vst v63  }
0x85: {  	_ =	swait.ge @!p0 [sflag:s1], $0x6400  }
0x86: {  	[sflag:s1] =	ssyncset.done @!p0 $0x0  }
0x87: {  	s5 =	simm.s32 @!p0 $0x0;
	s11 =	rddreg [dreg:$0x4];
	[sflag:s1] =	ssyncadd.s32 @!p0 $0xFFFF9C00  }
0x88: {  	[hbm4b:s11+s5] =	stream.linear.scatter @!p0 [tilespmem:s0], [sflag:$0x2], $0x6400, $0x38;
	[tilespmem:$0x1ED80] =	vst v63  }
0x89: {  	_ =	swait.ge @!p0 [sflag:s1], $0x6400  }
0x8a: {  	[sflag:s1] =	ssyncset.done @!p0 $0x0  }
0x8b: {  	[sflag:s1] =	ssyncadd.s32 @!p0 $0xFFFF9C00  }
0x8c: {  	[tilespmem:s0], [sflag:$0x2] =	stream.linear.gather @!p0 [spmem:s7], $0x6400, $0x38;
	[tilespmem:$0x1ED80] =	vst v63  }
0x8d: {  	_ =	swait.ge @!p0 [sflag:s1], $0x6400  }
0x8e: {  	[sflag:s1] =	ssyncset.done @!p0 $0x0  }
0x8f: {  	[sflag:s1] =	ssyncadd.s32 @!p0 $0xFFFF9C00  }
0x90: {  	[hbm4b:s12+s5] =	stream.linear.scatter @!p0 [tilespmem:s0], [sflag:$0x2], $0x6400, $0x38;
	[tilespmem:$0x1ED80] =	vst v63  }
0x91: {  	_ =	swait.ge @!p0 [sflag:s1], $0x6400  }
0x92: {  	[sflag:s1] =	ssyncset.done @!p0 $0x0  }
0x93: {  	[sflag:s1] =	ssyncadd.s32 @!p0 $0xFFFF9C00  }
0x94: {  	[tilespmem:s0], [sflag:$0x2] =	stream.linear.gather @!p0 [spmem:s8], $0x6400, $0x38;
	[tilespmem:$0x1ED80] =	vst v63  }
0x95: {  	_ =	swait.ge @!p0 [sflag:s1], $0x6400  }
0x96: {  	[sflag:s1] =	ssyncset.done @!p0 $0x0  }
0x97: {  	[sflag:s1] =	ssyncadd.s32 @!p0 $0xFFFF9C00  }
0x98: {  	[hbm4b:s13+s5] =	stream.linear.scatter @!p0 [tilespmem:s0], [sflag:$0x2], $0x6400, $0x38;
	[tilespmem:$0x1ED80] =	vst v63  }
0x99: {  	_ =	swait.ge @!p0 [sflag:s1], $0x6400  }
0x9a: {  	[sflag:s1] =	ssyncset.done @!p0 $0x0  }
0x9b: {  	[sflag:s1] =	ssyncadd.s32 @!p0 $0xFFFF9C00  }
0x9c: {  	[tilespmem:s0], [sflag:$0x2] =	stream.linear.gather @!p0 [spmem:s9], $0x6400, $0x38;
	[tilespmem:$0x1ED80] =	vst v63  }
0x9d: {  	_ =	swait.ge @!p0 [sflag:s1], $0x6400  }
0x9e: {  	[sflag:s1] =	ssyncset.done @!p0 $0x0  }
0x9f: {  	[sflag:s1] =	ssyncadd.s32 @!p0 $0xFFFF9C00  }
0xa0: {  	[hbm4b:s14+s5] =	stream.linear.scatter @!p0 [tilespmem:s0], [sflag:$0x2], $0x6400, $0x38;
	[tilespmem:$0x1ED80] =	vst v63  }
0xa1: {  	_ =	swait.ge @!p0 [sflag:s1], $0x6400  }
0xa2: {  	[sflag:s1] =	ssyncset.done @!p0 $0x0  }
0xa3: {  	[sflag:s1] =	ssyncadd.s32 @!p0 $0xFFFF9C00  }
0xa4: {  	[tilespmem:s0], [sflag:$0x2] =	stream.linear.gather @!p0 [spmem:s10], $0x6400, $0x38;
	[tilespmem:$0x1ED80] =	vst v63  }
0xa5: {  	s28 =	sadd.s32 $0x1, s28;
	_ =	swait.ge @!p0 [sflag:s1], $0x6400  }
0xa6: {  	p1 =	sne.s32 s28, s17;
	[sflag:s1] =	ssyncset.done @!p0 $0x0  }
.Ltmp1:
0xa7: {  	[sflag:s1] =	ssyncadd.s32 @!p0 $0xFFFF9C00;
	(pc) =	sbr.rel @p1 .LBB2_1-.Ltmp1, $4  }
0xa8: {  	[hbm4b:s15+s5] =	stream.linear.scatter @!p0 [tilespmem:s0], [sflag:$0x2], $0x6400, $0x38;
	[tilespmem:$0x1ED80] =	vst v63  }
0xa9: {  	_ =	swait.ge @!p0 [sflag:s1], $0x6400  }
0xaa: {  	[sflag:s1] =	ssyncset.done @!p0 $0x0  }
0xab: {  	[sflag:s1] =	ssyncadd.s32 @!p0 $0xFFFF9C00  }
0xac: {  	_ =	sfence.sel $0x180000  }
0xad: {  	[bflag:$0x0] =	sbarrier.arrive $0xFFFF  }
0xae: {  	_ =	strace $0x90000047  }
0xaf: {  	s0 =	stileid.u32;
	[bflag:$0x2] =	sbarrier.arrive $0xFFFF  }
0xb0: {  	p0 =	sne.s32 s0, $0x0;
	s0 =	rddreg [dreg:$0x2]  }
0xb1: {  	s0 =	sadd.s32 @!p0 $0x100000, s0  }
0xb2: {  	[sflag:s0] =	ssyncadd.tile.s32 @!p0 $0x1;
	_ =	shalt  }
.Lfunc_end2:
_tile_overlayer_lowered:
.L_overlay_start_2:
0xb3: {  	(tag) =	ssettag $0x2  }
0xb4: {  	s0 =	rddreg [dreg:$0x0];
	s2 =	stileid.u32  }
0xb5: {  	s1 =	rddreg [dreg:$0x1];
	p0 =	sne.s32 s2, $0x0  }
0xb6: {  	s3 =	rddreg [dreg:$0x2];
	[bflag:$0x3] =	sbarrier.arrive $0xFFFF;
	s2 =	simm.s32 @!p0 $0x1C02  }
0xb7: {  	[timem:s3], [sflag:s2] =	dma.local @!p0 [hbm:s0], s1  }
0xb8: {  	s0 =	simm.s32 @!p0 $0x2  }
0xb9: {  	_ =	swait.ge @!p0 [sflag:s0], s1  }
0xba: {  	s1 =	ssub.s32 @!p0 $0x0, s1;
	[sflag:s0] =	ssyncset.done @!p0 $0x0  }
0xbb: {  	[sflag:s0] =	ssyncadd.s32 @!p0 s1  }
0xbc: {  	[bflag:$0x3] =	sbarrier.arrive $0xFFFF  }
0xbd: {  	_ =	shalt  }

// kernel: kernel.16.cloned.1.call-start
scs
__scs_entry_jumppad:
0x0: {  	(pc) =	sbr.rel $0x88, $3  }
0x1: {  	(tag) =	ssettag $0x0;
	lr =	simm.s32 $0x1  }
0x2: {  	[smem:$0x3F99] =	sst lr;
	_ =	strace $0xD0000000  }
0x3: {  	_ = 	snop  }
0x4: {  	_ = 	snop  }
0x5: {  	_ = 	snop  }
0x6: {  	_ = 	snop  }
0x7: {  	_ = 	snop  }
__scs_overlays_trampoline_lowered:
0x8: {  	[smem:$0x3FA8] =	sst s0  }
0x9: {  	[smem:$0x3FA9] =	sst s1  }
0xa: {  	[smem:$0x3FAA] =	sst s2  }
0xb: {  	[smem:$0x3FAB] =	sst s3  }
0xc: {  	[smem:$0x3FAC] =	sst s4  }
0xd: {  	[smem:$0x3FAD] =	sst s5  }
0xe: {  	[smem:$0x3FAE] =	sst s6  }
0xf: {  	[smem:$0x3FAF] =	sst s7  }
0x10: {  	[smem:$0x3FB0] =	sst s8  }
0x11: {  	[smem:$0x3FB1] =	sst s9;
	s0 =	simm.s32 @!p0 $0x0  }
0x12: {  	s1 =	sld [smem:$0x3F97];
	s0 =	simm.s32 @p0 $0x1  }
0x13: {  	[smem:$0x3FB2] =	sst s0;
	s0 =	simm.s32 @!p1 $0x0  }
0x14: {  	s2 =	sld [smem:$0x3F96];
	s0 =	simm.s32 @p1 $0x1  }
0x15: {  	[smem:$0x3FB3] =	sst s0;
	s0 =	simm.s32 @!p2 $0x0  }
0x16: {  	s3 =	sld [smem:$0x3FDB];
	s0 =	simm.s32 @p2 $0x1  }
0x17: {  	s4 =	simm.s32 $0x1BF5;
	[smem:$0x3FB5] =	sst s0  }
0x18: {  	s0 =	sld [smem:$0x3F98];
	_ =	swait.ge [sflag:s4], $0x0  }
0x19: {  	s7 =	sld [smem:$0x3F99]  }
0x1a: {  	s8 =	sadd.s32 $0xFFFFE003, lr  }
0x1b: {  	s9 =	sadd.s32 $0xFFFFFEF7, lr;
	s5 =	simm.s32 $0xFFFFFFFF;
	p2 =	slt.u32 s8, $0xFFFFF086  }
0x1c: {  	p1 =	slt.u32 s9, $0xF7A;
	s5 =	simm.s32 @!p2 $0x0  }
0x1d: {  	s5 =	simm.s32 @p1 $0x1;
	p0 =	seq.s32 s7, s2  }
0x1e: {  	s7 =	smul.u32 @!p0 $0xF7A, s2;
	p2 =	seq.s32 @!p0 s5, $0x0  }
0x1f: {  	s9 =	smul.u32 $0xF7A, s1;
	s8 =	simm.s32 @!p0 $0x1BF5;
	p2 =	por !p2, p0  }
0x20: {  	[sflag:s8] =	ssyncset.s32 @!p0 $0xFFFFF086;
	s6 =	sadd.s32 @!p0 s3, s7;
	s7 =	simm.s32 @!p0 $0x108  }
0x21: {  	s3 =	sadd.s32 s3, s9;
	s6 =	sadd.s32 @!p0 $0x88, s6;
	s7 =	simm.s32 @p2 $0x1082  }
0x22: {  	[simem:s7], [sflag:s8] =	dma.local @!p0 [hbm:s6], $0xF7A  }
0x23: {  	s9 =	sor.u32 $0xD0000000, s2;
	s6 =	simm.s32 $0x108;
	_ =	swait.ge @!p0 [sflag:s8], $0x0  }
0x24: {  	s3 =	sadd.s32 $0x88, s3;
	s6 =	simm.s32 @!p1 $0x1082;
	[sflag:s4] =	ssyncset.s32 $0xFFFFF086  }
0x25: {  	[simem:s6], [sflag:s4] =	dma.local [hbm:s3], $0xF7A  }
0x26: {  	[smem:$0x3F99] =	sst s1;
	(tag) =	ssettag s2;
	_ =	strace s9  }
0x27: {  	s1 =	sld [smem:$0x3FA9]  }
0x28: {  	s2 =	sld [smem:$0x3FAA]  }
0x29: {  	s4 =	sld [smem:$0x3FAC]  }
0x2a: {  	p0 =	seq.s32 s5, $0x0;
	s5 =	sld [smem:$0x3FAD]  }
0x2b: {  	s6 =	sld [smem:$0x3FAE]  }
0x2c: {  	s7 =	sld [smem:$0x3FAF]  }
0x2d: {  	s3 =	simm.s32 $0x108;
	s8 =	sld [smem:$0x3FB0]  }
0x2e: {  	s3 =	simm.s32 @!p0 $0x1082;
	s9 =	sld [smem:$0x3FB1]  }
0x2f: {  	lr =	sadd.s32 s0, s3;
	s0 =	sld [smem:$0x3FA8]  }
0x30: {  	s3 =	sld [smem:$0x3FAB]  }
0x31: {  	[smem:$0x3FB4] =	sst s10  }
0x32: {  	s10 =	sld [smem:$0x3FB2];
	_ =	sdelay $0x3  }
0x33: {  	p0 =	seq.s32 s10, $0x1;
	s10 =	sld [smem:$0x3FB4];
	_ =	sdelay $0x3  }
0x34: {  	[smem:$0x3FB4] =	sst s10  }
0x35: {  	s10 =	sld [smem:$0x3FB3];
	_ =	sdelay $0x3  }
0x36: {  	p1 =	seq.s32 s10, $0x1;
	s10 =	sld [smem:$0x3FB4];
	_ =	sdelay $0x3  }
0x37: {  	[smem:$0x3FB4] =	sst s10  }
0x38: {  	s10 =	sld [smem:$0x3FB5]  }
0x39: {  	_ = 	snop;
	(pc) =	sbr.ind lr, $3  }
0x3a: {  	_ = 	snop  }
0x3b: {  	_ = 	snop  }
0x3c: {  	p2 =	seq.s32 s10, $0x1;
	s10 =	sld [smem:$0x3FB4]  }
0x3d: {  	_ =	shalt  }
0x3e: {  	_ =	shalt  }
0x3f: {  	_ =	shalt  }
0x40: {  	_ =	shalt  }
0x41: {  	_ =	shalt  }
0x42: {  	_ =	shalt  }
0x43: {  	_ =	shalt  }
0x44: {  	_ =	shalt  }
0x45: {  	_ =	shalt  }
0x46: {  	_ =	shalt  }
0x47: {  	_ =	shalt  }
0x48: {  	_ =	shalt  }
0x49: {  	_ =	shalt  }
0x4a: {  	_ =	shalt  }
0x4b: {  	_ =	shalt  }
0x4c: {  	_ =	shalt  }
0x4d: {  	_ =	shalt  }
0x4e: {  	_ =	shalt  }
0x4f: {  	_ =	shalt  }
0x50: {  	_ =	shalt  }
0x51: {  	_ =	shalt  }
0x52: {  	_ =	shalt  }
0x53: {  	_ =	shalt  }
0x54: {  	_ =	shalt  }
0x55: {  	_ =	shalt  }
0x56: {  	_ =	shalt  }
0x57: {  	_ =	shalt  }
0x58: {  	_ =	shalt  }
0x59: {  	_ =	shalt  }
0x5a: {  	_ =	shalt  }
0x5b: {  	_ =	shalt  }
0x5c: {  	_ =	shalt  }
0x5d: {  	_ =	shalt  }
0x5e: {  	_ =	shalt  }
0x5f: {  	_ =	shalt  }
0x60: {  	_ =	shalt  }
0x61: {  	_ =	shalt  }
0x62: {  	_ =	shalt  }
0x63: {  	_ =	shalt  }
0x64: {  	_ =	shalt  }
0x65: {  	_ =	shalt  }
0x66: {  	_ =	shalt  }
0x67: {  	_ =	shalt  }
0x68: {  	_ =	shalt  }
0x69: {  	_ =	shalt  }
0x6a: {  	_ =	shalt  }
0x6b: {  	_ =	shalt  }
0x6c: {  	_ =	shalt  }
0x6d: {  	_ =	shalt  }
0x6e: {  	_ =	shalt  }
0x6f: {  	_ =	shalt  }
0x70: {  	_ =	shalt  }
0x71: {  	_ =	shalt  }
0x72: {  	_ =	shalt  }
0x73: {  	_ =	shalt  }
0x74: {  	_ =	shalt  }
0x75: {  	_ =	shalt  }
0x76: {  	_ =	shalt  }
0x77: {  	_ =	shalt  }
0x78: {  	_ =	shalt  }
0x79: {  	_ =	shalt  }
0x7a: {  	_ =	shalt  }
0x7b: {  	_ =	shalt  }
0x7c: {  	_ =	shalt  }
0x7d: {  	_ =	shalt  }
0x7e: {  	_ =	shalt  }
0x7f: {  	_ =	shalt  }
0x80: {  	_ =	shalt  }
0x81: {  	_ =	shalt  }
0x82: {  	_ =	shalt  }
0x83: {  	_ =	shalt  }
0x84: {  	_ =	shalt  }
0x85: {  	_ =	shalt  }
0x86: {  	_ =	shalt  }
0x87: {  	_ =	shalt  }
.Lfunc_end0:
.L_simem_size_0:
called_computation.2_lowered:
.L_overlay_start_0:
0x88: {  	s2 =	sld [smem:$0x3FD9]  }
0x89: {  	s3 =	sld [smem:$0x3FFE];
	_ =	sdelay $0x1  }
0x8a: {  	s1 =	srdreg.scid  }
0x8b: {  	s0 =	sand.u32 $0x1, s1  }
0x8c: {  	s16 =	sshll.u32 s0, $0xA;
	s2 =	sadd.s32 s3, s2  }
0x8d: {  	s2 =	sadd.s32 s2, s16  }
0x8e: {  	[smem:$0x3FC0] =	sst s2  }
0x8f: {  	_ = 	snop  }
0x90: {  	(tm) =	ssettm $0x1  }
0x91: {  	s17 =	sld [smem:$0x3FFB];
	_ =	sdelay $0x3  }
0x92: {  	_ =	strace s17  }
0x93: {  	s2 =	sld [smem:$0x3FFC];
	_ =	sdelay $0x3  }
0x94: {  	_ =	strace s2  }
0x95: {  	s2 =	sld [smem:$0x3FFD];
	_ =	sdelay $0x3  }
0x96: {  	_ =	strace s2  }
0x97: {  	_ =	strace $0x8FFFFFFF  }
0x98: {  	s18 =	sld [smem:$0x3FDB];
	_ =	sdelay $0x1  }
0x99: {  	s19 =	simm.s32 $_scs_section_size  }
0x9a: {  	s4 =	simm.s32 $_size__tile_overlayer_lowered;
	s5 =	simm.s32 $_tile_overlayer_lowered  }
0x9b: {  	s22 =	simm.s32 $0x1BFF;
	s21 =	sshll.u32 s5, $0x1;
	s2 =	sadd.s32 s19, s18  }
0x9c: {  	s6 =	simm.s32 $0x0;
	s20 =	sshll.u32 s4, $0x1;
	s4 =	sadd.s32 s21, s2  }
0x9d: {  	[timem:s6], [sflag:s22] =	dma.local [hbm:s4], s20  }
0x9e: {  	_ =	swait.ge [sflag:s22], s20  }
0x9f: {  	s3 =	ssub.s32 $0x0, s20;
	[sflag:s22] =	ssyncset.done $0x0  }
0xa0: {  	[sflag:s22] =	ssyncadd.s32 s3;
	_ =	sdelay $0x1  }
0xa1: {  	s23 =	simm.s32 $0x1B8B  }
0xa2: {  	_ =	swait.ge [sflag:s23], $0x1  }
0xa3: {  	[sflag:s23] =	ssyncset.done $0x0  }
0xa4: {  	s25 =	simm.s32 $0x1B8E;
	s24 =	sld [smem:$0x3FFE];
	[sflag:s23] =	ssyncadd.s32 $0xFFFFFFFF  }
0xa5: {  	s26 =	simm.s32 $execute0_lowered;
	[smem:$0x3FD2] =	sst s25  }
0xa6: {  	s4 =	sshll.u32 s26, $0x1;
	_ =	strace $0x80000049;
	[dreg:$0x1] =	wrdreg $0xFFFFFFFF  }
0xa7: {  	s28 =	simm.s32 $_size_execute0_lowered;
	s2 =	sadd.s32 s2, s4;
	[dreg:$0x0] =	wrdreg $0x0  }
0xa8: {  	s4 =	sshll.u32 s28, $0x1;
	[dreg:$0x2] =	wrdreg s2  }
0xa9: {  	[dreg:$0x3] =	wrdreg s4  }
0xaa: {  	[dreg:$0x4] =	wrdreg $0xC0  }
0xab: {  	_ =	task [dreg:s6], $0x5FFFF  }
0xac: {  	[dreg:$0x1] =	wrdreg $0xFFFFFFFF  }
0xad: {  	[dreg:$0x0] =	wrdreg $0x60  }
0xae: {  	[dreg:$0x2] =	wrdreg s24  }
0xaf: {  	[dreg:$0x3] =	wrdreg $0xB5000  }
0xb0: {  	[dreg:$0x4] =	wrdreg $0xA  }
0xb1: {  	_ =	task.clear_ibuf [dreg:s6], $0x5FFFF;
	_ =	strace $0x90000049  }
0xb2: {  	s29 =	simm.s32 $0xA;
	_ =	strace $0x8000004B  }
0xb3: {  	_ =	swait.ge [sflag:s29], $0x1  }
0xb4: {  	[sflag:s29] =	ssyncadd.s32 $0xFFFFFFFF  }
0xb5: {  	_ =	strace $0x9000004B  }
0xb6: {  	_ =	sfence  }
0xb7: {  	s30 =	sld [smem:$0x0];
	_ =	sdelay $0x2  }
0xb8: {  	s31 =	sshll.u32 s1, $0xD;
	s1 =	sshrl.u32 s1, $0x2  }
0xb9: {  	s3 =	sand.u32 $0x4000, s31;
	s1 =	sadd.s32 s1, s30  }
0xba: {  	s0 =	sor.u32 s3, s0;
	s1 =	sshll.u32 s1, $0x11  }
0xbb: {  	s0 =	sor.u32 s1, s0  }
0xbc: {  	s0 =	sadd.s32 $0x8F2B, s0  }
0xbd: {  	[sflag:s0] =	ssyncadd.remote.s32 $0x1  }
0xbe: {  	_ =	sfence.sel $0xFFFF  }
0xbf: {  	[dreg:$0x0] =	wrdreg $0xFFFFFFFF;
	(pc) =	sbr.abs _section_cstart, $3  }
0xc0: {  	[dreg:$0x1] =	wrdreg $0xFFFFFFFF  }
0xc1: {  	_ =	task.clear_ibuf [dreg:s6], $0x2FFFF;
	_ =	strace $0x9FFFFFFF  }
0xc2: {  	(tm) =	ssettm $0x7FFFFFFF  }
0xc3: {  	_ =	shalt  }
tec
execute0_lowered:
.L_overlay_start_1:
0x0: {  	(tag) =	ssettag $0x1  }
0x1: {  	s0 =	rddreg [dreg:$0x0];
	s1 =	srdreg.scid  }
0x2: {  	s2 =	rddreg [dreg:$0x1];
	s24 =	stileid.u32;
	s3 =	simm.s32 $0x0  }
0x3: {  	s21 =	simm.s32 $0x2;
	s22 =	simm.s32 $0x80;
	s4 =	smul.u32 $0x4E20, s24  }
0x4: {  	s23 =	simm.s32 $0x100;
	s28 =	simm.s32 $0x0;
	s7 =	smul.u32 $0x4E200, s24  }
0x5: {  	s12 =	sand.u32 $0x1, s1;
	[smem:$0x7FF] =	sst s3;
	s8 =	smul.u32 $0x3E8, s24  }
0x6: {  	s25 =	sadd.s32 $0x3F400, s0;
	s9 =	smul.u32 $0x7D000, s24;
	p0 =	sgt.u32 s24, $0x9  }
0x7: {  	s24 =	simm.s32 $0x50;
	s6 =	smul.u32 $0x2710, s12;
	_ =	strace $0x8000004A  }
0x8: {  	[dreg:$0x3] =	wrdreg s25;
	s26 =	ssub.s32 $0x2, s12;
	s18 =	smul.u32 $0x27100, s12  }
0x9: {  	s25 =	simm.s32 $0x2900;
	s17 =	sadd.s32 s7, s0;
	s29 =	sshrl.u32 s26, $0x1  }
0xa: {  	s9 =	sshrl.u32 s9, $0x2;
	s5 =	sadd.s32 s6, s4;
	s4 =	sadd.s32 $0x18200, s0  }
0xb: {  	s6 =	sadd.s32 s8, s6;
	s16 =	ssub.s32 s26, s29;
	s31 =	sadd.s32 s18, s17  }
0xc: {  	s26 =	simm.s32 $0x1;
	s5 =	sshrl.u32 s5, $0x3;
	s6 =	sshll.u32 s6, $0x4  }
0xd: {  	s16 =	smax.u32 s16, $0x1;
	s17 =	sadd.s32 $0x13A0200, s31;
	s18 =	sadd.s32 $0xDD600, s31  }
0xe: {  	s20 =	sadd.s32 s5, s0;
	s0 =	sadd.s32 s6, s0;
	s6 =	sadd.s32 s9, s2  }
0xf: {  	s7 =	sadd.s32 $0x6400, s6;
	s8 =	sadd.s32 $0xC800, s6;
	s9 =	sadd.s32 $0x12C00, s6  }
0x10: {  	s10 =	sadd.s32 $0x19000, s6;
	s30 =	sadd.s32 $0x8F400, s0;
	s12 =	sadd.s32 $0x90080, s0  }
0x11: {  	s13 =	sadd.s32 $0x90D00, s0;
	s14 =	sadd.s32 $0x91980, s0;
	s15 =	sadd.s32 $0x92600, s0  }
0x12: {  	s19 =	sadd.s32 $0x4600, s20;
	s20 =	sadd.s32 $0xE400, s20;
	[dreg:$0x4] =	wrdreg s30  }
.LBB2_1:
0x13: {  	s0 =	simm.s32 @!p0 $0x0;
	s29 =	simm.s32 @!p0 $0x5100;
	s1 =	rddreg [dreg:$0x3]  }
0x14: {  	[tilespmem:s29], [sflag:$0x2] =	stream.linear.gather @!p0 [hbm4b:s1+s0], $0x6400, $0x38;
	[tilespmem:$0x1ED80] =	vst v63  }
0x15: {  	s0 =	simm.s32 @!p0 $0x2  }
0x16: {  	_ =	swait.ge @!p0 [sflag:s0], $0x6400  }
0x17: {  	[sflag:s0] =	ssyncset.done @!p0 $0x0  }
0x18: {  	[sflag:s0] =	ssyncadd.s32 @!p0 $0xFFFF9C00  }
0x19: {  	[spmem:s6] =	stream.linear.scatter @!p0 [tilespmem:s29], [sflag:$0x2], $0x6400, $0x38;
	[tilespmem:$0x1ED80] =	vst v63  }
0x1a: {  	_ =	swait.ge @!p0 [sflag:s0], $0x6400  }
0x1b: {  	[sflag:s0] =	ssyncset.done @!p0 $0x0  }
0x1c: {  	[sflag:s0] =	ssyncadd.s32 @!p0 $0xFFFF9C00  }
0x1d: {  	[spmem:s7] =	stream.linear.scatter @!p0 [tilespmem:s29], [sflag:$0x2], $0x6400, $0x38;
	[tilespmem:$0x1ED80] =	vst v63  }
0x1e: {  	_ =	swait.ge @!p0 [sflag:s0], $0x6400  }
0x1f: {  	[sflag:s0] =	ssyncset.done @!p0 $0x0  }
0x20: {  	[sflag:s0] =	ssyncadd.s32 @!p0 $0xFFFF9C00  }
0x21: {  	[spmem:s8] =	stream.linear.scatter @!p0 [tilespmem:s29], [sflag:$0x2], $0x6400, $0x38;
	[tilespmem:$0x1ED80] =	vst v63  }
0x22: {  	_ =	swait.ge @!p0 [sflag:s0], $0x6400  }
0x23: {  	[sflag:s0] =	ssyncset.done @!p0 $0x0  }
0x24: {  	[sflag:s0] =	ssyncadd.s32 @!p0 $0xFFFF9C00  }
0x25: {  	[spmem:s9] =	stream.linear.scatter @!p0 [tilespmem:s29], [sflag:$0x2], $0x6400, $0x38;
	[tilespmem:$0x1ED80] =	vst v63  }
0x26: {  	_ =	swait.ge @!p0 [sflag:s0], $0x6400  }
0x27: {  	[sflag:s0] =	ssyncset.done @!p0 $0x0  }
0x28: {  	[sflag:s0] =	ssyncadd.s32 @!p0 $0xFFFF9C00  }
0x29: {  	[spmem:s10] =	stream.linear.scatter @!p0 [tilespmem:s29], [sflag:$0x2], $0x6400, $0x38;
	[tilespmem:$0x1ED80] =	vst v63  }
0x2a: {  	_ =	swait.ge @!p0 [sflag:s0], $0x6400  }
0x2b: {  	[sflag:s0] =	ssyncset.done @!p0 $0x0  }
0x2c: {  	[sflag:s0] =	ssyncadd.s32 @!p0 $0xFFFF9C00  }
0x2d: {  	s5 =	sadd.s32 $0x0, s20;
	[bflag:$0x0] =	sbarrier.arrive $0xFFFF  }
0x2e: {  	[tilespmem:s3], [sflag:$0x2] =	stream.linear.gather [hbm4b:s5+s3], $0x50, $0x38;
	[tilespmem:$0x1ED80] =	vst v63  }
0x2f: {  	_ =	swait.ge [sflag:s21], $0x50  }
0x30: {  	[sflag:s21] =	ssyncset.done $0x0  }
0x31: {  	s11 =	sadd.s32 $0x0, s19;
	[sflag:s21] =	ssyncadd.s32 $0xFFFFFFB0  }
0x32: {  	[tilespmem:s22], [sflag:$0x2] =	stream.linear.gather [hbm4b:s11+s3], $0x50, $0x38;
	[tilespmem:$0x1ED80] =	vst v63  }
0x33: {  	_ =	swait.ge [sflag:s21], $0x50  }
0x34: {  	[sflag:s21] =	ssyncset.done $0x0  }
0x35: {  	[sflag:s21] =	ssyncadd.s32 $0xFFFFFFB0  }
0x36: {  	[tilespmem:s23], [sflag:$0x2] =	stream.linear.gather [hbm4b:s17+s3], $0x2800, $0x38;
	[tilespmem:$0x1ED80] =	vst v63  }
0x37: {  	_ =	swait.ge [sflag:s21], $0x2800  }
0x38: {  	[sflag:s21] =	ssyncset.done $0x0  }
0x39: {  	[sflag:s21] =	ssyncadd.s32 $0xFFFFD800  }
0x3a: {  	[tilespmem:s25], [sflag:$0x1] =	stream.indirect.gather [hbm4b:s4+s24], $0x80, s3, s24, $0xb8;
	[tilespmem:$0x1ED80] =	vst v63  }
0x3b: {  	_ =	swait.ge [sflag:s26], $0x2800  }
0x3c: {  	[sflag:s26] =	ssyncset.done $0x0  }
0x3d: {  	[sflag:s26] =	ssyncadd.s32 $0xFFFFD800  }
0x3e: {  	[hbm4b:s18+s3] =	stream.linear.scatter [tilespmem:s25], [sflag:$0x2], $0x2800, $0x38;
	[tilespmem:$0x1ED80] =	vst v63  }
0x3f: {  	_ =	swait.ge [sflag:s21], $0x2800  }
0x40: {  	[sflag:s21] =	ssyncset.done $0x0  }
0x41: {  	[sflag:s21] =	ssyncadd.s32 $0xFFFFD800  }
0x42: {  	[spmem:s2] =	stream.indirect.scatter.add.f32 [tilespmem:s25], [sflag:$0x2], $0x80, s22, s24, $0xb8;
	[tilespmem:$0x1ED80] =	vst v63  }
0x43: {  	_ =	swait.ge [sflag:s21], $0x2800  }
0x44: {  	[sflag:s21] =	ssyncset.done $0x0  }
0x45: {  	[sflag:s21] =	ssyncadd.s32 $0xFFFFD800  }
0x46: {  	[spmem:s2] =	stream.indirect.scatter.add.f32 [tilespmem:s23], [sflag:$0x2], $0x80, s22, s24, $0xb8;
	[tilespmem:$0x1ED80] =	vst v63  }
0x47: {  	s31 =	simm.s32 $0xA;
	s30 =	sadd.s32 $0x500, s17;
	_ =	swait.ge [sflag:s21], $0x2800  }
0x48: {  	s29 =	sadd.s32 $0x500, s18;
	s0 =	simm.s32 $0x14;
	[sflag:s21] =	ssyncset.done $0x0  }
.LBB2_2:
0x49: {  	s1 =	sadd.s32 s31, s20  }
0x4a: {  	[sflag:s21] =	ssyncadd.s32 $0xFFFFD800;
	s5 =	smov.u32 s0;
	s11 =	sadd.s32 $0xA, s0  }
0x4b: {  	[tilespmem:s3], [sflag:$0x2] =	stream.linear.gather [hbm4b:s1+s3], $0x50, $0x38;
	[tilespmem:$0x1ED80] =	vst v63  }
0x4c: {  	p1 =	sne.s32 s0, $0x4D8;
	_ =	swait.ge [sflag:s21], $0x50  }
0x4d: {  	[sflag:s21] =	ssyncset.done $0x0  }
0x4e: {  	s0 =	sadd.s32 s31, s19;
	s31 =	smov.u32 s5;
	[sflag:s21] =	ssyncadd.s32 $0xFFFFFFB0  }
0x4f: {  	[tilespmem:s22], [sflag:$0x2] =	stream.linear.gather [hbm4b:s0+s3], $0x50, $0x38;
	[tilespmem:$0x1ED80] =	vst v63  }
0x50: {  	_ =	swait.ge [sflag:s21], $0x50  }
0x51: {  	[sflag:s21] =	ssyncset.done $0x0  }
0x52: {  	[sflag:s21] =	ssyncadd.s32 $0xFFFFFFB0  }
0x53: {  	[tilespmem:s23], [sflag:$0x2] =	stream.linear.gather [hbm4b:s30+s3], $0x2800, $0x38;
	[tilespmem:$0x1ED80] =	vst v63  }
0x54: {  	_ =	swait.ge [sflag:s21], $0x2800  }
0x55: {  	[sflag:s21] =	ssyncset.done $0x0  }
0x56: {  	[sflag:s21] =	ssyncadd.s32 $0xFFFFD800  }
0x57: {  	[tilespmem:s25], [sflag:$0x1] =	stream.indirect.gather [hbm4b:s4+s24], $0x80, s3, s24, $0xb8;
	[tilespmem:$0x1ED80] =	vst v63  }
0x58: {  	_ =	swait.ge [sflag:s26], $0x2800  }
0x59: {  	[sflag:s26] =	ssyncset.done $0x0  }
0x5a: {  	[sflag:s26] =	ssyncadd.s32 $0xFFFFD800  }
0x5b: {  	[hbm4b:s29+s3] =	stream.linear.scatter [tilespmem:s25], [sflag:$0x2], $0x2800, $0x38;
	[tilespmem:$0x1ED80] =	vst v63  }
0x5c: {  	_ =	swait.ge [sflag:s21], $0x2800  }
0x5d: {  	[sflag:s21] =	ssyncset.done $0x0  }
0x5e: {  	[sflag:s21] =	ssyncadd.s32 $0xFFFFD800  }
0x5f: {  	[spmem:s2] =	stream.indirect.scatter.add.f32 [tilespmem:s25], [sflag:$0x2], $0x80, s22, s24, $0xb8;
	[tilespmem:$0x1ED80] =	vst v63  }
0x60: {  	_ =	swait.ge [sflag:s21], $0x2800  }
.Ltmp0:
0x61: {  	[sflag:s21] =	ssyncset.done $0x0;
	(pc) =	sbr.rel @p1 .LBB2_2-.Ltmp0, $4  }
0x62: {  	[sflag:s21] =	ssyncadd.s32 $0xFFFFD800  }
0x63: {  	[spmem:s2] =	stream.indirect.scatter.add.f32 [tilespmem:s23], [sflag:$0x2], $0x80, s22, s24, $0xb8;
	[tilespmem:$0x1ED80] =	vst v63  }
0x64: {  	s0 =	smov.u32 s11;
	_ =	swait.ge [sflag:s21], $0x2800  }
0x65: {  	s30 =	sadd.s32 $0x500, s30;
	s29 =	sadd.s32 $0x500, s29;
	[sflag:s21] =	ssyncset.done $0x0  }
0x66: {  	s0 =	sadd.s32 s31, s20;
	[sflag:s21] =	ssyncadd.s32 $0xFFFFD800  }
0x67: {  	[tilespmem:s3], [sflag:$0x2] =	stream.linear.gather [hbm4b:s0+s3], $0x50, $0x38;
	[tilespmem:$0x1ED80] =	vst v63  }
0x68: {  	_ =	swait.ge [sflag:s21], $0x50  }
0x69: {  	[sflag:s21] =	ssyncset.done $0x0  }
0x6a: {  	s31 =	sadd.s32 s31, s19;
	[sflag:s21] =	ssyncadd.s32 $0xFFFFFFB0  }
0x6b: {  	[tilespmem:s22], [sflag:$0x2] =	stream.linear.gather [hbm4b:s31+s3], $0x50, $0x38;
	[tilespmem:$0x1ED80] =	vst v63  }
0x6c: {  	_ =	swait.ge [sflag:s21], $0x50  }
0x6d: {  	[sflag:s21] =	ssyncset.done $0x0  }
0x6e: {  	[sflag:s21] =	ssyncadd.s32 $0xFFFFFFB0  }
0x6f: {  	[tilespmem:s23], [sflag:$0x2] =	stream.linear.gather [hbm4b:s30+s3], $0x2800, $0x38;
	[tilespmem:$0x1ED80] =	vst v63  }
0x70: {  	_ =	swait.ge [sflag:s21], $0x2800  }
0x71: {  	[sflag:s21] =	ssyncset.done $0x0  }
0x72: {  	[sflag:s21] =	ssyncadd.s32 $0xFFFFD800  }
0x73: {  	[tilespmem:s25], [sflag:$0x1] =	stream.indirect.gather [hbm4b:s4+s24], $0x80, s3, s24, $0xb8;
	[tilespmem:$0x1ED80] =	vst v63  }
0x74: {  	_ =	swait.ge [sflag:s26], $0x2800  }
0x75: {  	[sflag:s26] =	ssyncset.done $0x0  }
0x76: {  	[sflag:s26] =	ssyncadd.s32 $0xFFFFD800  }
0x77: {  	[hbm4b:s29+s3] =	stream.linear.scatter [tilespmem:s25], [sflag:$0x2], $0x2800, $0x38;
	[tilespmem:$0x1ED80] =	vst v63  }
0x78: {  	_ =	swait.ge [sflag:s21], $0x2800  }
0x79: {  	[sflag:s21] =	ssyncset.done $0x0  }
0x7a: {  	[sflag:s21] =	ssyncadd.s32 $0xFFFFD800  }
0x7b: {  	[spmem:s2] =	stream.indirect.scatter.add.f32 [tilespmem:s25], [sflag:$0x2], $0x80, s22, s24, $0xb8;
	[tilespmem:$0x1ED80] =	vst v63  }
0x7c: {  	_ =	swait.ge [sflag:s21], $0x2800  }
0x7d: {  	[sflag:s21] =	ssyncset.done $0x0  }
0x7e: {  	[sflag:s21] =	ssyncadd.s32 $0xFFFFD800  }
0x7f: {  	[spmem:s2] =	stream.indirect.scatter.add.f32 [tilespmem:s23], [sflag:$0x2], $0x80, s22, s24, $0xb8;
	[tilespmem:$0x1ED80] =	vst v63  }
0x80: {  	_ =	swait.ge [sflag:s21], $0x2800  }
0x81: {  	[sflag:s21] =	ssyncset.done $0x0  }
0x82: {  	[sflag:s21] =	ssyncadd.s32 $0xFFFFD800  }
0x83: {  	s1 =	simm.s32 @!p0 $0x2;
	s0 =	simm.s32 @!p0 $0x5100;
	[bflag:$0x0] =	sbarrier.arrive $0xFFFF  }
0x84: {  	[tilespmem:s0], [sflag:$0x2] =	stream.linear.gather @!p0 [spmem:s6], $0x6400, $0x38;
	[tilespmem:$0x1ED80] =	vst v63  }
0x85: {  	_ =	swait.ge @!p0 [sflag:s1], $0x6400  }
0x86: {  	[sflag:s1] =	ssyncset.done @!p0 $0x0  }
0x87: {  	s5 =	simm.s32 @!p0 $0x0;
	s11 =	rddreg [dreg:$0x4];
	[sflag:s1] =	ssyncadd.s32 @!p0 $0xFFFF9C00  }
0x88: {  	[hbm4b:s11+s5] =	stream.linear.scatter @!p0 [tilespmem:s0], [sflag:$0x2], $0x6400, $0x38;
	[tilespmem:$0x1ED80] =	vst v63  }
0x89: {  	_ =	swait.ge @!p0 [sflag:s1], $0x6400  }
0x8a: {  	[sflag:s1] =	ssyncset.done @!p0 $0x0  }
0x8b: {  	[sflag:s1] =	ssyncadd.s32 @!p0 $0xFFFF9C00  }
0x8c: {  	[tilespmem:s0], [sflag:$0x2] =	stream.linear.gather @!p0 [spmem:s7], $0x6400, $0x38;
	[tilespmem:$0x1ED80] =	vst v63  }
0x8d: {  	_ =	swait.ge @!p0 [sflag:s1], $0x6400  }
0x8e: {  	[sflag:s1] =	ssyncset.done @!p0 $0x0  }
0x8f: {  	[sflag:s1] =	ssyncadd.s32 @!p0 $0xFFFF9C00  }
0x90: {  	[hbm4b:s12+s5] =	stream.linear.scatter @!p0 [tilespmem:s0], [sflag:$0x2], $0x6400, $0x38;
	[tilespmem:$0x1ED80] =	vst v63  }
0x91: {  	_ =	swait.ge @!p0 [sflag:s1], $0x6400  }
0x92: {  	[sflag:s1] =	ssyncset.done @!p0 $0x0  }
0x93: {  	[sflag:s1] =	ssyncadd.s32 @!p0 $0xFFFF9C00  }
0x94: {  	[tilespmem:s0], [sflag:$0x2] =	stream.linear.gather @!p0 [spmem:s8], $0x6400, $0x38;
	[tilespmem:$0x1ED80] =	vst v63  }
0x95: {  	_ =	swait.ge @!p0 [sflag:s1], $0x6400  }
0x96: {  	[sflag:s1] =	ssyncset.done @!p0 $0x0  }
0x97: {  	[sflag:s1] =	ssyncadd.s32 @!p0 $0xFFFF9C00  }
0x98: {  	[hbm4b:s13+s5] =	stream.linear.scatter @!p0 [tilespmem:s0], [sflag:$0x2], $0x6400, $0x38;
	[tilespmem:$0x1ED80] =	vst v63  }
0x99: {  	_ =	swait.ge @!p0 [sflag:s1], $0x6400  }
0x9a: {  	[sflag:s1] =	ssyncset.done @!p0 $0x0  }
0x9b: {  	[sflag:s1] =	ssyncadd.s32 @!p0 $0xFFFF9C00  }
0x9c: {  	[tilespmem:s0], [sflag:$0x2] =	stream.linear.gather @!p0 [spmem:s9], $0x6400, $0x38;
	[tilespmem:$0x1ED80] =	vst v63  }
0x9d: {  	_ =	swait.ge @!p0 [sflag:s1], $0x6400  }
0x9e: {  	[sflag:s1] =	ssyncset.done @!p0 $0x0  }
0x9f: {  	[sflag:s1] =	ssyncadd.s32 @!p0 $0xFFFF9C00  }
0xa0: {  	[hbm4b:s14+s5] =	stream.linear.scatter @!p0 [tilespmem:s0], [sflag:$0x2], $0x6400, $0x38;
	[tilespmem:$0x1ED80] =	vst v63  }
0xa1: {  	_ =	swait.ge @!p0 [sflag:s1], $0x6400  }
0xa2: {  	[sflag:s1] =	ssyncset.done @!p0 $0x0  }
0xa3: {  	[sflag:s1] =	ssyncadd.s32 @!p0 $0xFFFF9C00  }
0xa4: {  	[tilespmem:s0], [sflag:$0x2] =	stream.linear.gather @!p0 [spmem:s10], $0x6400, $0x38;
	[tilespmem:$0x1ED80] =	vst v63  }
0xa5: {  	s28 =	sadd.s32 $0x1, s28;
	_ =	swait.ge @!p0 [sflag:s1], $0x6400  }
0xa6: {  	p1 =	sne.s32 s28, s16;
	[sflag:s1] =	ssyncset.done @!p0 $0x0  }
.Ltmp1:
0xa7: {  	[sflag:s1] =	ssyncadd.s32 @!p0 $0xFFFF9C00;
	(pc) =	sbr.rel @p1 .LBB2_1-.Ltmp1, $4  }
0xa8: {  	[hbm4b:s15+s5] =	stream.linear.scatter @!p0 [tilespmem:s0], [sflag:$0x2], $0x6400, $0x38;
	[tilespmem:$0x1ED80] =	vst v63  }
0xa9: {  	_ =	swait.ge @!p0 [sflag:s1], $0x6400  }
0xaa: {  	[sflag:s1] =	ssyncset.done @!p0 $0x0  }
0xab: {  	[sflag:s1] =	ssyncadd.s32 @!p0 $0xFFFF9C00  }
0xac: {  	_ =	sfence.sel $0x180000  }
0xad: {  	[bflag:$0x0] =	sbarrier.arrive $0xFFFF  }
0xae: {  	_ =	strace $0x9000004A  }
0xaf: {  	s0 =	stileid.u32;
	[bflag:$0x2] =	sbarrier.arrive $0xFFFF  }
0xb0: {  	p0 =	sne.s32 s0, $0x0;
	s0 =	rddreg [dreg:$0x2]  }
0xb1: {  	s0 =	sadd.s32 @!p0 $0x100000, s0  }
0xb2: {  	[sflag:s0] =	ssyncadd.tile.s32 @!p0 $0x1;
	_ =	shalt  }
.Lfunc_end2:
_tile_overlayer_lowered:
.L_overlay_start_2:
0xb3: {  	(tag) =	ssettag $0x2  }
0xb4: {  	s0 =	rddreg [dreg:$0x0];
	s2 =	stileid.u32  }
0xb5: {  	s1 =	rddreg [dreg:$0x1];
	p0 =	sne.s32 s2, $0x0  }
0xb6: {  	s3 =	rddreg [dreg:$0x2];
	[bflag:$0x3] =	sbarrier.arrive $0xFFFF;
	s2 =	simm.s32 @!p0 $0x1C02  }
0xb7: {  	[timem:s3], [sflag:s2] =	dma.local @!p0 [hbm:s0], s1  }
0xb8: {  	s0 =	simm.s32 @!p0 $0x2  }
0xb9: {  	_ =	swait.ge @!p0 [sflag:s0], s1  }
0xba: {  	s1 =	ssub.s32 @!p0 $0x0, s1;
	[sflag:s0] =	ssyncset.done @!p0 $0x0  }
0xbb: {  	[sflag:s0] =	ssyncadd.s32 @!p0 s1  }
0xbc: {  	[bflag:$0x3] =	sbarrier.arrive $0xFFFF  }
0xbd: {  	_ =	shalt  }

// kernel: kernel.19.cloned.1.call-start
scs
__scs_entry_jumppad:
0x0: {  	(pc) =	sbr.rel $0x88, $3  }
0x1: {  	(tag) =	ssettag $0x0;
	lr =	simm.s32 $0x1  }
0x2: {  	[smem:$0x3F99] =	sst lr;
	_ =	strace $0xD0000000  }
0x3: {  	_ = 	snop  }
0x4: {  	_ = 	snop  }
0x5: {  	_ = 	snop  }
0x6: {  	_ = 	snop  }
0x7: {  	_ = 	snop  }
__scs_overlays_trampoline_lowered:
0x8: {  	[smem:$0x3FA8] =	sst s0  }
0x9: {  	[smem:$0x3FA9] =	sst s1  }
0xa: {  	[smem:$0x3FAA] =	sst s2  }
0xb: {  	[smem:$0x3FAB] =	sst s3  }
0xc: {  	[smem:$0x3FAC] =	sst s4  }
0xd: {  	[smem:$0x3FAD] =	sst s5  }
0xe: {  	[smem:$0x3FAE] =	sst s6  }
0xf: {  	[smem:$0x3FAF] =	sst s7  }
0x10: {  	[smem:$0x3FB0] =	sst s8  }
0x11: {  	[smem:$0x3FB1] =	sst s9;
	s0 =	simm.s32 @!p0 $0x0  }
0x12: {  	s1 =	sld [smem:$0x3F97];
	s0 =	simm.s32 @p0 $0x1  }
0x13: {  	[smem:$0x3FB2] =	sst s0;
	s0 =	simm.s32 @!p1 $0x0  }
0x14: {  	s2 =	sld [smem:$0x3F96];
	s0 =	simm.s32 @p1 $0x1  }
0x15: {  	[smem:$0x3FB3] =	sst s0;
	s0 =	simm.s32 @!p2 $0x0  }
0x16: {  	s3 =	sld [smem:$0x3FDB];
	s0 =	simm.s32 @p2 $0x1  }
0x17: {  	s4 =	simm.s32 $0x1BF5;
	[smem:$0x3FB5] =	sst s0  }
0x18: {  	s0 =	sld [smem:$0x3F98];
	_ =	swait.ge [sflag:s4], $0x0  }
0x19: {  	s7 =	sld [smem:$0x3F99]  }
0x1a: {  	s8 =	sadd.s32 $0xFFFFE003, lr  }
0x1b: {  	s9 =	sadd.s32 $0xFFFFFEF7, lr;
	s5 =	simm.s32 $0xFFFFFFFF;
	p2 =	slt.u32 s8, $0xFFFFF086  }
0x1c: {  	p1 =	slt.u32 s9, $0xF7A;
	s5 =	simm.s32 @!p2 $0x0  }
0x1d: {  	s5 =	simm.s32 @p1 $0x1;
	p0 =	seq.s32 s7, s2  }
0x1e: {  	s7 =	smul.u32 @!p0 $0xF7A, s2;
	p2 =	seq.s32 @!p0 s5, $0x0  }
0x1f: {  	s9 =	smul.u32 $0xF7A, s1;
	s8 =	simm.s32 @!p0 $0x1BF5;
	p2 =	por !p2, p0  }
0x20: {  	[sflag:s8] =	ssyncset.s32 @!p0 $0xFFFFF086;
	s6 =	sadd.s32 @!p0 s3, s7;
	s7 =	simm.s32 @!p0 $0x108  }
0x21: {  	s3 =	sadd.s32 s3, s9;
	s6 =	sadd.s32 @!p0 $0x88, s6;
	s7 =	simm.s32 @p2 $0x1082  }
0x22: {  	[simem:s7], [sflag:s8] =	dma.local @!p0 [hbm:s6], $0xF7A  }
0x23: {  	s9 =	sor.u32 $0xD0000000, s2;
	s6 =	simm.s32 $0x108;
	_ =	swait.ge @!p0 [sflag:s8], $0x0  }
0x24: {  	s3 =	sadd.s32 $0x88, s3;
	s6 =	simm.s32 @!p1 $0x1082;
	[sflag:s4] =	ssyncset.s32 $0xFFFFF086  }
0x25: {  	[simem:s6], [sflag:s4] =	dma.local [hbm:s3], $0xF7A  }
0x26: {  	[smem:$0x3F99] =	sst s1;
	(tag) =	ssettag s2;
	_ =	strace s9  }
0x27: {  	s1 =	sld [smem:$0x3FA9]  }
0x28: {  	s2 =	sld [smem:$0x3FAA]  }
0x29: {  	s4 =	sld [smem:$0x3FAC]  }
0x2a: {  	p0 =	seq.s32 s5, $0x0;
	s5 =	sld [smem:$0x3FAD]  }
0x2b: {  	s6 =	sld [smem:$0x3FAE]  }
0x2c: {  	s7 =	sld [smem:$0x3FAF]  }
0x2d: {  	s3 =	simm.s32 $0x108;
	s8 =	sld [smem:$0x3FB0]  }
0x2e: {  	s3 =	simm.s32 @!p0 $0x1082;
	s9 =	sld [smem:$0x3FB1]  }
0x2f: {  	lr =	sadd.s32 s0, s3;
	s0 =	sld [smem:$0x3FA8]  }
0x30: {  	s3 =	sld [smem:$0x3FAB]  }
0x31: {  	[smem:$0x3FB4] =	sst s10  }
0x32: {  	s10 =	sld [smem:$0x3FB2];
	_ =	sdelay $0x3  }
0x33: {  	p0 =	seq.s32 s10, $0x1;
	s10 =	sld [smem:$0x3FB4];
	_ =	sdelay $0x3  }
0x34: {  	[smem:$0x3FB4] =	sst s10  }
0x35: {  	s10 =	sld [smem:$0x3FB3];
	_ =	sdelay $0x3  }
0x36: {  	p1 =	seq.s32 s10, $0x1;
	s10 =	sld [smem:$0x3FB4];
	_ =	sdelay $0x3  }
0x37: {  	[smem:$0x3FB4] =	sst s10  }
0x38: {  	s10 =	sld [smem:$0x3FB5]  }
0x39: {  	_ = 	snop;
	(pc) =	sbr.ind lr, $3  }
0x3a: {  	_ = 	snop  }
0x3b: {  	_ = 	snop  }
0x3c: {  	p2 =	seq.s32 s10, $0x1;
	s10 =	sld [smem:$0x3FB4]  }
0x3d: {  	_ =	shalt  }
0x3e: {  	_ =	shalt  }
0x3f: {  	_ =	shalt  }
0x40: {  	_ =	shalt  }
0x41: {  	_ =	shalt  }
0x42: {  	_ =	shalt  }
0x43: {  	_ =	shalt  }
0x44: {  	_ =	shalt  }
0x45: {  	_ =	shalt  }
0x46: {  	_ =	shalt  }
0x47: {  	_ =	shalt  }
0x48: {  	_ =	shalt  }
0x49: {  	_ =	shalt  }
0x4a: {  	_ =	shalt  }
0x4b: {  	_ =	shalt  }
0x4c: {  	_ =	shalt  }
0x4d: {  	_ =	shalt  }
0x4e: {  	_ =	shalt  }
0x4f: {  	_ =	shalt  }
0x50: {  	_ =	shalt  }
0x51: {  	_ =	shalt  }
0x52: {  	_ =	shalt  }
0x53: {  	_ =	shalt  }
0x54: {  	_ =	shalt  }
0x55: {  	_ =	shalt  }
0x56: {  	_ =	shalt  }
0x57: {  	_ =	shalt  }
0x58: {  	_ =	shalt  }
0x59: {  	_ =	shalt  }
0x5a: {  	_ =	shalt  }
0x5b: {  	_ =	shalt  }
0x5c: {  	_ =	shalt  }
0x5d: {  	_ =	shalt  }
0x5e: {  	_ =	shalt  }
0x5f: {  	_ =	shalt  }
0x60: {  	_ =	shalt  }
0x61: {  	_ =	shalt  }
0x62: {  	_ =	shalt  }
0x63: {  	_ =	shalt  }
0x64: {  	_ =	shalt  }
0x65: {  	_ =	shalt  }
0x66: {  	_ =	shalt  }
0x67: {  	_ =	shalt  }
0x68: {  	_ =	shalt  }
0x69: {  	_ =	shalt  }
0x6a: {  	_ =	shalt  }
0x6b: {  	_ =	shalt  }
0x6c: {  	_ =	shalt  }
0x6d: {  	_ =	shalt  }
0x6e: {  	_ =	shalt  }
0x6f: {  	_ =	shalt  }
0x70: {  	_ =	shalt  }
0x71: {  	_ =	shalt  }
0x72: {  	_ =	shalt  }
0x73: {  	_ =	shalt  }
0x74: {  	_ =	shalt  }
0x75: {  	_ =	shalt  }
0x76: {  	_ =	shalt  }
0x77: {  	_ =	shalt  }
0x78: {  	_ =	shalt  }
0x79: {  	_ =	shalt  }
0x7a: {  	_ =	shalt  }
0x7b: {  	_ =	shalt  }
0x7c: {  	_ =	shalt  }
0x7d: {  	_ =	shalt  }
0x7e: {  	_ =	shalt  }
0x7f: {  	_ =	shalt  }
0x80: {  	_ =	shalt  }
0x81: {  	_ =	shalt  }
0x82: {  	_ =	shalt  }
0x83: {  	_ =	shalt  }
0x84: {  	_ =	shalt  }
0x85: {  	_ =	shalt  }
0x86: {  	_ =	shalt  }
0x87: {  	_ =	shalt  }
.Lfunc_end0:
.L_simem_size_0:
called_computation.3_lowered:
.L_overlay_start_0:
0x88: {  	s2 =	sld [smem:$0x3FD9]  }
0x89: {  	s3 =	sld [smem:$0x3FFE];
	_ =	sdelay $0x1  }
0x8a: {  	s1 =	srdreg.scid  }
0x8b: {  	s0 =	sand.u32 $0x1, s1  }
0x8c: {  	s17 =	sshll.u32 s0, $0xA;
	s2 =	sadd.s32 s3, s2  }
0x8d: {  	s2 =	sadd.s32 s2, s17  }
0x8e: {  	[smem:$0x3FC0] =	sst s2  }
0x8f: {  	_ = 	snop  }
0x90: {  	(tm) =	ssettm $0x1  }
0x91: {  	s18 =	sld [smem:$0x3FFB];
	_ =	sdelay $0x3  }
0x92: {  	_ =	strace s18  }
0x93: {  	s2 =	sld [smem:$0x3FFC];
	_ =	sdelay $0x3  }
0x94: {  	_ =	strace s2  }
0x95: {  	s2 =	sld [smem:$0x3FFD];
	_ =	sdelay $0x3  }
0x96: {  	_ =	strace s2  }
0x97: {  	_ =	strace $0x8FFFFFFF  }
0x98: {  	s19 =	sld [smem:$0x3FDB];
	_ =	sdelay $0x1  }
0x99: {  	s20 =	simm.s32 $_scs_section_size  }
0x9a: {  	s4 =	simm.s32 $_size__tile_overlayer_lowered;
	s5 =	simm.s32 $_tile_overlayer_lowered  }
0x9b: {  	s6 =	simm.s32 $0x1BFF;
	s21 =	sshll.u32 s5, $0x1;
	s3 =	sadd.s32 s20, s19  }
0x9c: {  	s22 =	simm.s32 $0x0;
	s4 =	sshll.u32 s4, $0x1;
	s5 =	sadd.s32 s21, s3  }
0x9d: {  	[timem:s22], [sflag:s6] =	dma.local [hbm:s5], s4  }
0x9e: {  	_ =	swait.ge [sflag:s6], s4  }
0x9f: {  	s4 =	ssub.s32 $0x0, s4;
	[sflag:s6] =	ssyncset.done $0x0  }
0xa0: {  	[sflag:s6] =	ssyncadd.s32 s4;
	_ =	sdelay $0x1  }
0xa1: {  	s23 =	simm.s32 $0x1B8B  }
0xa2: {  	_ =	swait.ge [sflag:s23], $0x1  }
0xa3: {  	[sflag:s23] =	ssyncset.done $0x0  }
0xa4: {  	[sflag:s23] =	ssyncadd.s32 $0xFFFFFFFF  }
0xa5: {  	s4 =	sld [smem:$0x0]  }
0xa6: {  	s5 =	sand.u32 $0xFFFFFFFE, s1  }
0xa7: {  	p0 =	sne.s32 s1, s5  }
0xa8: {  	s5 =	sshll.u32 @p0 s5, $0xE  }
0xa9: {  	s5 =	sadd.s32 @p0 $0x11B8D, s5;
	s6 =	sshll.u32 @p0 s4, $0x11  }
0xaa: {  	s5 =	sor.u32 @p0 s6, s5  }
0xab: {  	[sflag:s5] =	ssyncadd.remote.s32 @p0 $0x1;
	_ =	sdelay $0x1  }
0xac: {  	s5 =	simm.s32 @p0 $0x1B8D  }
0xad: {  	_ =	swait.eq @p0 [sflag:s5], $0x1  }
0xae: {  	[sflag:s5] =	ssyncadd.s32 @p0 $0xFFFFFFFF  }
0xaf: {  	s6 =	sshll.u32 @!p0 s1, $0xE  }
0xb0: {  	s6 =	sor.u32 @!p0 $0x4000, s6;
	s5 =	simm.s32 @!p0 $0x1B8D  }
0xb1: {  	s4 =	sshll.u32 @!p0 s4, $0x11;
	s6 =	sadd.s32 @!p0 $0x11B8D, s6;
	_ =	swait.eq @!p0 [sflag:s5], $0x1  }
0xb2: {  	s4 =	sor.u32 @!p0 s4, s6;
	[sflag:s5] =	ssyncadd.s32 @!p0 $0xFFFFFFFF  }
0xb3: {  	s25 =	simm.s32 $0x1B8E;
	s24 =	sld [smem:$0x3FFE];
	[sflag:s4] =	ssyncadd.remote.s32 @!p0 $0x1  }
0xb4: {  	s26 =	simm.s32 $execute0_lowered;
	[smem:$0x3FD2] =	sst s25  }
0xb5: {  	s5 =	sshll.u32 s26, $0x1;
	_ =	strace $0x8000004F;
	[dreg:$0x1] =	wrdreg $0xFFFFFFFF  }
0xb6: {  	s28 =	simm.s32 $_size_execute0_lowered;
	s3 =	sadd.s32 s3, s5;
	[dreg:$0x0] =	wrdreg $0x0  }
0xb7: {  	s5 =	sshll.u32 s28, $0x1;
	[dreg:$0x2] =	wrdreg s3  }
0xb8: {  	[dreg:$0x3] =	wrdreg s5  }
0xb9: {  	[dreg:$0x4] =	wrdreg $0xC0  }
0xba: {  	_ =	task [dreg:s22], $0x5FFFF  }
0xbb: {  	[dreg:$0x1] =	wrdreg $0xFFFFFFFF  }
0xbc: {  	[dreg:$0x0] =	wrdreg $0x60  }
0xbd: {  	[dreg:$0x2] =	wrdreg s24  }
0xbe: {  	[dreg:$0x3] =	wrdreg $0xB5000  }
0xbf: {  	[dreg:$0x4] =	wrdreg $0xA  }
0xc0: {  	_ =	task.clear_ibuf [dreg:s22], $0x5FFFF;
	_ =	strace $0x9000004F  }
0xc1: {  	s29 =	simm.s32 $0xA;
	_ =	strace $0x80000051  }
0xc2: {  	_ =	swait.ge [sflag:s29], $0x1  }
0xc3: {  	[sflag:s29] =	ssyncadd.s32 $0xFFFFFFFF  }
0xc4: {  	_ =	strace $0x90000051  }
0xc5: {  	_ =	sfence  }
0xc6: {  	s30 =	sld [smem:$0x0];
	_ =	sdelay $0x2  }
0xc7: {  	s31 =	sshll.u32 s1, $0xD;
	s1 =	sshrl.u32 s1, $0x2  }
0xc8: {  	s4 =	sand.u32 $0x4000, s31;
	s1 =	sadd.s32 s1, s30  }
0xc9: {  	s0 =	sor.u32 s4, s0;
	s1 =	sshll.u32 s1, $0x11  }
0xca: {  	s0 =	sor.u32 s1, s0  }
0xcb: {  	s0 =	sadd.s32 $0x8F2B, s0  }
0xcc: {  	[sflag:s0] =	ssyncadd.remote.s32 $0x1  }
0xcd: {  	_ =	sfence.sel $0xFFFF  }
0xce: {  	[dreg:$0x0] =	wrdreg $0xFFFFFFFF;
	(pc) =	sbr.abs _section_cstart, $3  }
0xcf: {  	[dreg:$0x1] =	wrdreg $0xFFFFFFFF  }
0xd0: {  	_ =	task.clear_ibuf [dreg:s22], $0x2FFFF;
	_ =	strace $0x9FFFFFFF  }
0xd1: {  	(tm) =	ssettm $0x7FFFFFFF  }
tec
execute0_lowered:
.L_overlay_start_1:
0x0: {  	(tag) =	ssettag $0x1  }
0x1: {  	s0 =	rddreg [dreg:$0x0];
	s1 =	srdreg.scid  }
0x2: {  	s2 =	rddreg [dreg:$0x1];
	s24 =	stileid.u32;
	s3 =	simm.s32 $0x0  }
0x3: {  	s21 =	simm.s32 $0x2;
	s22 =	simm.s32 $0x80;
	s4 =	smul.u32 $0x4E20, s24  }
0x4: {  	s23 =	simm.s32 $0x100;
	s28 =	simm.s32 $0x0;
	s7 =	smul.u32 $0x4E200, s24  }
0x5: {  	s12 =	sand.u32 $0x1, s1;
	[smem:$0x7FF] =	sst s3;
	s8 =	smul.u32 $0x3E8, s24  }
0x6: {  	s25 =	sadd.s32 $0x3F400, s0;
	s9 =	smul.u32 $0x7D000, s24;
	p0 =	sgt.u32 s24, $0x9  }
0x7: {  	s24 =	simm.s32 $0x50;
	s6 =	smul.u32 $0x2710, s12;
	_ =	strace $0x80000050  }
0x8: {  	[dreg:$0x3] =	wrdreg s25;
	s26 =	ssub.s32 $0x2, s12;
	s18 =	smul.u32 $0x27100, s12  }
0x9: {  	s25 =	simm.s32 $0x2900;
	s17 =	sadd.s32 s7, s0;
	s29 =	sshrl.u32 s26, $0x1  }
0xa: {  	s9 =	sshrl.u32 s9, $0x2;
	s5 =	sadd.s32 s6, s4;
	s4 =	sadd.s32 $0x18200, s0  }
0xb: {  	s6 =	sadd.s32 s8, s6;
	s16 =	ssub.s32 s26, s29;
	s31 =	sadd.s32 s18, s17  }
0xc: {  	s26 =	simm.s32 $0x1;
	s5 =	sshrl.u32 s5, $0x3;
	s6 =	sshll.u32 s6, $0x4  }
0xd: {  	s16 =	smax.u32 s16, $0x1;
	s17 =	sadd.s32 $0x60D800, s31;
	s18 =	sadd.s32 $0x8F400, s31  }
0xe: {  	s20 =	sadd.s32 s5, s0;
	s0 =	sadd.s32 s6, s0;
	s6 =	sadd.s32 s9, s2  }
0xf: {  	s7 =	sadd.s32 $0x6400, s6;
	s8 =	sadd.s32 $0xC800, s6;
	s9 =	sadd.s32 $0x12C00, s6  }
0x10: {  	s10 =	sadd.s32 $0x19000, s6;
	s30 =	sadd.s32 $0x40A00, s0;
	s12 =	sadd.s32 $0x41680, s0  }
0x11: {  	s13 =	sadd.s32 $0x42300, s0;
	s14 =	sadd.s32 $0x42F80, s0;
	s15 =	sadd.s32 $0x43C00, s0  }
0x12: {  	s19 =	sadd.s32 $0x4600, s20;
	s20 =	sadd.s32 $0xE400, s20;
	[dreg:$0x4] =	wrdreg s30  }
.LBB2_1:
0x13: {  	s0 =	simm.s32 @!p0 $0x0;
	s29 =	simm.s32 @!p0 $0x5100;
	s1 =	rddreg [dreg:$0x3]  }
0x14: {  	[tilespmem:s29], [sflag:$0x2] =	stream.linear.gather @!p0 [hbm4b:s1+s0], $0x6400, $0x38;
	[tilespmem:$0x1ED80] =	vst v63  }
0x15: {  	s0 =	simm.s32 @!p0 $0x2  }
0x16: {  	_ =	swait.ge @!p0 [sflag:s0], $0x6400  }
0x17: {  	[sflag:s0] =	ssyncset.done @!p0 $0x0  }
0x18: {  	[sflag:s0] =	ssyncadd.s32 @!p0 $0xFFFF9C00  }
0x19: {  	[spmem:s6] =	stream.linear.scatter @!p0 [tilespmem:s29], [sflag:$0x2], $0x6400, $0x38;
	[tilespmem:$0x1ED80] =	vst v63  }
0x1a: {  	_ =	swait.ge @!p0 [sflag:s0], $0x6400  }
0x1b: {  	[sflag:s0] =	ssyncset.done @!p0 $0x0  }
0x1c: {  	[sflag:s0] =	ssyncadd.s32 @!p0 $0xFFFF9C00  }
0x1d: {  	[spmem:s7] =	stream.linear.scatter @!p0 [tilespmem:s29], [sflag:$0x2], $0x6400, $0x38;
	[tilespmem:$0x1ED80] =	vst v63  }
0x1e: {  	_ =	swait.ge @!p0 [sflag:s0], $0x6400  }
0x1f: {  	[sflag:s0] =	ssyncset.done @!p0 $0x0  }
0x20: {  	[sflag:s0] =	ssyncadd.s32 @!p0 $0xFFFF9C00  }
0x21: {  	[spmem:s8] =	stream.linear.scatter @!p0 [tilespmem:s29], [sflag:$0x2], $0x6400, $0x38;
	[tilespmem:$0x1ED80] =	vst v63  }
0x22: {  	_ =	swait.ge @!p0 [sflag:s0], $0x6400  }
0x23: {  	[sflag:s0] =	ssyncset.done @!p0 $0x0  }
0x24: {  	[sflag:s0] =	ssyncadd.s32 @!p0 $0xFFFF9C00  }
0x25: {  	[spmem:s9] =	stream.linear.scatter @!p0 [tilespmem:s29], [sflag:$0x2], $0x6400, $0x38;
	[tilespmem:$0x1ED80] =	vst v63  }
0x26: {  	_ =	swait.ge @!p0 [sflag:s0], $0x6400  }
0x27: {  	[sflag:s0] =	ssyncset.done @!p0 $0x0  }
0x28: {  	[sflag:s0] =	ssyncadd.s32 @!p0 $0xFFFF9C00  }
0x29: {  	[spmem:s10] =	stream.linear.scatter @!p0 [tilespmem:s29], [sflag:$0x2], $0x6400, $0x38;
	[tilespmem:$0x1ED80] =	vst v63  }
0x2a: {  	_ =	swait.ge @!p0 [sflag:s0], $0x6400  }
0x2b: {  	[sflag:s0] =	ssyncset.done @!p0 $0x0  }
0x2c: {  	[sflag:s0] =	ssyncadd.s32 @!p0 $0xFFFF9C00  }
0x2d: {  	s5 =	sadd.s32 $0x0, s20;
	[bflag:$0x0] =	sbarrier.arrive $0xFFFF  }
0x2e: {  	[tilespmem:s3], [sflag:$0x2] =	stream.linear.gather [hbm4b:s5+s3], $0x50, $0x38;
	[tilespmem:$0x1ED80] =	vst v63  }
0x2f: {  	_ =	swait.ge [sflag:s21], $0x50  }
0x30: {  	[sflag:s21] =	ssyncset.done $0x0  }
0x31: {  	s11 =	sadd.s32 $0x0, s19;
	[sflag:s21] =	ssyncadd.s32 $0xFFFFFFB0  }
0x32: {  	[tilespmem:s22], [sflag:$0x2] =	stream.linear.gather [hbm4b:s11+s3], $0x50, $0x38;
	[tilespmem:$0x1ED80] =	vst v63  }
0x33: {  	_ =	swait.ge [sflag:s21], $0x50  }
0x34: {  	[sflag:s21] =	ssyncset.done $0x0  }
0x35: {  	[sflag:s21] =	ssyncadd.s32 $0xFFFFFFB0  }
0x36: {  	[tilespmem:s23], [sflag:$0x2] =	stream.linear.gather [hbm4b:s17+s3], $0x2800, $0x38;
	[tilespmem:$0x1ED80] =	vst v63  }
0x37: {  	_ =	swait.ge [sflag:s21], $0x2800  }
0x38: {  	[sflag:s21] =	ssyncset.done $0x0  }
0x39: {  	[sflag:s21] =	ssyncadd.s32 $0xFFFFD800  }
0x3a: {  	[tilespmem:s25], [sflag:$0x1] =	stream.indirect.gather [hbm4b:s4+s24], $0x80, s3, s24, $0xb8;
	[tilespmem:$0x1ED80] =	vst v63  }
0x3b: {  	_ =	swait.ge [sflag:s26], $0x2800  }
0x3c: {  	[sflag:s26] =	ssyncset.done $0x0  }
0x3d: {  	[sflag:s26] =	ssyncadd.s32 $0xFFFFD800  }
0x3e: {  	[hbm4b:s18+s3] =	stream.linear.scatter [tilespmem:s25], [sflag:$0x2], $0x2800, $0x38;
	[tilespmem:$0x1ED80] =	vst v63  }
0x3f: {  	_ =	swait.ge [sflag:s21], $0x2800  }
0x40: {  	[sflag:s21] =	ssyncset.done $0x0  }
0x41: {  	[sflag:s21] =	ssyncadd.s32 $0xFFFFD800  }
0x42: {  	[spmem:s2] =	stream.indirect.scatter.add.f32 [tilespmem:s25], [sflag:$0x2], $0x80, s22, s24, $0xb8;
	[tilespmem:$0x1ED80] =	vst v63  }
0x43: {  	_ =	swait.ge [sflag:s21], $0x2800  }
0x44: {  	[sflag:s21] =	ssyncset.done $0x0  }
0x45: {  	[sflag:s21] =	ssyncadd.s32 $0xFFFFD800  }
0x46: {  	[spmem:s2] =	stream.indirect.scatter.add.f32 [tilespmem:s23], [sflag:$0x2], $0x80, s22, s24, $0xb8;
	[tilespmem:$0x1ED80] =	vst v63  }
0x47: {  	s31 =	simm.s32 $0xA;
	s30 =	sadd.s32 $0x500, s17;
	_ =	swait.ge [sflag:s21], $0x2800  }
0x48: {  	s29 =	sadd.s32 $0x500, s18;
	s0 =	simm.s32 $0x14;
	[sflag:s21] =	ssyncset.done $0x0  }
.LBB2_2:
0x49: {  	s1 =	sadd.s32 s31, s20  }
0x4a: {  	[sflag:s21] =	ssyncadd.s32 $0xFFFFD800;
	s5 =	smov.u32 s0;
	s11 =	sadd.s32 $0xA, s0  }
0x4b: {  	[tilespmem:s3], [sflag:$0x2] =	stream.linear.gather [hbm4b:s1+s3], $0x50, $0x38;
	[tilespmem:$0x1ED80] =	vst v63  }
0x4c: {  	p1 =	sne.s32 s0, $0x4D8;
	_ =	swait.ge [sflag:s21], $0x50  }
0x4d: {  	[sflag:s21] =	ssyncset.done $0x0  }
0x4e: {  	s0 =	sadd.s32 s31, s19;
	s31 =	smov.u32 s5;
	[sflag:s21] =	ssyncadd.s32 $0xFFFFFFB0  }
0x4f: {  	[tilespmem:s22], [sflag:$0x2] =	stream.linear.gather [hbm4b:s0+s3], $0x50, $0x38;
	[tilespmem:$0x1ED80] =	vst v63  }
0x50: {  	_ =	swait.ge [sflag:s21], $0x50  }
0x51: {  	[sflag:s21] =	ssyncset.done $0x0  }
0x52: {  	[sflag:s21] =	ssyncadd.s32 $0xFFFFFFB0  }
0x53: {  	[tilespmem:s23], [sflag:$0x2] =	stream.linear.gather [hbm4b:s30+s3], $0x2800, $0x38;
	[tilespmem:$0x1ED80] =	vst v63  }
0x54: {  	_ =	swait.ge [sflag:s21], $0x2800  }
0x55: {  	[sflag:s21] =	ssyncset.done $0x0  }
0x56: {  	[sflag:s21] =	ssyncadd.s32 $0xFFFFD800  }
0x57: {  	[tilespmem:s25], [sflag:$0x1] =	stream.indirect.gather [hbm4b:s4+s24], $0x80, s3, s24, $0xb8;
	[tilespmem:$0x1ED80] =	vst v63  }
0x58: {  	_ =	swait.ge [sflag:s26], $0x2800  }
0x59: {  	[sflag:s26] =	ssyncset.done $0x0  }
0x5a: {  	[sflag:s26] =	ssyncadd.s32 $0xFFFFD800  }
0x5b: {  	[hbm4b:s29+s3] =	stream.linear.scatter [tilespmem:s25], [sflag:$0x2], $0x2800, $0x38;
	[tilespmem:$0x1ED80] =	vst v63  }
0x5c: {  	_ =	swait.ge [sflag:s21], $0x2800  }
0x5d: {  	[sflag:s21] =	ssyncset.done $0x0  }
0x5e: {  	[sflag:s21] =	ssyncadd.s32 $0xFFFFD800  }
0x5f: {  	[spmem:s2] =	stream.indirect.scatter.add.f32 [tilespmem:s25], [sflag:$0x2], $0x80, s22, s24, $0xb8;
	[tilespmem:$0x1ED80] =	vst v63  }
0x60: {  	_ =	swait.ge [sflag:s21], $0x2800  }
.Ltmp0:
0x61: {  	[sflag:s21] =	ssyncset.done $0x0;
	(pc) =	sbr.rel @p1 .LBB2_2-.Ltmp0, $4  }
0x62: {  	[sflag:s21] =	ssyncadd.s32 $0xFFFFD800  }
0x63: {  	[spmem:s2] =	stream.indirect.scatter.add.f32 [tilespmem:s23], [sflag:$0x2], $0x80, s22, s24, $0xb8;
	[tilespmem:$0x1ED80] =	vst v63  }
0x64: {  	s0 =	smov.u32 s11;
	_ =	swait.ge [sflag:s21], $0x2800  }
0x65: {  	s30 =	sadd.s32 $0x500, s30;
	s29 =	sadd.s32 $0x500, s29;
	[sflag:s21] =	ssyncset.done $0x0  }
0x66: {  	s0 =	sadd.s32 s31, s20;
	[sflag:s21] =	ssyncadd.s32 $0xFFFFD800  }
0x67: {  	[tilespmem:s3], [sflag:$0x2] =	stream.linear.gather [hbm4b:s0+s3], $0x50, $0x38;
	[tilespmem:$0x1ED80] =	vst v63  }
0x68: {  	_ =	swait.ge [sflag:s21], $0x50  }
0x69: {  	[sflag:s21] =	ssyncset.done $0x0  }
0x6a: {  	s31 =	sadd.s32 s31, s19;
	[sflag:s21] =	ssyncadd.s32 $0xFFFFFFB0  }
0x6b: {  	[tilespmem:s22], [sflag:$0x2] =	stream.linear.gather [hbm4b:s31+s3], $0x50, $0x38;
	[tilespmem:$0x1ED80] =	vst v63  }
0x6c: {  	_ =	swait.ge [sflag:s21], $0x50  }
0x6d: {  	[sflag:s21] =	ssyncset.done $0x0  }
0x6e: {  	[sflag:s21] =	ssyncadd.s32 $0xFFFFFFB0  }
0x6f: {  	[tilespmem:s23], [sflag:$0x2] =	stream.linear.gather [hbm4b:s30+s3], $0x2800, $0x38;
	[tilespmem:$0x1ED80] =	vst v63  }
0x70: {  	_ =	swait.ge [sflag:s21], $0x2800  }
0x71: {  	[sflag:s21] =	ssyncset.done $0x0  }
0x72: {  	[sflag:s21] =	ssyncadd.s32 $0xFFFFD800  }
0x73: {  	[tilespmem:s25], [sflag:$0x1] =	stream.indirect.gather [hbm4b:s4+s24], $0x80, s3, s24, $0xb8;
	[tilespmem:$0x1ED80] =	vst v63  }
0x74: {  	_ =	swait.ge [sflag:s26], $0x2800  }
0x75: {  	[sflag:s26] =	ssyncset.done $0x0  }
0x76: {  	[sflag:s26] =	ssyncadd.s32 $0xFFFFD800  }
0x77: {  	[hbm4b:s29+s3] =	stream.linear.scatter [tilespmem:s25], [sflag:$0x2], $0x2800, $0x38;
	[tilespmem:$0x1ED80] =	vst v63  }
0x78: {  	_ =	swait.ge [sflag:s21], $0x2800  }
0x79: {  	[sflag:s21] =	ssyncset.done $0x0  }
0x7a: {  	[sflag:s21] =	ssyncadd.s32 $0xFFFFD800  }
0x7b: {  	[spmem:s2] =	stream.indirect.scatter.add.f32 [tilespmem:s25], [sflag:$0x2], $0x80, s22, s24, $0xb8;
	[tilespmem:$0x1ED80] =	vst v63  }
0x7c: {  	_ =	swait.ge [sflag:s21], $0x2800  }
0x7d: {  	[sflag:s21] =	ssyncset.done $0x0  }
0x7e: {  	[sflag:s21] =	ssyncadd.s32 $0xFFFFD800  }
0x7f: {  	[spmem:s2] =	stream.indirect.scatter.add.f32 [tilespmem:s23], [sflag:$0x2], $0x80, s22, s24, $0xb8;
	[tilespmem:$0x1ED80] =	vst v63  }
0x80: {  	_ =	swait.ge [sflag:s21], $0x2800  }
0x81: {  	[sflag:s21] =	ssyncset.done $0x0  }
0x82: {  	[sflag:s21] =	ssyncadd.s32 $0xFFFFD800  }
0x83: {  	s1 =	simm.s32 @!p0 $0x2;
	s0 =	simm.s32 @!p0 $0x5100;
	[bflag:$0x0] =	sbarrier.arrive $0xFFFF  }
0x84: {  	[tilespmem:s0], [sflag:$0x2] =	stream.linear.gather @!p0 [spmem:s6], $0x6400, $0x38;
	[tilespmem:$0x1ED80] =	vst v63  }
0x85: {  	_ =	swait.ge @!p0 [sflag:s1], $0x6400  }
0x86: {  	[sflag:s1] =	ssyncset.done @!p0 $0x0  }
0x87: {  	s5 =	simm.s32 @!p0 $0x0;
	s11 =	rddreg [dreg:$0x4];
	[sflag:s1] =	ssyncadd.s32 @!p0 $0xFFFF9C00  }
0x88: {  	[hbm4b:s11+s5] =	stream.linear.scatter @!p0 [tilespmem:s0], [sflag:$0x2], $0x6400, $0x38;
	[tilespmem:$0x1ED80] =	vst v63  }
0x89: {  	_ =	swait.ge @!p0 [sflag:s1], $0x6400  }
0x8a: {  	[sflag:s1] =	ssyncset.done @!p0 $0x0  }
0x8b: {  	[sflag:s1] =	ssyncadd.s32 @!p0 $0xFFFF9C00  }
0x8c: {  	[tilespmem:s0], [sflag:$0x2] =	stream.linear.gather @!p0 [spmem:s7], $0x6400, $0x38;
	[tilespmem:$0x1ED80] =	vst v63  }
0x8d: {  	_ =	swait.ge @!p0 [sflag:s1], $0x6400  }
0x8e: {  	[sflag:s1] =	ssyncset.done @!p0 $0x0  }
0x8f: {  	[sflag:s1] =	ssyncadd.s32 @!p0 $0xFFFF9C00  }
0x90: {  	[hbm4b:s12+s5] =	stream.linear.scatter @!p0 [tilespmem:s0], [sflag:$0x2], $0x6400, $0x38;
	[tilespmem:$0x1ED80] =	vst v63  }
0x91: {  	_ =	swait.ge @!p0 [sflag:s1], $0x6400  }
0x92: {  	[sflag:s1] =	ssyncset.done @!p0 $0x0  }
0x93: {  	[sflag:s1] =	ssyncadd.s32 @!p0 $0xFFFF9C00  }
0x94: {  	[tilespmem:s0], [sflag:$0x2] =	stream.linear.gather @!p0 [spmem:s8], $0x6400, $0x38;
	[tilespmem:$0x1ED80] =	vst v63  }
0x95: {  	_ =	swait.ge @!p0 [sflag:s1], $0x6400  }
0x96: {  	[sflag:s1] =	ssyncset.done @!p0 $0x0  }
0x97: {  	[sflag:s1] =	ssyncadd.s32 @!p0 $0xFFFF9C00  }
0x98: {  	[hbm4b:s13+s5] =	stream.linear.scatter @!p0 [tilespmem:s0], [sflag:$0x2], $0x6400, $0x38;
	[tilespmem:$0x1ED80] =	vst v63  }
0x99: {  	_ =	swait.ge @!p0 [sflag:s1], $0x6400  }
0x9a: {  	[sflag:s1] =	ssyncset.done @!p0 $0x0  }
0x9b: {  	[sflag:s1] =	ssyncadd.s32 @!p0 $0xFFFF9C00  }
0x9c: {  	[tilespmem:s0], [sflag:$0x2] =	stream.linear.gather @!p0 [spmem:s9], $0x6400, $0x38;
	[tilespmem:$0x1ED80] =	vst v63  }
0x9d: {  	_ =	swait.ge @!p0 [sflag:s1], $0x6400  }
0x9e: {  	[sflag:s1] =	ssyncset.done @!p0 $0x0  }
0x9f: {  	[sflag:s1] =	ssyncadd.s32 @!p0 $0xFFFF9C00  }
0xa0: {  	[hbm4b:s14+s5] =	stream.linear.scatter @!p0 [tilespmem:s0], [sflag:$0x2], $0x6400, $0x38;
	[tilespmem:$0x1ED80] =	vst v63  }
0xa1: {  	_ =	swait.ge @!p0 [sflag:s1], $0x6400  }
0xa2: {  	[sflag:s1] =	ssyncset.done @!p0 $0x0  }
0xa3: {  	[sflag:s1] =	ssyncadd.s32 @!p0 $0xFFFF9C00  }
0xa4: {  	[tilespmem:s0], [sflag:$0x2] =	stream.linear.gather @!p0 [spmem:s10], $0x6400, $0x38;
	[tilespmem:$0x1ED80] =	vst v63  }
0xa5: {  	s28 =	sadd.s32 $0x1, s28;
	_ =	swait.ge @!p0 [sflag:s1], $0x6400  }
0xa6: {  	p1 =	sne.s32 s28, s16;
	[sflag:s1] =	ssyncset.done @!p0 $0x0  }
.Ltmp1:
0xa7: {  	[sflag:s1] =	ssyncadd.s32 @!p0 $0xFFFF9C00;
	(pc) =	sbr.rel @p1 .LBB2_1-.Ltmp1, $4  }
0xa8: {  	[hbm4b:s15+s5] =	stream.linear.scatter @!p0 [tilespmem:s0], [sflag:$0x2], $0x6400, $0x38;
	[tilespmem:$0x1ED80] =	vst v63  }
0xa9: {  	_ =	swait.ge @!p0 [sflag:s1], $0x6400  }
0xaa: {  	[sflag:s1] =	ssyncset.done @!p0 $0x0  }
0xab: {  	[sflag:s1] =	ssyncadd.s32 @!p0 $0xFFFF9C00  }
0xac: {  	_ =	sfence.sel $0x180000  }
0xad: {  	[bflag:$0x0] =	sbarrier.arrive $0xFFFF  }
0xae: {  	_ =	strace $0x90000050  }
0xaf: {  	s0 =	stileid.u32;
	[bflag:$0x2] =	sbarrier.arrive $0xFFFF  }
0xb0: {  	p0 =	sne.s32 s0, $0x0;
	s0 =	rddreg [dreg:$0x2]  }
0xb1: {  	s0 =	sadd.s32 @!p0 $0x100000, s0  }
0xb2: {  	[sflag:s0] =	ssyncadd.tile.s32 @!p0 $0x1;
	_ =	shalt  }
.Lfunc_end2:
_tile_overlayer_lowered:
.L_overlay_start_2:
0xb3: {  	(tag) =	ssettag $0x2  }
0xb4: {  	s0 =	rddreg [dreg:$0x0];
	s2 =	stileid.u32  }
0xb5: {  	s1 =	rddreg [dreg:$0x1];
	p0 =	sne.s32 s2, $0x0  }
0xb6: {  	s3 =	rddreg [dreg:$0x2];
	[bflag:$0x3] =	sbarrier.arrive $0xFFFF;
	s2 =	simm.s32 @!p0 $0x1C02  }
0xb7: {  	[timem:s3], [sflag:s2] =	dma.local @!p0 [hbm:s0], s1  }
0xb8: {  	s0 =	simm.s32 @!p0 $0x2  }
0xb9: {  	_ =	swait.ge @!p0 [sflag:s0], s1  }
0xba: {  	s1 =	ssub.s32 @!p0 $0x0, s1;
	[sflag:s0] =	ssyncset.done @!p0 $0x0  }
0xbb: {  	[sflag:s0] =	ssyncadd.s32 @!p0 s1  }
0xbc: {  	[bflag:$0x3] =	sbarrier.arrive $0xFFFF  }
0xbd: {  	_ =	shalt  }

</sc_bundles>
